<compile_context>
chip_gen: v7x
topology: tpu7x:2x2x1
jax: 0.10.2.dev20260603
libtpu: 0.0.44.dev20260713+nightly
codegen_flags: <defaults>
</compile_context>

<pallas_src>
import functools

import jax
import jax.numpy as jnp
from jax import lax
from jax.experimental import pallas as pl
from jax.experimental.pallas import tpu as pltpu
from jax.experimental.pallas import tpu_sc as plsc

B = 4096
F = 26
VOCAB = 1000000
WIDE_DIM = 10
DEEP_DIM = 16

NC = 2
NS = 16
NW = NC * NS

NI = B * F
CHUNK = 128
ROWS_PER_TILE = NI // NW
CHUNKS_PER_TILE = ROWS_PER_TILE // CHUNK

D_IN = F * DEEP_DIM

LB = 65536
NTB = -(-VOCAB // LB)
PR = LB * DEEP_DIM // 128


def _repack(m):
    return m.reshape(DEEP_DIM, 8, PR).swapaxes(0, 1).reshape(128, PR).T


RSR = LB // 128


def _tr_kernel(wT_ref, dT_ref, wout_ref, dout_ref):
    dout_ref[...] = _repack(dT_ref[...])
    wout_ref[...] = jnp.sum(wT_ref[...], axis=0).reshape(RSR, 128)


def _tc_detranspose(wide_t, deep_t):
    return pl.pallas_call(
        _tr_kernel,
        grid=(NTB,),
        in_specs=[
            pl.BlockSpec((WIDE_DIM, LB), lambda i: (0, i)),
            pl.BlockSpec((DEEP_DIM, LB), lambda i: (0, i)),
        ],
        out_specs=[
            pl.BlockSpec((RSR, 128), lambda i: (i, 0)),
            pl.BlockSpec((PR, 128), lambda i: (i, 0)),
        ],
        out_shape=[
            jax.ShapeDtypeStruct((NTB * RSR, 128), jnp.float32),
            jax.ShapeDtypeStruct((NTB * PR, 128), jnp.float32),
        ],
    )(wide_t, deep_t)


def _gather_kernel(idx_hbm, deep_hbm, wide_hbm, deep_out, wide_out,
                   idx_v, g_v, w_v, bufd, bufw, sem_i, sem_d, sem_w):
    wid = lax.axis_index("s") * NC + lax.axis_index("c")
    pltpu.async_copy(idx_hbm.at[wid], idx_v, sem_i).wait()

    @pl.loop(0, CHUNKS_PER_TILE)
    def _(j):
        @pl.loop(0, CHUNK // 16)
        def _(k):
            sl = pl.ds(k * 16, 16)
            v = idx_v[j, sl]
            g_v[j, sl] = ((v & -LB) + lax.shift_left((v & (PR - 1)), 3)
                          + (lax.shift_right_logical(v, PR.bit_length() - 1)
                             & 7))
            w_v[j, sl] = lax.shift_right_logical(v, 4)

    hs = []
    for j in range(CHUNKS_PER_TILE):
        hs.append(pltpu.async_copy(
            deep_hbm.at[g_v.at[j]], bufd.at[pl.ds(j * CHUNK, CHUNK)],
            sem_d))
        hs.append(pltpu.async_copy(
            wide_hbm.at[w_v.at[j]], bufw.at[pl.ds(j * CHUNK, CHUNK)],
            sem_w))
    for h in hs:
        h.wait()
    base = wid * ROWS_PER_TILE
    pltpu.async_copy(bufd, deep_out.at[pl.ds(base, ROWS_PER_TILE)],
                     sem_d).wait()
    pltpu.async_copy(bufw, wide_out.at[pl.ds(base, ROWS_PER_TILE)],
                     sem_w).wait()


def _sc_gather(x_flat3d, deep_table, wide_table):
    mesh = plsc.VectorSubcoreMesh(core_axis_name="c", subcore_axis_name="s",
                                  num_cores=NC, num_subcores=NS)
    kern = pl.kernel(
        _gather_kernel,
        out_type=[
            jax.ShapeDtypeStruct((NI, DEEP_DIM), jnp.float32),
            jax.ShapeDtypeStruct((NI, DEEP_DIM), jnp.float32),
        ],
        mesh=mesh,
        scratch_types=[
            pltpu.VMEM((CHUNKS_PER_TILE, CHUNK), jnp.int32),
            pltpu.VMEM((CHUNKS_PER_TILE, CHUNK), jnp.int32),
            pltpu.VMEM((CHUNKS_PER_TILE, CHUNK), jnp.int32),
            pltpu.VMEM((ROWS_PER_TILE, DEEP_DIM), jnp.float32),
            pltpu.VMEM((ROWS_PER_TILE, DEEP_DIM), jnp.float32),
            pltpu.SemaphoreType.DMA,
            pltpu.SemaphoreType.DMA,
            pltpu.SemaphoreType.DMA,
        ],
        compiler_params=pltpu.CompilerParams(use_tc_tiling_on_sc=False),
    )
    return kern(x_flat3d, deep_table, wide_table)


def _mlp_kernel(x_ref, deep_ref, wide_ref, g_ref, b_ref, w1_ref, b1_ref,
                w2_ref, b2_ref, w3_ref, b3_ref, w4_ref, b4_ref, out_ref):
    dot = functools.partial(lax.dot_general,
                            dimension_numbers=(((1,), (0,)), ((), ())),
                            preferred_element_type=jnp.float32)
    d = deep_ref[...]
    mu = jnp.mean(d, axis=-1, keepdims=True)
    c = d - mu
    var = jnp.mean(c * c, axis=-1, keepdims=True)
    h = c * lax.rsqrt(var + 1e-5) * g_ref[...] + b_ref[...]
    h = jnp.maximum(dot(h, w1_ref[...]) + b1_ref[...], 0.0)
    h = jnp.maximum(dot(h, w2_ref[...]) + b2_ref[...], 0.0)
    h = jnp.maximum(dot(h, w3_ref[...]) + b3_ref[...], 0.0)
    dnn = dot(h, w4_ref[...]) + b4_ref[...]
    s26 = (x_ref[...] & (DEEP_DIM - 1)).astype(jnp.float32)
    fc = lax.broadcasted_iota(jnp.int32, (F, D_IN), 1) // DEEP_DIM
    fr = lax.broadcasted_iota(jnp.int32, (F, D_IN), 0)
    expand = (fc == fr).astype(jnp.float32)
    s416 = dot(s26, expand)
    lane16 = (lax.broadcasted_iota(jnp.int32, (1, D_IN), 1)
              % DEEP_DIM).astype(jnp.float32)
    wide = jnp.sum(jnp.where(lane16 == s416, wide_ref[...], 0.0),
                   axis=-1, keepdims=True)
    out_ref[...] = jax.nn.sigmoid(dnn + wide)


def _tc_mlp(x, deep_g, wide_g, ln_g, ln_b, W1, b1, W2, b2, W3, b3, W4, b4):
    bb = 1024
    grid = (B // bb,)

    def full(shape):
        return pl.BlockSpec(shape, lambda i: (0,) * len(shape))

    return pl.pallas_call(
        _mlp_kernel,
        grid=grid,
        in_specs=[
            pl.BlockSpec((bb, F), lambda i: (i, 0)),
            pl.BlockSpec((bb, D_IN), lambda i: (i, 0)),
            pl.BlockSpec((bb, D_IN), lambda i: (i, 0)),
            full((1, D_IN)),
            full((1, D_IN)),
            full(W1.shape),
            full((1, W1.shape[1])),
            full(W2.shape),
            full((1, W2.shape[1])),
            full(W3.shape),
            full((1, W3.shape[1])),
            full(W4.shape),
            full((1, W4.shape[1])),
        ],
        out_specs=pl.BlockSpec((bb, 1), lambda i: (i, 0)),
        out_shape=jax.ShapeDtypeStruct((B, 1), jnp.float32),
    )(x, deep_g, wide_g, ln_g.reshape(1, -1), ln_b.reshape(1, -1),
      W1, b1.reshape(1, -1), W2, b2.reshape(1, -1),
      W3, b3.reshape(1, -1), W4, b4.reshape(1, -1))


@jax.jit
def kernel(x, wide_table, deep_table, ln_g, ln_b, W1, b1, W2, b2, W3, b3,
           W4, b4):
    x_flat3d = x.reshape(NW, CHUNKS_PER_TILE, CHUNK)
    wide_rm, deep_rm = _tc_detranspose(wide_table.T, deep_table.T)
    deep_g, wide_g = _sc_gather(x_flat3d,
                                deep_rm.reshape(-1, DEEP_DIM),
                                wide_rm.reshape(-1, DEEP_DIM))
    deep_g = deep_g.reshape(B, D_IN)
    wide_g = wide_g.reshape(B, D_IN)
    return _tc_mlp(x, deep_g, wide_g, ln_g, ln_b, W1, b1, W2, b2, W3, b3,
                   W4, b4)

# --- scband reference (transcript-rebuilt; emitter-appended) ---
"""Pipeline reference for scband-wide-deep2-28535762714771 (READ-ONLY COPY).

The authoritative reference and input builder live on the scoring server;
editing this copy changes nothing except your own understanding.
"""

import jax, jax.numpy as jnp
import numpy as np

B = 4096
F = 26
VOCAB = 1000000
WIDE_DIM = 10
DEEP_DIM = 16
HIDDEN = [512, 256, 128]


def setup_inputs(seed: int = 0) -> dict:
    key = jax.random.key(seed)
    ks = jax.random.split(key, 16)
    x = jax.random.randint(ks[0], (B, F), 0, VOCAB, dtype=jnp.int64 if jax.config.jax_enable_x64 else jnp.int32).astype(jnp.int32)
    wide_table = jax.random.normal(ks[1], (VOCAB, WIDE_DIM), dtype=jnp.float32) * 0.1
    deep_table = jax.random.normal(ks[2], (VOCAB, DEEP_DIM), dtype=jnp.float32) * 0.1
    d_in = F * DEEP_DIM
    ln_g = jnp.ones((d_in,), dtype=jnp.float32)
    ln_b = jnp.zeros((d_in,), dtype=jnp.float32)
    dims = [d_in] + HIDDEN + [1]
    params = {}
    for i in range(len(dims) - 1):
        params[f"W{i+1}"] = jax.random.normal(ks[3 + i], (dims[i], dims[i + 1]), dtype=jnp.float32) * (1.0 / np.sqrt(dims[i]))
        params[f"b{i+1}"] = jnp.zeros((dims[i + 1],), dtype=jnp.float32)
    out = {"x": x, "wide_table": wide_table, "deep_table": deep_table, "ln_g": ln_g, "ln_b": ln_b}
    out.update(params)
    return out


def _layernorm(h, g, b):
    mu = jnp.mean(h, axis=-1, keepdims=True)
    var = jnp.var(h, axis=-1, keepdims=True)
    return (h - mu) / jnp.sqrt(var + 1e-5) * g + b


def reference(x, wide_table, deep_table, ln_g, ln_b, W1, b1, W2, b2, W3, b3, W4, b4):
    # EmbeddingSumConcat (wide): lookup per field, concat -> [B, F*WIDE_DIM]
    wide_emb = jnp.take(wide_table, x, axis=0).reshape(B, F * WIDE_DIM)
    wide_out = jnp.sum(wide_emb, axis=1, keepdims=True)
    # EmbeddingSumConcat (deep): lookup per field, concat -> [B, F*DEEP_DIM]
    deep_emb = jnp.take(deep_table, x, axis=0).reshape(B, F * DEEP_DIM)
    # MLPLayer with input_norm=True
    h = _layernorm(deep_emb, ln_g, ln_b)
    h = jax.nn.relu(h @ W1 + b1)
    h = jax.nn.relu(h @ W2 + b2)
    h = jax.nn.relu(h @ W3 + b3)
    dnn_out = h @ W4 + b4
    final_out = wide_out + dnn_out
    return jax.nn.sigmoid(final_out)

if __name__ == "__main__":
    import jax
    _d = setup_inputs()
    print(jax.jit(kernel)(*tuple(_d.values())))

</pallas_src>

<mosaic_0001>
#map = affine_map<(d0, d1) -> (0, 0, 0)>
#map1 = affine_map<(d0, d1) -> (0, 0)>
module attributes {stable_mosaic.version = 14 : i64} {
  func.func @_gather_kernel(%arg0: i32, %arg1: i32, %arg2: memref<32x26x128xi32, #tpu.memory_space<hbm>>, %arg3: memref<1048576x16xf32, #tpu.memory_space<hbm>>, %arg4: memref<65536x16xf32, #tpu.memory_space<hbm>>, %arg5: memref<106496x16xf32, #tpu.memory_space<hbm>>, %arg6: memref<106496x16xf32, #tpu.memory_space<hbm>>, %arg7: memref<26x128xi32, #tpu.memory_space<vmem>>, %arg8: memref<26x128xi32, #tpu.memory_space<vmem>>, %arg9: memref<26x128xi32, #tpu.memory_space<vmem>>, %arg10: memref<3328x16xf32, #tpu.memory_space<vmem>>, %arg11: memref<3328x16xf32, #tpu.memory_space<vmem>>, %arg12: memref<!tpu.dma_semaphore, #tpu.memory_space<semaphore_mem>>, %arg13: memref<!tpu.dma_semaphore, #tpu.memory_space<semaphore_mem>>, %arg14: memref<!tpu.dma_semaphore, #tpu.memory_space<semaphore_mem>>) attributes {dimension_semantics = [#tpu.dimension_semantics<core_parallel>, #tpu.dimension_semantics<subcore_parallel>], iteration_bounds = array<i64: 2, 16>, scalar_prefetch = 0 : i64, scratch_operands = 8 : i64, tpu.core_type = #tpu.core_type<sc_vector_subcore>, window_params = [{transform_indices = #map}, {transform_indices = #map1}, {transform_indices = #map1}, {transform_indices = #map1}, {transform_indices = #map1}]} {
    %mul3A = arith.constant 2 : i32
    %mul3A_0 = arith.muli %arg1, %mul3A : i32
    %add3A = arith.addi %mul3A_0, %arg0 : i32
    %dma_start3A = arith.constant 0 : i32
    %dma_start3A_1 = arith.constant 0 : i32
    %dma_start3A_2 = tpu.memref_slice %arg2[%add3A, %dma_start3A, %dma_start3A_1] : memref<32x26x128xi32, #tpu.memory_space<hbm>> -> memref<1x26x128xi32, #tpu.memory_space<hbm>>
    %dma_start3A_3 = tpu.memref_squeeze %dma_start3A_2 : memref<1x26x128xi32, #tpu.memory_space<hbm>> -> memref<26x128xi32, #tpu.memory_space<hbm>>
    %dma_start3A_4 = arith.constant 0 : i32
    %dma_start3A_5 = arith.constant 0 : i32
    %dma_start3A_6 = tpu.memref_slice %arg2[%add3A, %dma_start3A_4, %dma_start3A_5] : memref<32x26x128xi32, #tpu.memory_space<hbm>> -> memref<1x26x128xi32, #tpu.memory_space<hbm>>
    %dma_start3A_7 = tpu.memref_squeeze %dma_start3A_6 : memref<1x26x128xi32, #tpu.memory_space<hbm>> -> memref<26x128xi32, #tpu.memory_space<hbm>>
    tpu.enqueue_dma source(%dma_start3A_7 : memref<26x128xi32, #tpu.memory_space<hbm>>) target(%arg7 : memref<26x128xi32, #tpu.memory_space<vmem>>) target_semaphore(%arg12 : memref<!tpu.dma_semaphore, #tpu.memory_space<semaphore_mem>>)
    %dma_wait3A = arith.constant 0 : i32
    %dma_wait3A_8 = arith.constant 0 : i32
    %dma_wait3A_9 = tpu.memref_slice %arg2[%add3A, %dma_wait3A, %dma_wait3A_8] : memref<32x26x128xi32, #tpu.memory_space<hbm>> -> memref<1x26x128xi32, #tpu.memory_space<hbm>>
    %dma_wait3A_10 = tpu.memref_squeeze %dma_wait3A_9 : memref<1x26x128xi32, #tpu.memory_space<hbm>> -> memref<26x128xi32, #tpu.memory_space<hbm>>
    %dma_wait3A_11 = arith.constant 0 : i32
    %dma_wait3A_12 = arith.constant 0 : i32
    %dma_wait3A_13 = tpu.memref_slice %arg2[%add3A, %dma_wait3A_11, %dma_wait3A_12] : memref<32x26x128xi32, #tpu.memory_space<hbm>> -> memref<1x26x128xi32, #tpu.memory_space<hbm>>
    %dma_wait3A_14 = tpu.memref_squeeze %dma_wait3A_13 : memref<1x26x128xi32, #tpu.memory_space<hbm>> -> memref<26x128xi32, #tpu.memory_space<hbm>>
    tpu.wait_dma2 semaphore(%arg12 : memref<!tpu.dma_semaphore, #tpu.memory_space<semaphore_mem>>) src(%dma_wait3A_14 : memref<26x128xi32, #tpu.memory_space<hbm>>) dst(%arg7 : memref<26x128xi32, #tpu.memory_space<vmem>>)
    %scan3A = arith.constant 0 : i32
    %scan3A_15 = arith.constant 26 : i32
    %scan3A_16 = arith.addi %scan3A, %scan3A_15 : i32
    %scan3A_17 = arith.constant 1 : i32
    scf.for %scan3A_1077 = %scan3A to %scan3A_16 step %scan3A_17  : i32 {
      %mul3A_1078 = arith.constant 1 : i32
      %mul3A_1079 = arith.muli %scan3A_1077, %mul3A_1078 : i32
      %add3A_1080 = arith.constant 0 : i32
      %add3A_1081 = arith.addi %add3A_1080, %mul3A_1079 : i32
      %scan3A_1082 = arith.constant 0 : i32
      %scan3A_1083 = arith.constant 8 : i32
      %scan3A_1084 = arith.addi %scan3A_1082, %scan3A_1083 : i32
      %scan3A_1085 = arith.constant 1 : i32
      scf.for %scan3A_1087 = %scan3A_1082 to %scan3A_1084 step %scan3A_1085  : i32 {
        %mul3A_1088 = arith.constant 1 : i32
        %mul3A_1089 = arith.muli %scan3A_1087, %mul3A_1088 : i32
        %add3A_1090 = arith.constant 0 : i32
        %add3A_1091 = arith.addi %add3A_1090, %mul3A_1089 : i32
        %mul3A_1092 = arith.constant 16 : i32
        %mul3A_1093 = arith.muli %add3A_1091, %mul3A_1092 : i32
        %get3A = arith.index_cast %add3A_1081 : i32 to index
        %get3A_1094 = arith.index_cast %mul3A_1093 : i32 to index
        %get3A_1095 = tpu.vector_load %arg7[%get3A, %get3A_1094] {strides = array<i32>} : memref<26x128xi32, #tpu.memory_space<vmem>>, vector<1x16xi32>,
        %get3A_1096 = vector.shape_cast %get3A_1095 : vector<1x16xi32> to vector<16xi32>
        %and3A = arith.constant -65536 : i32
        %and3A_1097 = vector.broadcast %and3A : i32 to vector<16xi32>
        %and3A_1098 = arith.andi %get3A_1096, %and3A_1097 : vector<16xi32>
        %and3A_1099 = arith.constant 8191 : i32
        %and3A_1100 = vector.broadcast %and3A_1099 : i32 to vector<16xi32>
        %and3A_1101 = arith.andi %get3A_1096, %and3A_1100 : vector<16xi32>
        %shift_left3A = arith.constant 3 : i32
        %shift_left3A_1102 = vector.broadcast %shift_left3A : i32 to vector<16xi32>
        %shift_left3A_1103 = arith.shli %and3A_1101, %shift_left3A_1102 : vector<16xi32>
        %add3A_1104 = arith.addi %and3A_1098, %shift_left3A_1103 : vector<16xi32>
        %shift_right_logical3A = arith.constant 13 : i32
        %shift_right_logical3A_1105 = vector.broadcast %shift_right_logical3A : i32 to vector<16xi32>
        %shift_right_logical3A_1106 = arith.shrui %get3A_1096, %shift_right_logical3A_1105 : vector<16xi32>
        %and3A_1107 = arith.constant 7 : i32
        %and3A_1108 = vector.broadcast %and3A_1107 : i32 to vector<16xi32>
        %and3A_1109 = arith.andi %shift_right_logical3A_1106, %and3A_1108 : vector<16xi32>
        %add3A_1110 = arith.addi %add3A_1104, %and3A_1109 : vector<16xi32>
        %swap3A = arith.index_cast %add3A_1081 : i32 to index
        %swap3A_1111 = arith.index_cast %mul3A_1093 : i32 to index
        %swap3A_1112 = tpu.vector_load %arg8[%swap3A, %swap3A_1111] {strides = array<i32>} : memref<26x128xi32, #tpu.memory_space<vmem>>, vector<1x16xi32>,
        %swap3A_1113 = vector.shape_cast %swap3A_1112 : vector<1x16xi32> to vector<16xi32>
        %swap3A_1114 = vector.shape_cast %add3A_1110 : vector<16xi32> to vector<1x16xi32>
        tpu.vector_store %arg8[%swap3A, %swap3A_1111], %swap3A_1114 {strides = array<i32>} : memref<26x128xi32, #tpu.memory_space<vmem>>, vector<1x16xi32>,
        %shift_right_logical3A_1115 = arith.constant 4 : i32
        %shift_right_logical3A_1116 = vector.broadcast %shift_right_logical3A_1115 : i32 to vector<16xi32>
        %shift_right_logical3A_1117 = arith.shrui %get3A_1096, %shift_right_logical3A_1116 : vector<16xi32>
        %swap3A_1118 = arith.index_cast %add3A_1081 : i32 to index
        %swap3A_1119 = arith.index_cast %mul3A_1093 : i32 to index
        %swap3A_1120 = tpu.vector_load %arg9[%swap3A_1118, %swap3A_1119] {strides = array<i32>} : memref<26x128xi32, #tpu.memory_space<vmem>>, vector<1x16xi32>,
        %swap3A_1121 = vector.shape_cast %swap3A_1120 : vector<1x16xi32> to vector<16xi32>
        %swap3A_1122 = vector.shape_cast %shift_right_logical3A_1117 : vector<16xi32> to vector<1x16xi32>
        tpu.vector_store %arg9[%swap3A_1118, %swap3A_1119], %swap3A_1122 {strides = array<i32>} : memref<26x128xi32, #tpu.memory_space<vmem>>, vector<1x16xi32>,
      }
      %scan3A_1086 = arith.constant 8 : i32
    }
    %scan3A_18 = arith.constant 26 : i32
    %dma_start3A_19 = arith.constant 0 : i32
    %dma_start3A_20 = arith.constant 0 : i32
    %dma_start3A_21 = arith.constant 0 : i32
    %dma_start3A_22 = tpu.memref_slice %arg10[%dma_start3A_20, %dma_start3A_21] : memref<3328x16xf32, #tpu.memory_space<vmem>> -> memref<128x16xf32, #tpu.memory_space<vmem>>
    %dma_start3A_23 = arith.constant 0 : i32
    %dma_start3A_24 = tpu.memref_slice %arg8[%dma_start3A_19, %dma_start3A_23] : memref<26x128xi32, #tpu.memory_space<vmem>> -> memref<1x128xi32, #tpu.memory_space<vmem>>
    %dma_start3A_25 = tpu.memref_squeeze %dma_start3A_24 : memref<1x128xi32, #tpu.memory_space<vmem>> -> memref<128xi32, #tpu.memory_space<vmem>>
    %dma_start3A_26 = arith.constant 0 : i32
    %dma_start3A_27 = arith.constant 0 : i32
    %dma_start3A_28 = tpu.memref_slice %arg3[%dma_start3A_26, %dma_start3A_27] : memref<1048576x16xf32, #tpu.memory_space<hbm>> -> memref<1048576x16xf32, #tpu.memory_space<hbm>>
    tpu.enqueue_indirect_dma source(%dma_start3A_28 : memref<1048576x16xf32, #tpu.memory_space<hbm>>) target(%dma_start3A_22 : memref<128x16xf32, #tpu.memory_space<vmem>>) offsets(%dma_start3A_25 : memref<128xi32, #tpu.memory_space<vmem>>) semaphore(%arg13 : memref<!tpu.dma_semaphore, #tpu.memory_space<semaphore_mem>>)
    %dma_start3A_29 = arith.constant 0 : i32
    %dma_start3A_30 = arith.constant 0 : i32
    %dma_start3A_31 = arith.constant 0 : i32
    %dma_start3A_32 = tpu.memref_slice %arg11[%dma_start3A_30, %dma_start3A_31] : memref<3328x16xf32, #tpu.memory_space<vmem>> -> memref<128x16xf32, #tpu.memory_space<vmem>>
    %dma_start3A_33 = arith.constant 0 : i32
    %dma_start3A_34 = tpu.memref_slice %arg9[%dma_start3A_29, %dma_start3A_33] : memref<26x128xi32, #tpu.memory_space<vmem>> -> memref<1x128xi32, #tpu.memory_space<vmem>>
    %dma_start3A_35 = tpu.memref_squeeze %dma_start3A_34 : memref<1x128xi32, #tpu.memory_space<vmem>> -> memref<128xi32, #tpu.memory_space<vmem>>
    %dma_start3A_36 = arith.constant 0 : i32
    %dma_start3A_37 = arith.constant 0 : i32
    %dma_start3A_38 = tpu.memref_slice %arg4[%dma_start3A_36, %dma_start3A_37] : memref<65536x16xf32, #tpu.memory_space<hbm>> -> memref<65536x16xf32, #tpu.memory_space<hbm>>
    tpu.enqueue_indirect_dma source(%dma_start3A_38 : memref<65536x16xf32, #tpu.memory_space<hbm>>) target(%dma_start3A_32 : memref<128x16xf32, #tpu.memory_space<vmem>>) offsets(%dma_start3A_35 : memref<128xi32, #tpu.memory_space<vmem>>) semaphore(%arg14 : memref<!tpu.dma_semaphore, #tpu.memory_space<semaphore_mem>>)
    %dma_start3A_39 = arith.constant 1 : i32
    %dma_start3A_40 = arith.constant 128 : i32
    %dma_start3A_41 = arith.constant 0 : i32
    %dma_start3A_42 = tpu.memref_slice %arg10[%dma_start3A_40, %dma_start3A_41] : memref<3328x16xf32, #tpu.memory_space<vmem>> -> memref<128x16xf32, #tpu.memory_space<vmem>>
    %dma_start3A_43 = arith.constant 0 : i32
    %dma_start3A_44 = tpu.memref_slice %arg8[%dma_start3A_39, %dma_start3A_43] : memref<26x128xi32, #tpu.memory_space<vmem>> -> memref<1x128xi32, #tpu.memory_space<vmem>>
    %dma_start3A_45 = tpu.memref_squeeze %dma_start3A_44 : memref<1x128xi32, #tpu.memory_space<vmem>> -> memref<128xi32, #tpu.memory_space<vmem>>
    %dma_start3A_46 = arith.constant 0 : i32
    %dma_start3A_47 = arith.constant 0 : i32
    %dma_start3A_48 = tpu.memref_slice %arg3[%dma_start3A_46, %dma_start3A_47] : memref<1048576x16xf32, #tpu.memory_space<hbm>> -> memref<1048576x16xf32, #tpu.memory_space<hbm>>
    tpu.enqueue_indirect_dma source(%dma_start3A_48 : memref<1048576x16xf32, #tpu.memory_space<hbm>>) target(%dma_start3A_42 : memref<128x16xf32, #tpu.memory_space<vmem>>) offsets(%dma_start3A_45 : memref<128xi32, #tpu.memory_space<vmem>>) semaphore(%arg13 : memref<!tpu.dma_semaphore, #tpu.memory_space<semaphore_mem>>)
    %dma_start3A_49 = arith.constant 1 : i32
    %dma_start3A_50 = arith.constant 128 : i32
    %dma_start3A_51 = arith.constant 0 : i32
    %dma_start3A_52 = tpu.memref_slice %arg11[%dma_start3A_50, %dma_start3A_51] : memref<3328x16xf32, #tpu.memory_space<vmem>> -> memref<128x16xf32, #tpu.memory_space<vmem>>
    %dma_start3A_53 = arith.constant 0 : i32
    %dma_start3A_54 = tpu.memref_slice %arg9[%dma_start3A_49, %dma_start3A_53] : memref<26x128xi32, #tpu.memory_space<vmem>> -> memref<1x128xi32, #tpu.memory_space<vmem>>
    %dma_start3A_55 = tpu.memref_squeeze %dma_start3A_54 : memref<1x128xi32, #tpu.memory_space<vmem>> -> memref<128xi32, #tpu.memory_space<vmem>>
    %dma_start3A_56 = arith.constant 0 : i32
    %dma_start3A_57 = arith.constant 0 : i32
    %dma_start3A_58 = tpu.memref_slice %arg4[%dma_start3A_56, %dma_start3A_57] : memref<65536x16xf32, #tpu.memory_space<hbm>> -> memref<65536x16xf32, #tpu.memory_space<hbm>>
    tpu.enqueue_indirect_dma source(%dma_start3A_58 : memref<65536x16xf32, #tpu.memory_space<hbm>>) target(%dma_start3A_52 : memref<128x16xf32, #tpu.memory_space<vmem>>) offsets(%dma_start3A_55 : memref<128xi32, #tpu.memory_space<vmem>>) semaphore(%arg14 : memref<!tpu.dma_semaphore, #tpu.memory_space<semaphore_mem>>)
    %dma_start3A_59 = arith.constant 2 : i32
    %dma_start3A_60 = arith.constant 256 : i32
    %dma_start3A_61 = arith.constant 0 : i32
    %dma_start3A_62 = tpu.memref_slice %arg10[%dma_start3A_60, %dma_start3A_61] : memref<3328x16xf32, #tpu.memory_space<vmem>> -> memref<128x16xf32, #tpu.memory_space<vmem>>
    %dma_start3A_63 = arith.constant 0 : i32
    %dma_start3A_64 = tpu.memref_slice %arg8[%dma_start3A_59, %dma_start3A_63] : memref<26x128xi32, #tpu.memory_space<vmem>> -> memref<1x128xi32, #tpu.memory_space<vmem>>
    %dma_start3A_65 = tpu.memref_squeeze %dma_start3A_64 : memref<1x128xi32, #tpu.memory_space<vmem>> -> memref<128xi32, #tpu.memory_space<vmem>>
    %dma_start3A_66 = arith.constant 0 : i32
    %dma_start3A_67 = arith.constant 0 : i32
    %dma_start3A_68 = tpu.memref_slice %arg3[%dma_start3A_66, %dma_start3A_67] : memref<1048576x16xf32, #tpu.memory_space<hbm>> -> memref<1048576x16xf32, #tpu.memory_space<hbm>>
    tpu.enqueue_indirect_dma source(%dma_start3A_68 : memref<1048576x16xf32, #tpu.memory_space<hbm>>) target(%dma_start3A_62 : memref<128x16xf32, #tpu.memory_space<vmem>>) offsets(%dma_start3A_65 : memref<128xi32, #tpu.memory_space<vmem>>) semaphore(%arg13 : memref<!tpu.dma_semaphore, #tpu.memory_space<semaphore_mem>>)
    %dma_start3A_69 = arith.constant 2 : i32
    %dma_start3A_70 = arith.constant 256 : i32
    %dma_start3A_71 = arith.constant 0 : i32
    %dma_start3A_72 = tpu.memref_slice %arg11[%dma_start3A_70, %dma_start3A_71] : memref<3328x16xf32, #tpu.memory_space<vmem>> -> memref<128x16xf32, #tpu.memory_space<vmem>>
    %dma_start3A_73 = arith.constant 0 : i32
    %dma_start3A_74 = tpu.memref_slice %arg9[%dma_start3A_69, %dma_start3A_73] : memref<26x128xi32, #tpu.memory_space<vmem>> -> memref<1x128xi32, #tpu.memory_space<vmem>>
    %dma_start3A_75 = tpu.memref_squeeze %dma_start3A_74 : memref<1x128xi32, #tpu.memory_space<vmem>> -> memref<128xi32, #tpu.memory_space<vmem>>
    %dma_start3A_76 = arith.constant 0 : i32
    %dma_start3A_77 = arith.constant 0 : i32
    %dma_start3A_78 = tpu.memref_slice %arg4[%dma_start3A_76, %dma_start3A_77] : memref<65536x16xf32, #tpu.memory_space<hbm>> -> memref<65536x16xf32, #tpu.memory_space<hbm>>
    tpu.enqueue_indirect_dma source(%dma_start3A_78 : memref<65536x16xf32, #tpu.memory_space<hbm>>) target(%dma_start3A_72 : memref<128x16xf32, #tpu.memory_space<vmem>>) offsets(%dma_start3A_75 : memref<128xi32, #tpu.memory_space<vmem>>) semaphore(%arg14 : memref<!tpu.dma_semaphore, #tpu.memory_space<semaphore_mem>>)
    %dma_start3A_79 = arith.constant 3 : i32
    %dma_start3A_80 = arith.constant 384 : i32
    %dma_start3A_81 = arith.constant 0 : i32
    %dma_start3A_82 = tpu.memref_slice %arg10[%dma_start3A_80, %dma_start3A_81] : memref<3328x16xf32, #tpu.memory_space<vmem>> -> memref<128x16xf32, #tpu.memory_space<vmem>>
    %dma_start3A_83 = arith.constant 0 : i32
    %dma_start3A_84 = tpu.memref_slice %arg8[%dma_start3A_79, %dma_start3A_83] : memref<26x128xi32, #tpu.memory_space<vmem>> -> memref<1x128xi32, #tpu.memory_space<vmem>>
    %dma_start3A_85 = tpu.memref_squeeze %dma_start3A_84 : memref<1x128xi32, #tpu.memory_space<vmem>> -> memref<128xi32, #tpu.memory_space<vmem>>
    %dma_start3A_86 = arith.constant 0 : i32
    %dma_start3A_87 = arith.constant 0 : i32
    %dma_start3A_88 = tpu.memref_slice %arg3[%dma_start3A_86, %dma_start3A_87] : memref<1048576x16xf32, #tpu.memory_space<hbm>> -> memref<1048576x16xf32, #tpu.memory_space<hbm>>
    tpu.enqueue_indirect_dma source(%dma_start3A_88 : memref<1048576x16xf32, #tpu.memory_space<hbm>>) target(%dma_start3A_82 : memref<128x16xf32, #tpu.memory_space<vmem>>) offsets(%dma_start3A_85 : memref<128xi32, #tpu.memory_space<vmem>>) semaphore(%arg13 : memref<!tpu.dma_semaphore, #tpu.memory_space<semaphore_mem>>)
    %dma_start3A_89 = arith.constant 3 : i32
    %dma_start3A_90 = arith.constant 384 : i32
    %dma_start3A_91 = arith.constant 0 : i32
    %dma_start3A_92 = tpu.memref_slice %arg11[%dma_start3A_90, %dma_start3A_91] : memref<3328x16xf32, #tpu.memory_space<vmem>> -> memref<128x16xf32, #tpu.memory_space<vmem>>
    %dma_start3A_93 = arith.constant 0 : i32
    %dma_start3A_94 = tpu.memref_slice %arg9[%dma_start3A_89, %dma_start3A_93] : memref<26x128xi32, #tpu.memory_space<vmem>> -> memref<1x128xi32, #tpu.memory_space<vmem>>
    %dma_start3A_95 = tpu.memref_squeeze %dma_start3A_94 : memref<1x128xi32, #tpu.memory_space<vmem>> -> memref<128xi32, #tpu.memory_space<vmem>>
    %dma_start3A_96 = arith.constant 0 : i32
    %dma_start3A_97 = arith.constant 0 : i32
    %dma_start3A_98 = tpu.memref_slice %arg4[%dma_start3A_96, %dma_start3A_97] : memref<65536x16xf32, #tpu.memory_space<hbm>> -> memref<65536x16xf32, #tpu.memory_space<hbm>>
    tpu.enqueue_indirect_dma source(%dma_start3A_98 : memref<65536x16xf32, #tpu.memory_space<hbm>>) target(%dma_start3A_92 : memref<128x16xf32, #tpu.memory_space<vmem>>) offsets(%dma_start3A_95 : memref<128xi32, #tpu.memory_space<vmem>>) semaphore(%arg14 : memref<!tpu.dma_semaphore, #tpu.memory_space<semaphore_mem>>)
    %dma_start3A_99 = arith.constant 4 : i32
    %dma_start3A_100 = arith.constant 512 : i32
    %dma_start3A_101 = arith.constant 0 : i32
    %dma_start3A_102 = tpu.memref_slice %arg10[%dma_start3A_100, %dma_start3A_101] : memref<3328x16xf32, #tpu.memory_space<vmem>> -> memref<128x16xf32, #tpu.memory_space<vmem>>
    %dma_start3A_103 = arith.constant 0 : i32
    %dma_start3A_104 = tpu.memref_slice %arg8[%dma_start3A_99, %dma_start3A_103] : memref<26x128xi32, #tpu.memory_space<vmem>> -> memref<1x128xi32, #tpu.memory_space<vmem>>
    %dma_start3A_105 = tpu.memref_squeeze %dma_start3A_104 : memref<1x128xi32, #tpu.memory_space<vmem>> -> memref<128xi32, #tpu.memory_space<vmem>>
    %dma_start3A_106 = arith.constant 0 : i32
    %dma_start3A_107 = arith.constant 0 : i32
    %dma_start3A_108 = tpu.memref_slice %arg3[%dma_start3A_106, %dma_start3A_107] : memref<1048576x16xf32, #tpu.memory_space<hbm>> -> memref<1048576x16xf32, #tpu.memory_space<hbm>>
    tpu.enqueue_indirect_dma source(%dma_start3A_108 : memref<1048576x16xf32, #tpu.memory_space<hbm>>) target(%dma_start3A_102 : memref<128x16xf32, #tpu.memory_space<vmem>>) offsets(%dma_start3A_105 : memref<128xi32, #tpu.memory_space<vmem>>) semaphore(%arg13 : memref<!tpu.dma_semaphore, #tpu.memory_space<semaphore_mem>>)
    %dma_start3A_109 = arith.constant 4 : i32
    %dma_start3A_110 = arith.constant 512 : i32
    %dma_start3A_111 = arith.constant 0 : i32
    %dma_start3A_112 = tpu.memref_slice %arg11[%dma_start3A_110, %dma_start3A_111] : memref<3328x16xf32, #tpu.memory_space<vmem>> -> memref<128x16xf32, #tpu.memory_space<vmem>>
    %dma_start3A_113 = arith.constant 0 : i32
    %dma_start3A_114 = tpu.memref_slice %arg9[%dma_start3A_109, %dma_start3A_113] : memref<26x128xi32, #tpu.memory_space<vmem>> -> memref<1x128xi32, #tpu.memory_space<vmem>>
    %dma_start3A_115 = tpu.memref_squeeze %dma_start3A_114 : memref<1x128xi32, #tpu.memory_space<vmem>> -> memref<128xi32, #tpu.memory_space<vmem>>
    %dma_start3A_116 = arith.constant 0 : i32
    %dma_start3A_117 = arith.constant 0 : i32
    %dma_start3A_118 = tpu.memref_slice %arg4[%dma_start3A_116, %dma_start3A_117] : memref<65536x16xf32, #tpu.memory_space<hbm>> -> memref<65536x16xf32, #tpu.memory_space<hbm>>
    tpu.enqueue_indirect_dma source(%dma_start3A_118 : memref<65536x16xf32, #tpu.memory_space<hbm>>) target(%dma_start3A_112 : memref<128x16xf32, #tpu.memory_space<vmem>>) offsets(%dma_start3A_115 : memref<128xi32, #tpu.memory_space<vmem>>) semaphore(%arg14 : memref<!tpu.dma_semaphore, #tpu.memory_space<semaphore_mem>>)
    %dma_start3A_119 = arith.constant 5 : i32
    %dma_start3A_120 = arith.constant 640 : i32
    %dma_start3A_121 = arith.constant 0 : i32
    %dma_start3A_122 = tpu.memref_slice %arg10[%dma_start3A_120, %dma_start3A_121] : memref<3328x16xf32, #tpu.memory_space<vmem>> -> memref<128x16xf32, #tpu.memory_space<vmem>>
    %dma_start3A_123 = arith.constant 0 : i32
    %dma_start3A_124 = tpu.memref_slice %arg8[%dma_start3A_119, %dma_start3A_123] : memref<26x128xi32, #tpu.memory_space<vmem>> -> memref<1x128xi32, #tpu.memory_space<vmem>>
    %dma_start3A_125 = tpu.memref_squeeze %dma_start3A_124 : memref<1x128xi32, #tpu.memory_space<vmem>> -> memref<128xi32, #tpu.memory_space<vmem>>
    %dma_start3A_126 = arith.constant 0 : i32
    %dma_start3A_127 = arith.constant 0 : i32
    %dma_start3A_128 = tpu.memref_slice %arg3[%dma_start3A_126, %dma_start3A_127] : memref<1048576x16xf32, #tpu.memory_space<hbm>> -> memref<1048576x16xf32, #tpu.memory_space<hbm>>
    tpu.enqueue_indirect_dma source(%dma_start3A_128 : memref<1048576x16xf32, #tpu.memory_space<hbm>>) target(%dma_start3A_122 : memref<128x16xf32, #tpu.memory_space<vmem>>) offsets(%dma_start3A_125 : memref<128xi32, #tpu.memory_space<vmem>>) semaphore(%arg13 : memref<!tpu.dma_semaphore, #tpu.memory_space<semaphore_mem>>)
    %dma_start3A_129 = arith.constant 5 : i32
    %dma_start3A_130 = arith.constant 640 : i32
    %dma_start3A_131 = arith.constant 0 : i32
    %dma_start3A_132 = tpu.memref_slice %arg11[%dma_start3A_130, %dma_start3A_131] : memref<3328x16xf32, #tpu.memory_space<vmem>> -> memref<128x16xf32, #tpu.memory_space<vmem>>
    %dma_start3A_133 = arith.constant 0 : i32
    %dma_start3A_134 = tpu.memref_slice %arg9[%dma_start3A_129, %dma_start3A_133] : memref<26x128xi32, #tpu.memory_space<vmem>> -> memref<1x128xi32, #tpu.memory_space<vmem>>
    %dma_start3A_135 = tpu.memref_squeeze %dma_start3A_134 : memref<1x128xi32, #tpu.memory_space<vmem>> -> memref<128xi32, #tpu.memory_space<vmem>>
    %dma_start3A_136 = arith.constant 0 : i32
    %dma_start3A_137 = arith.constant 0 : i32
    %dma_start3A_138 = tpu.memref_slice %arg4[%dma_start3A_136, %dma_start3A_137] : memref<65536x16xf32, #tpu.memory_space<hbm>> -> memref<65536x16xf32, #tpu.memory_space<hbm>>
    tpu.enqueue_indirect_dma source(%dma_start3A_138 : memref<65536x16xf32, #tpu.memory_space<hbm>>) target(%dma_start3A_132 : memref<128x16xf32, #tpu.memory_space<vmem>>) offsets(%dma_start3A_135 : memref<128xi32, #tpu.memory_space<vmem>>) semaphore(%arg14 : memref<!tpu.dma_semaphore, #tpu.memory_space<semaphore_mem>>)
    %dma_start3A_139 = arith.constant 6 : i32
    %dma_start3A_140 = arith.constant 768 : i32
    %dma_start3A_141 = arith.constant 0 : i32
    %dma_start3A_142 = tpu.memref_slice %arg10[%dma_start3A_140, %dma_start3A_141] : memref<3328x16xf32, #tpu.memory_space<vmem>> -> memref<128x16xf32, #tpu.memory_space<vmem>>
    %dma_start3A_143 = arith.constant 0 : i32
    %dma_start3A_144 = tpu.memref_slice %arg8[%dma_start3A_139, %dma_start3A_143] : memref<26x128xi32, #tpu.memory_space<vmem>> -> memref<1x128xi32, #tpu.memory_space<vmem>>
    %dma_start3A_145 = tpu.memref_squeeze %dma_start3A_144 : memref<1x128xi32, #tpu.memory_space<vmem>> -> memref<128xi32, #tpu.memory_space<vmem>>
    %dma_start3A_146 = arith.constant 0 : i32
    %dma_start3A_147 = arith.constant 0 : i32
    %dma_start3A_148 = tpu.memref_slice %arg3[%dma_start3A_146, %dma_start3A_147] : memref<1048576x16xf32, #tpu.memory_space<hbm>> -> memref<1048576x16xf32, #tpu.memory_space<hbm>>
    tpu.enqueue_indirect_dma source(%dma_start3A_148 : memref<1048576x16xf32, #tpu.memory_space<hbm>>) target(%dma_start3A_142 : memref<128x16xf32, #tpu.memory_space<vmem>>) offsets(%dma_start3A_145 : memref<128xi32, #tpu.memory_space<vmem>>) semaphore(%arg13 : memref<!tpu.dma_semaphore, #tpu.memory_space<semaphore_mem>>)
    %dma_start3A_149 = arith.constant 6 : i32
    %dma_start3A_150 = arith.constant 768 : i32
    %dma_start3A_151 = arith.constant 0 : i32
    %dma_start3A_152 = tpu.memref_slice %arg11[%dma_start3A_150, %dma_start3A_151] : memref<3328x16xf32, #tpu.memory_space<vmem>> -> memref<128x16xf32, #tpu.memory_space<vmem>>
    %dma_start3A_153 = arith.constant 0 : i32
    %dma_start3A_154 = tpu.memref_slice %arg9[%dma_start3A_149, %dma_start3A_153] : memref<26x128xi32, #tpu.memory_space<vmem>> -> memref<1x128xi32, #tpu.memory_space<vmem>>
    %dma_start3A_155 = tpu.memref_squeeze %dma_start3A_154 : memref<1x128xi32, #tpu.memory_space<vmem>> -> memref<128xi32, #tpu.memory_space<vmem>>
    %dma_start3A_156 = arith.constant 0 : i32
    %dma_start3A_157 = arith.constant 0 : i32
    %dma_start3A_158 = tpu.memref_slice %arg4[%dma_start3A_156, %dma_start3A_157] : memref<65536x16xf32, #tpu.memory_space<hbm>> -> memref<65536x16xf32, #tpu.memory_space<hbm>>
    tpu.enqueue_indirect_dma source(%dma_start3A_158 : memref<65536x16xf32, #tpu.memory_space<hbm>>) target(%dma_start3A_152 : memref<128x16xf32, #tpu.memory_space<vmem>>) offsets(%dma_start3A_155 : memref<128xi32, #tpu.memory_space<vmem>>) semaphore(%arg14 : memref<!tpu.dma_semaphore, #tpu.memory_space<semaphore_mem>>)
    %dma_start3A_159 = arith.constant 7 : i32
    %dma_start3A_160 = arith.constant 896 : i32
    %dma_start3A_161 = arith.constant 0 : i32
    %dma_start3A_162 = tpu.memref_slice %arg10[%dma_start3A_160, %dma_start3A_161] : memref<3328x16xf32, #tpu.memory_space<vmem>> -> memref<128x16xf32, #tpu.memory_space<vmem>>
    %dma_start3A_163 = arith.constant 0 : i32
    %dma_start3A_164 = tpu.memref_slice %arg8[%dma_start3A_159, %dma_start3A_163] : memref<26x128xi32, #tpu.memory_space<vmem>> -> memref<1x128xi32, #tpu.memory_space<vmem>>
    %dma_start3A_165 = tpu.memref_squeeze %dma_start3A_164 : memref<1x128xi32, #tpu.memory_space<vmem>> -> memref<128xi32, #tpu.memory_space<vmem>>
    %dma_start3A_166 = arith.constant 0 : i32
    %dma_start3A_167 = arith.constant 0 : i32
    %dma_start3A_168 = tpu.memref_slice %arg3[%dma_start3A_166, %dma_start3A_167] : memref<1048576x16xf32, #tpu.memory_space<hbm>> -> memref<1048576x16xf32, #tpu.memory_space<hbm>>
    tpu.enqueue_indirect_dma source(%dma_start3A_168 : memref<1048576x16xf32, #tpu.memory_space<hbm>>) target(%dma_start3A_162 : memref<128x16xf32, #tpu.memory_space<vmem>>) offsets(%dma_start3A_165 : memref<128xi32, #tpu.memory_space<vmem>>) semaphore(%arg13 : memref<!tpu.dma_semaphore, #tpu.memory_space<semaphore_mem>>)
    %dma_start3A_169 = arith.constant 7 : i32
    %dma_start3A_170 = arith.constant 896 : i32
    %dma_start3A_171 = arith.constant 0 : i32
    %dma_start3A_172 = tpu.memref_slice %arg11[%dma_start3A_170, %dma_start3A_171] : memref<3328x16xf32, #tpu.memory_space<vmem>> -> memref<128x16xf32, #tpu.memory_space<vmem>>
    %dma_start3A_173 = arith.constant 0 : i32
    %dma_start3A_174 = tpu.memref_slice %arg9[%dma_start3A_169, %dma_start3A_173] : memref<26x128xi32, #tpu.memory_space<vmem>> -> memref<1x128xi32, #tpu.memory_space<vmem>>
    %dma_start3A_175 = tpu.memref_squeeze %dma_start3A_174 : memref<1x128xi32, #tpu.memory_space<vmem>> -> memref<128xi32, #tpu.memory_space<vmem>>
    %dma_start3A_176 = arith.constant 0 : i32
    %dma_start3A_177 = arith.constant 0 : i32
    %dma_start3A_178 = tpu.memref_slice %arg4[%dma_start3A_176, %dma_start3A_177] : memref<65536x16xf32, #tpu.memory_space<hbm>> -> memref<65536x16xf32, #tpu.memory_space<hbm>>
    tpu.enqueue_indirect_dma source(%dma_start3A_178 : memref<65536x16xf32, #tpu.memory_space<hbm>>) target(%dma_start3A_172 : memref<128x16xf32, #tpu.memory_space<vmem>>) offsets(%dma_start3A_175 : memref<128xi32, #tpu.memory_space<vmem>>) semaphore(%arg14 : memref<!tpu.dma_semaphore, #tpu.memory_space<semaphore_mem>>)
    %dma_start3A_179 = arith.constant 8 : i32
    %dma_start3A_180 = arith.constant 1024 : i32
    %dma_start3A_181 = arith.constant 0 : i32
    %dma_start3A_182 = tpu.memref_slice %arg10[%dma_start3A_180, %dma_start3A_181] : memref<3328x16xf32, #tpu.memory_space<vmem>> -> memref<128x16xf32, #tpu.memory_space<vmem>>
    %dma_start3A_183 = arith.constant 0 : i32
    %dma_start3A_184 = tpu.memref_slice %arg8[%dma_start3A_179, %dma_start3A_183] : memref<26x128xi32, #tpu.memory_space<vmem>> -> memref<1x128xi32, #tpu.memory_space<vmem>>
    %dma_start3A_185 = tpu.memref_squeeze %dma_start3A_184 : memref<1x128xi32, #tpu.memory_space<vmem>> -> memref<128xi32, #tpu.memory_space<vmem>>
    %dma_start3A_186 = arith.constant 0 : i32
    %dma_start3A_187 = arith.constant 0 : i32
    %dma_start3A_188 = tpu.memref_slice %arg3[%dma_start3A_186, %dma_start3A_187] : memref<1048576x16xf32, #tpu.memory_space<hbm>> -> memref<1048576x16xf32, #tpu.memory_space<hbm>>
    tpu.enqueue_indirect_dma source(%dma_start3A_188 : memref<1048576x16xf32, #tpu.memory_space<hbm>>) target(%dma_start3A_182 : memref<128x16xf32, #tpu.memory_space<vmem>>) offsets(%dma_start3A_185 : memref<128xi32, #tpu.memory_space<vmem>>) semaphore(%arg13 : memref<!tpu.dma_semaphore, #tpu.memory_space<semaphore_mem>>)
    %dma_start3A_189 = arith.constant 8 : i32
    %dma_start3A_190 = arith.constant 1024 : i32
    %dma_start3A_191 = arith.constant 0 : i32
    %dma_start3A_192 = tpu.memref_slice %arg11[%dma_start3A_190, %dma_start3A_191] : memref<3328x16xf32, #tpu.memory_space<vmem>> -> memref<128x16xf32, #tpu.memory_space<vmem>>
    %dma_start3A_193 = arith.constant 0 : i32
    %dma_start3A_194 = tpu.memref_slice %arg9[%dma_start3A_189, %dma_start3A_193] : memref<26x128xi32, #tpu.memory_space<vmem>> -> memref<1x128xi32, #tpu.memory_space<vmem>>
    %dma_start3A_195 = tpu.memref_squeeze %dma_start3A_194 : memref<1x128xi32, #tpu.memory_space<vmem>> -> memref<128xi32, #tpu.memory_space<vmem>>
    %dma_start3A_196 = arith.constant 0 : i32
    %dma_start3A_197 = arith.constant 0 : i32
    %dma_start3A_198 = tpu.memref_slice %arg4[%dma_start3A_196, %dma_start3A_197] : memref<65536x16xf32, #tpu.memory_space<hbm>> -> memref<65536x16xf32, #tpu.memory_space<hbm>>
    tpu.enqueue_indirect_dma source(%dma_start3A_198 : memref<65536x16xf32, #tpu.memory_space<hbm>>) target(%dma_start3A_192 : memref<128x16xf32, #tpu.memory_space<vmem>>) offsets(%dma_start3A_195 : memref<128xi32, #tpu.memory_space<vmem>>) semaphore(%arg14 : memref<!tpu.dma_semaphore, #tpu.memory_space<semaphore_mem>>)
    %dma_start3A_199 = arith.constant 9 : i32
    %dma_start3A_200 = arith.constant 1152 : i32
    %dma_start3A_201 = arith.constant 0 : i32
    %dma_start3A_202 = tpu.memref_slice %arg10[%dma_start3A_200, %dma_start3A_201] : memref<3328x16xf32, #tpu.memory_space<vmem>> -> memref<128x16xf32, #tpu.memory_space<vmem>>
    %dma_start3A_203 = arith.constant 0 : i32
    %dma_start3A_204 = tpu.memref_slice %arg8[%dma_start3A_199, %dma_start3A_203] : memref<26x128xi32, #tpu.memory_space<vmem>> -> memref<1x128xi32, #tpu.memory_space<vmem>>
    %dma_start3A_205 = tpu.memref_squeeze %dma_start3A_204 : memref<1x128xi32, #tpu.memory_space<vmem>> -> memref<128xi32, #tpu.memory_space<vmem>>
    %dma_start3A_206 = arith.constant 0 : i32
    %dma_start3A_207 = arith.constant 0 : i32
    %dma_start3A_208 = tpu.memref_slice %arg3[%dma_start3A_206, %dma_start3A_207] : memref<1048576x16xf32, #tpu.memory_space<hbm>> -> memref<1048576x16xf32, #tpu.memory_space<hbm>>
    tpu.enqueue_indirect_dma source(%dma_start3A_208 : memref<1048576x16xf32, #tpu.memory_space<hbm>>) target(%dma_start3A_202 : memref<128x16xf32, #tpu.memory_space<vmem>>) offsets(%dma_start3A_205 : memref<128xi32, #tpu.memory_space<vmem>>) semaphore(%arg13 : memref<!tpu.dma_semaphore, #tpu.memory_space<semaphore_mem>>)
    %dma_start3A_209 = arith.constant 9 : i32
    %dma_start3A_210 = arith.constant 1152 : i32
    %dma_start3A_211 = arith.constant 0 : i32
    %dma_start3A_212 = tpu.memref_slice %arg11[%dma_start3A_210, %dma_start3A_211] : memref<3328x16xf32, #tpu.memory_space<vmem>> -> memref<128x16xf32, #tpu.memory_space<vmem>>
    %dma_start3A_213 = arith.constant 0 : i32
    %dma_start3A_214 = tpu.memref_slice %arg9[%dma_start3A_209, %dma_start3A_213] : memref<26x128xi32, #tpu.memory_space<vmem>> -> memref<1x128xi32, #tpu.memory_space<vmem>>
    %dma_start3A_215 = tpu.memref_squeeze %dma_start3A_214 : memref<1x128xi32, #tpu.memory_space<vmem>> -> memref<128xi32, #tpu.memory_space<vmem>>
    %dma_start3A_216 = arith.constant 0 : i32
    %dma_start3A_217 = arith.constant 0 : i32
    %dma_start3A_218 = tpu.memref_slice %arg4[%dma_start3A_216, %dma_start3A_217] : memref<65536x16xf32, #tpu.memory_space<hbm>> -> memref<65536x16xf32, #tpu.memory_space<hbm>>
    tpu.enqueue_indirect_dma source(%dma_start3A_218 : memref<65536x16xf32, #tpu.memory_space<hbm>>) target(%dma_start3A_212 : memref<128x16xf32, #tpu.memory_space<vmem>>) offsets(%dma_start3A_215 : memref<128xi32, #tpu.memory_space<vmem>>) semaphore(%arg14 : memref<!tpu.dma_semaphore, #tpu.memory_space<semaphore_mem>>)
    %dma_start3A_219 = arith.constant 10 : i32
    %dma_start3A_220 = arith.constant 1280 : i32
    %dma_start3A_221 = arith.constant 0 : i32
    %dma_start3A_222 = tpu.memref_slice %arg10[%dma_start3A_220, %dma_start3A_221] : memref<3328x16xf32, #tpu.memory_space<vmem>> -> memref<128x16xf32, #tpu.memory_space<vmem>>
    %dma_start3A_223 = arith.constant 0 : i32
    %dma_start3A_224 = tpu.memref_slice %arg8[%dma_start3A_219, %dma_start3A_223] : memref<26x128xi32, #tpu.memory_space<vmem>> -> memref<1x128xi32, #tpu.memory_space<vmem>>
    %dma_start3A_225 = tpu.memref_squeeze %dma_start3A_224 : memref<1x128xi32, #tpu.memory_space<vmem>> -> memref<128xi32, #tpu.memory_space<vmem>>
    %dma_start3A_226 = arith.constant 0 : i32
    %dma_start3A_227 = arith.constant 0 : i32
    %dma_start3A_228 = tpu.memref_slice %arg3[%dma_start3A_226, %dma_start3A_227] : memref<1048576x16xf32, #tpu.memory_space<hbm>> -> memref<1048576x16xf32, #tpu.memory_space<hbm>>
    tpu.enqueue_indirect_dma source(%dma_start3A_228 : memref<1048576x16xf32, #tpu.memory_space<hbm>>) target(%dma_start3A_222 : memref<128x16xf32, #tpu.memory_space<vmem>>) offsets(%dma_start3A_225 : memref<128xi32, #tpu.memory_space<vmem>>) semaphore(%arg13 : memref<!tpu.dma_semaphore, #tpu.memory_space<semaphore_mem>>)
    %dma_start3A_229 = arith.constant 10 : i32
    %dma_start3A_230 = arith.constant 1280 : i32
    %dma_start3A_231 = arith.constant 0 : i32
    %dma_start3A_232 = tpu.memref_slice %arg11[%dma_start3A_230, %dma_start3A_231] : memref<3328x16xf32, #tpu.memory_space<vmem>> -> memref<128x16xf32, #tpu.memory_space<vmem>>
    %dma_start3A_233 = arith.constant 0 : i32
    %dma_start3A_234 = tpu.memref_slice %arg9[%dma_start3A_229, %dma_start3A_233] : memref<26x128xi32, #tpu.memory_space<vmem>> -> memref<1x128xi32, #tpu.memory_space<vmem>>
    %dma_start3A_235 = tpu.memref_squeeze %dma_start3A_234 : memref<1x128xi32, #tpu.memory_space<vmem>> -> memref<128xi32, #tpu.memory_space<vmem>>
    %dma_start3A_236 = arith.constant 0 : i32
    %dma_start3A_237 = arith.constant 0 : i32
    %dma_start3A_238 = tpu.memref_slice %arg4[%dma_start3A_236, %dma_start3A_237] : memref<65536x16xf32, #tpu.memory_space<hbm>> -> memref<65536x16xf32, #tpu.memory_space<hbm>>
    tpu.enqueue_indirect_dma source(%dma_start3A_238 : memref<65536x16xf32, #tpu.memory_space<hbm>>) target(%dma_start3A_232 : memref<128x16xf32, #tpu.memory_space<vmem>>) offsets(%dma_start3A_235 : memref<128xi32, #tpu.memory_space<vmem>>) semaphore(%arg14 : memref<!tpu.dma_semaphore, #tpu.memory_space<semaphore_mem>>)
    %dma_start3A_239 = arith.constant 11 : i32
    %dma_start3A_240 = arith.constant 1408 : i32
    %dma_start3A_241 = arith.constant 0 : i32
    %dma_start3A_242 = tpu.memref_slice %arg10[%dma_start3A_240, %dma_start3A_241] : memref<3328x16xf32, #tpu.memory_space<vmem>> -> memref<128x16xf32, #tpu.memory_space<vmem>>
    %dma_start3A_243 = arith.constant 0 : i32
    %dma_start3A_244 = tpu.memref_slice %arg8[%dma_start3A_239, %dma_start3A_243] : memref<26x128xi32, #tpu.memory_space<vmem>> -> memref<1x128xi32, #tpu.memory_space<vmem>>
    %dma_start3A_245 = tpu.memref_squeeze %dma_start3A_244 : memref<1x128xi32, #tpu.memory_space<vmem>> -> memref<128xi32, #tpu.memory_space<vmem>>
    %dma_start3A_246 = arith.constant 0 : i32
    %dma_start3A_247 = arith.constant 0 : i32
    %dma_start3A_248 = tpu.memref_slice %arg3[%dma_start3A_246, %dma_start3A_247] : memref<1048576x16xf32, #tpu.memory_space<hbm>> -> memref<1048576x16xf32, #tpu.memory_space<hbm>>
    tpu.enqueue_indirect_dma source(%dma_start3A_248 : memref<1048576x16xf32, #tpu.memory_space<hbm>>) target(%dma_start3A_242 : memref<128x16xf32, #tpu.memory_space<vmem>>) offsets(%dma_start3A_245 : memref<128xi32, #tpu.memory_space<vmem>>) semaphore(%arg13 : memref<!tpu.dma_semaphore, #tpu.memory_space<semaphore_mem>>)
    %dma_start3A_249 = arith.constant 11 : i32
    %dma_start3A_250 = arith.constant 1408 : i32
    %dma_start3A_251 = arith.constant 0 : i32
    %dma_start3A_252 = tpu.memref_slice %arg11[%dma_start3A_250, %dma_start3A_251] : memref<3328x16xf32, #tpu.memory_space<vmem>> -> memref<128x16xf32, #tpu.memory_space<vmem>>
    %dma_start3A_253 = arith.constant 0 : i32
    %dma_start3A_254 = tpu.memref_slice %arg9[%dma_start3A_249, %dma_start3A_253] : memref<26x128xi32, #tpu.memory_space<vmem>> -> memref<1x128xi32, #tpu.memory_space<vmem>>
    %dma_start3A_255 = tpu.memref_squeeze %dma_start3A_254 : memref<1x128xi32, #tpu.memory_space<vmem>> -> memref<128xi32, #tpu.memory_space<vmem>>
    %dma_start3A_256 = arith.constant 0 : i32
    %dma_start3A_257 = arith.constant 0 : i32
    %dma_start3A_258 = tpu.memref_slice %arg4[%dma_start3A_256, %dma_start3A_257] : memref<65536x16xf32, #tpu.memory_space<hbm>> -> memref<65536x16xf32, #tpu.memory_space<hbm>>
    tpu.enqueue_indirect_dma source(%dma_start3A_258 : memref<65536x16xf32, #tpu.memory_space<hbm>>) target(%dma_start3A_252 : memref<128x16xf32, #tpu.memory_space<vmem>>) offsets(%dma_start3A_255 : memref<128xi32, #tpu.memory_space<vmem>>) semaphore(%arg14 : memref<!tpu.dma_semaphore, #tpu.memory_space<semaphore_mem>>)
    %dma_start3A_259 = arith.constant 12 : i32
    %dma_start3A_260 = arith.constant 1536 : i32
    %dma_start3A_261 = arith.constant 0 : i32
    %dma_start3A_262 = tpu.memref_slice %arg10[%dma_start3A_260, %dma_start3A_261] : memref<3328x16xf32, #tpu.memory_space<vmem>> -> memref<128x16xf32, #tpu.memory_space<vmem>>
    %dma_start3A_263 = arith.constant 0 : i32
    %dma_start3A_264 = tpu.memref_slice %arg8[%dma_start3A_259, %dma_start3A_263] : memref<26x128xi32, #tpu.memory_space<vmem>> -> memref<1x128xi32, #tpu.memory_space<vmem>>
    %dma_start3A_265 = tpu.memref_squeeze %dma_start3A_264 : memref<1x128xi32, #tpu.memory_space<vmem>> -> memref<128xi32, #tpu.memory_space<vmem>>
    %dma_start3A_266 = arith.constant 0 : i32
    %dma_start3A_267 = arith.constant 0 : i32
    %dma_start3A_268 = tpu.memref_slice %arg3[%dma_start3A_266, %dma_start3A_267] : memref<1048576x16xf32, #tpu.memory_space<hbm>> -> memref<1048576x16xf32, #tpu.memory_space<hbm>>
    tpu.enqueue_indirect_dma source(%dma_start3A_268 : memref<1048576x16xf32, #tpu.memory_space<hbm>>) target(%dma_start3A_262 : memref<128x16xf32, #tpu.memory_space<vmem>>) offsets(%dma_start3A_265 : memref<128xi32, #tpu.memory_space<vmem>>) semaphore(%arg13 : memref<!tpu.dma_semaphore, #tpu.memory_space<semaphore_mem>>)
    %dma_start3A_269 = arith.constant 12 : i32
    %dma_start3A_270 = arith.constant 1536 : i32
    %dma_start3A_271 = arith.constant 0 : i32
    %dma_start3A_272 = tpu.memref_slice %arg11[%dma_start3A_270, %dma_start3A_271] : memref<3328x16xf32, #tpu.memory_space<vmem>> -> memref<128x16xf32, #tpu.memory_space<vmem>>
    %dma_start3A_273 = arith.constant 0 : i32
    %dma_start3A_274 = tpu.memref_slice %arg9[%dma_start3A_269, %dma_start3A_273] : memref<26x128xi32, #tpu.memory_space<vmem>> -> memref<1x128xi32, #tpu.memory_space<vmem>>
    %dma_start3A_275 = tpu.memref_squeeze %dma_start3A_274 : memref<1x128xi32, #tpu.memory_space<vmem>> -> memref<128xi32, #tpu.memory_space<vmem>>
    %dma_start3A_276 = arith.constant 0 : i32
    %dma_start3A_277 = arith.constant 0 : i32
    %dma_start3A_278 = tpu.memref_slice %arg4[%dma_start3A_276, %dma_start3A_277] : memref<65536x16xf32, #tpu.memory_space<hbm>> -> memref<65536x16xf32, #tpu.memory_space<hbm>>
    tpu.enqueue_indirect_dma source(%dma_start3A_278 : memref<65536x16xf32, #tpu.memory_space<hbm>>) target(%dma_start3A_272 : memref<128x16xf32, #tpu.memory_space<vmem>>) offsets(%dma_start3A_275 : memref<128xi32, #tpu.memory_space<vmem>>) semaphore(%arg14 : memref<!tpu.dma_semaphore, #tpu.memory_space<semaphore_mem>>)
    %dma_start3A_279 = arith.constant 13 : i32
    %dma_start3A_280 = arith.constant 1664 : i32
    %dma_start3A_281 = arith.constant 0 : i32
    %dma_start3A_282 = tpu.memref_slice %arg10[%dma_start3A_280, %dma_start3A_281] : memref<3328x16xf32, #tpu.memory_space<vmem>> -> memref<128x16xf32, #tpu.memory_space<vmem>>
    %dma_start3A_283 = arith.constant 0 : i32
    %dma_start3A_284 = tpu.memref_slice %arg8[%dma_start3A_279, %dma_start3A_283] : memref<26x128xi32, #tpu.memory_space<vmem>> -> memref<1x128xi32, #tpu.memory_space<vmem>>
    %dma_start3A_285 = tpu.memref_squeeze %dma_start3A_284 : memref<1x128xi32, #tpu.memory_space<vmem>> -> memref<128xi32, #tpu.memory_space<vmem>>
    %dma_start3A_286 = arith.constant 0 : i32
    %dma_start3A_287 = arith.constant 0 : i32
    %dma_start3A_288 = tpu.memref_slice %arg3[%dma_start3A_286, %dma_start3A_287] : memref<1048576x16xf32, #tpu.memory_space<hbm>> -> memref<1048576x16xf32, #tpu.memory_space<hbm>>
    tpu.enqueue_indirect_dma source(%dma_start3A_288 : memref<1048576x16xf32, #tpu.memory_space<hbm>>) target(%dma_start3A_282 : memref<128x16xf32, #tpu.memory_space<vmem>>) offsets(%dma_start3A_285 : memref<128xi32, #tpu.memory_space<vmem>>) semaphore(%arg13 : memref<!tpu.dma_semaphore, #tpu.memory_space<semaphore_mem>>)
    %dma_start3A_289 = arith.constant 13 : i32
    %dma_start3A_290 = arith.constant 1664 : i32
    %dma_start3A_291 = arith.constant 0 : i32
    %dma_start3A_292 = tpu.memref_slice %arg11[%dma_start3A_290, %dma_start3A_291] : memref<3328x16xf32, #tpu.memory_space<vmem>> -> memref<128x16xf32, #tpu.memory_space<vmem>>
    %dma_start3A_293 = arith.constant 0 : i32
    %dma_start3A_294 = tpu.memref_slice %arg9[%dma_start3A_289, %dma_start3A_293] : memref<26x128xi32, #tpu.memory_space<vmem>> -> memref<1x128xi32, #tpu.memory_space<vmem>>
    %dma_start3A_295 = tpu.memref_squeeze %dma_start3A_294 : memref<1x128xi32, #tpu.memory_space<vmem>> -> memref<128xi32, #tpu.memory_space<vmem>>
    %dma_start3A_296 = arith.constant 0 : i32
    %dma_start3A_297 = arith.constant 0 : i32
    %dma_start3A_298 = tpu.memref_slice %arg4[%dma_start3A_296, %dma_start3A_297] : memref<65536x16xf32, #tpu.memory_space<hbm>> -> memref<65536x16xf32, #tpu.memory_space<hbm>>
    tpu.enqueue_indirect_dma source(%dma_start3A_298 : memref<65536x16xf32, #tpu.memory_space<hbm>>) target(%dma_start3A_292 : memref<128x16xf32, #tpu.memory_space<vmem>>) offsets(%dma_start3A_295 : memref<128xi32, #tpu.memory_space<vmem>>) semaphore(%arg14 : memref<!tpu.dma_semaphore, #tpu.memory_space<semaphore_mem>>)
    %dma_start3A_299 = arith.constant 14 : i32
    %dma_start3A_300 = arith.constant 1792 : i32
    %dma_start3A_301 = arith.constant 0 : i32
    %dma_start3A_302 = tpu.memref_slice %arg10[%dma_start3A_300, %dma_start3A_301] : memref<3328x16xf32, #tpu.memory_space<vmem>> -> memref<128x16xf32, #tpu.memory_space<vmem>>
    %dma_start3A_303 = arith.constant 0 : i32
    %dma_start3A_304 = tpu.memref_slice %arg8[%dma_start3A_299, %dma_start3A_303] : memref<26x128xi32, #tpu.memory_space<vmem>> -> memref<1x128xi32, #tpu.memory_space<vmem>>
    %dma_start3A_305 = tpu.memref_squeeze %dma_start3A_304 : memref<1x128xi32, #tpu.memory_space<vmem>> -> memref<128xi32, #tpu.memory_space<vmem>>
    %dma_start3A_306 = arith.constant 0 : i32
    %dma_start3A_307 = arith.constant 0 : i32
    %dma_start3A_308 = tpu.memref_slice %arg3[%dma_start3A_306, %dma_start3A_307] : memref<1048576x16xf32, #tpu.memory_space<hbm>> -> memref<1048576x16xf32, #tpu.memory_space<hbm>>
    tpu.enqueue_indirect_dma source(%dma_start3A_308 : memref<1048576x16xf32, #tpu.memory_space<hbm>>) target(%dma_start3A_302 : memref<128x16xf32, #tpu.memory_space<vmem>>) offsets(%dma_start3A_305 : memref<128xi32, #tpu.memory_space<vmem>>) semaphore(%arg13 : memref<!tpu.dma_semaphore, #tpu.memory_space<semaphore_mem>>)
    %dma_start3A_309 = arith.constant 14 : i32
    %dma_start3A_310 = arith.constant 1792 : i32
    %dma_start3A_311 = arith.constant 0 : i32
    %dma_start3A_312 = tpu.memref_slice %arg11[%dma_start3A_310, %dma_start3A_311] : memref<3328x16xf32, #tpu.memory_space<vmem>> -> memref<128x16xf32, #tpu.memory_space<vmem>>
    %dma_start3A_313 = arith.constant 0 : i32
    %dma_start3A_314 = tpu.memref_slice %arg9[%dma_start3A_309, %dma_start3A_313] : memref<26x128xi32, #tpu.memory_space<vmem>> -> memref<1x128xi32, #tpu.memory_space<vmem>>
    %dma_start3A_315 = tpu.memref_squeeze %dma_start3A_314 : memref<1x128xi32, #tpu.memory_space<vmem>> -> memref<128xi32, #tpu.memory_space<vmem>>
    %dma_start3A_316 = arith.constant 0 : i32
    %dma_start3A_317 = arith.constant 0 : i32
    %dma_start3A_318 = tpu.memref_slice %arg4[%dma_start3A_316, %dma_start3A_317] : memref<65536x16xf32, #tpu.memory_space<hbm>> -> memref<65536x16xf32, #tpu.memory_space<hbm>>
    tpu.enqueue_indirect_dma source(%dma_start3A_318 : memref<65536x16xf32, #tpu.memory_space<hbm>>) target(%dma_start3A_312 : memref<128x16xf32, #tpu.memory_space<vmem>>) offsets(%dma_start3A_315 : memref<128xi32, #tpu.memory_space<vmem>>) semaphore(%arg14 : memref<!tpu.dma_semaphore, #tpu.memory_space<semaphore_mem>>)
    %dma_start3A_319 = arith.constant 15 : i32
    %dma_start3A_320 = arith.constant 1920 : i32
    %dma_start3A_321 = arith.constant 0 : i32
    %dma_start3A_322 = tpu.memref_slice %arg10[%dma_start3A_320, %dma_start3A_321] : memref<3328x16xf32, #tpu.memory_space<vmem>> -> memref<128x16xf32, #tpu.memory_space<vmem>>
    %dma_start3A_323 = arith.constant 0 : i32
    %dma_start3A_324 = tpu.memref_slice %arg8[%dma_start3A_319, %dma_start3A_323] : memref<26x128xi32, #tpu.memory_space<vmem>> -> memref<1x128xi32, #tpu.memory_space<vmem>>
    %dma_start3A_325 = tpu.memref_squeeze %dma_start3A_324 : memref<1x128xi32, #tpu.memory_space<vmem>> -> memref<128xi32, #tpu.memory_space<vmem>>
    %dma_start3A_326 = arith.constant 0 : i32
    %dma_start3A_327 = arith.constant 0 : i32
    %dma_start3A_328 = tpu.memref_slice %arg3[%dma_start3A_326, %dma_start3A_327] : memref<1048576x16xf32, #tpu.memory_space<hbm>> -> memref<1048576x16xf32, #tpu.memory_space<hbm>>
    tpu.enqueue_indirect_dma source(%dma_start3A_328 : memref<1048576x16xf32, #tpu.memory_space<hbm>>) target(%dma_start3A_322 : memref<128x16xf32, #tpu.memory_space<vmem>>) offsets(%dma_start3A_325 : memref<128xi32, #tpu.memory_space<vmem>>) semaphore(%arg13 : memref<!tpu.dma_semaphore, #tpu.memory_space<semaphore_mem>>)
    %dma_start3A_329 = arith.constant 15 : i32
    %dma_start3A_330 = arith.constant 1920 : i32
    %dma_start3A_331 = arith.constant 0 : i32
    %dma_start3A_332 = tpu.memref_slice %arg11[%dma_start3A_330, %dma_start3A_331] : memref<3328x16xf32, #tpu.memory_space<vmem>> -> memref<128x16xf32, #tpu.memory_space<vmem>>
    %dma_start3A_333 = arith.constant 0 : i32
    %dma_start3A_334 = tpu.memref_slice %arg9[%dma_start3A_329, %dma_start3A_333] : memref<26x128xi32, #tpu.memory_space<vmem>> -> memref<1x128xi32, #tpu.memory_space<vmem>>
    %dma_start3A_335 = tpu.memref_squeeze %dma_start3A_334 : memref<1x128xi32, #tpu.memory_space<vmem>> -> memref<128xi32, #tpu.memory_space<vmem>>
    %dma_start3A_336 = arith.constant 0 : i32
    %dma_start3A_337 = arith.constant 0 : i32
    %dma_start3A_338 = tpu.memref_slice %arg4[%dma_start3A_336, %dma_start3A_337] : memref<65536x16xf32, #tpu.memory_space<hbm>> -> memref<65536x16xf32, #tpu.memory_space<hbm>>
    tpu.enqueue_indirect_dma source(%dma_start3A_338 : memref<65536x16xf32, #tpu.memory_space<hbm>>) target(%dma_start3A_332 : memref<128x16xf32, #tpu.memory_space<vmem>>) offsets(%dma_start3A_335 : memref<128xi32, #tpu.memory_space<vmem>>) semaphore(%arg14 : memref<!tpu.dma_semaphore, #tpu.memory_space<semaphore_mem>>)
    %dma_start3A_339 = arith.constant 16 : i32
    %dma_start3A_340 = arith.constant 2048 : i32
    %dma_start3A_341 = arith.constant 0 : i32
    %dma_start3A_342 = tpu.memref_slice %arg10[%dma_start3A_340, %dma_start3A_341] : memref<3328x16xf32, #tpu.memory_space<vmem>> -> memref<128x16xf32, #tpu.memory_space<vmem>>
    %dma_start3A_343 = arith.constant 0 : i32
    %dma_start3A_344 = tpu.memref_slice %arg8[%dma_start3A_339, %dma_start3A_343] : memref<26x128xi32, #tpu.memory_space<vmem>> -> memref<1x128xi32, #tpu.memory_space<vmem>>
    %dma_start3A_345 = tpu.memref_squeeze %dma_start3A_344 : memref<1x128xi32, #tpu.memory_space<vmem>> -> memref<128xi32, #tpu.memory_space<vmem>>
    %dma_start3A_346 = arith.constant 0 : i32
    %dma_start3A_347 = arith.constant 0 : i32
    %dma_start3A_348 = tpu.memref_slice %arg3[%dma_start3A_346, %dma_start3A_347] : memref<1048576x16xf32, #tpu.memory_space<hbm>> -> memref<1048576x16xf32, #tpu.memory_space<hbm>>
    tpu.enqueue_indirect_dma source(%dma_start3A_348 : memref<1048576x16xf32, #tpu.memory_space<hbm>>) target(%dma_start3A_342 : memref<128x16xf32, #tpu.memory_space<vmem>>) offsets(%dma_start3A_345 : memref<128xi32, #tpu.memory_space<vmem>>) semaphore(%arg13 : memref<!tpu.dma_semaphore, #tpu.memory_space<semaphore_mem>>)
    %dma_start3A_349 = arith.constant 16 : i32
    %dma_start3A_350 = arith.constant 2048 : i32
    %dma_start3A_351 = arith.constant 0 : i32
    %dma_start3A_352 = tpu.memref_slice %arg11[%dma_start3A_350, %dma_start3A_351] : memref<3328x16xf32, #tpu.memory_space<vmem>> -> memref<128x16xf32, #tpu.memory_space<vmem>>
    %dma_start3A_353 = arith.constant 0 : i32
    %dma_start3A_354 = tpu.memref_slice %arg9[%dma_start3A_349, %dma_start3A_353] : memref<26x128xi32, #tpu.memory_space<vmem>> -> memref<1x128xi32, #tpu.memory_space<vmem>>
    %dma_start3A_355 = tpu.memref_squeeze %dma_start3A_354 : memref<1x128xi32, #tpu.memory_space<vmem>> -> memref<128xi32, #tpu.memory_space<vmem>>
    %dma_start3A_356 = arith.constant 0 : i32
    %dma_start3A_357 = arith.constant 0 : i32
    %dma_start3A_358 = tpu.memref_slice %arg4[%dma_start3A_356, %dma_start3A_357] : memref<65536x16xf32, #tpu.memory_space<hbm>> -> memref<65536x16xf32, #tpu.memory_space<hbm>>
    tpu.enqueue_indirect_dma source(%dma_start3A_358 : memref<65536x16xf32, #tpu.memory_space<hbm>>) target(%dma_start3A_352 : memref<128x16xf32, #tpu.memory_space<vmem>>) offsets(%dma_start3A_355 : memref<128xi32, #tpu.memory_space<vmem>>) semaphore(%arg14 : memref<!tpu.dma_semaphore, #tpu.memory_space<semaphore_mem>>)
    %dma_start3A_359 = arith.constant 17 : i32
    %dma_start3A_360 = arith.constant 2176 : i32
    %dma_start3A_361 = arith.constant 0 : i32
    %dma_start3A_362 = tpu.memref_slice %arg10[%dma_start3A_360, %dma_start3A_361] : memref<3328x16xf32, #tpu.memory_space<vmem>> -> memref<128x16xf32, #tpu.memory_space<vmem>>
    %dma_start3A_363 = arith.constant 0 : i32
    %dma_start3A_364 = tpu.memref_slice %arg8[%dma_start3A_359, %dma_start3A_363] : memref<26x128xi32, #tpu.memory_space<vmem>> -> memref<1x128xi32, #tpu.memory_space<vmem>>
    %dma_start3A_365 = tpu.memref_squeeze %dma_start3A_364 : memref<1x128xi32, #tpu.memory_space<vmem>> -> memref<128xi32, #tpu.memory_space<vmem>>
    %dma_start3A_366 = arith.constant 0 : i32
    %dma_start3A_367 = arith.constant 0 : i32
    %dma_start3A_368 = tpu.memref_slice %arg3[%dma_start3A_366, %dma_start3A_367] : memref<1048576x16xf32, #tpu.memory_space<hbm>> -> memref<1048576x16xf32, #tpu.memory_space<hbm>>
    tpu.enqueue_indirect_dma source(%dma_start3A_368 : memref<1048576x16xf32, #tpu.memory_space<hbm>>) target(%dma_start3A_362 : memref<128x16xf32, #tpu.memory_space<vmem>>) offsets(%dma_start3A_365 : memref<128xi32, #tpu.memory_space<vmem>>) semaphore(%arg13 : memref<!tpu.dma_semaphore, #tpu.memory_space<semaphore_mem>>)
    %dma_start3A_369 = arith.constant 17 : i32
    %dma_start3A_370 = arith.constant 2176 : i32
    %dma_start3A_371 = arith.constant 0 : i32
    %dma_start3A_372 = tpu.memref_slice %arg11[%dma_start3A_370, %dma_start3A_371] : memref<3328x16xf32, #tpu.memory_space<vmem>> -> memref<128x16xf32, #tpu.memory_space<vmem>>
    %dma_start3A_373 = arith.constant 0 : i32
    %dma_start3A_374 = tpu.memref_slice %arg9[%dma_start3A_369, %dma_start3A_373] : memref<26x128xi32, #tpu.memory_space<vmem>> -> memref<1x128xi32, #tpu.memory_space<vmem>>
    %dma_start3A_375 = tpu.memref_squeeze %dma_start3A_374 : memref<1x128xi32, #tpu.memory_space<vmem>> -> memref<128xi32, #tpu.memory_space<vmem>>
    %dma_start3A_376 = arith.constant 0 : i32
    %dma_start3A_377 = arith.constant 0 : i32
    %dma_start3A_378 = tpu.memref_slice %arg4[%dma_start3A_376, %dma_start3A_377] : memref<65536x16xf32, #tpu.memory_space<hbm>> -> memref<65536x16xf32, #tpu.memory_space<hbm>>
    tpu.enqueue_indirect_dma source(%dma_start3A_378 : memref<65536x16xf32, #tpu.memory_space<hbm>>) target(%dma_start3A_372 : memref<128x16xf32, #tpu.memory_space<vmem>>) offsets(%dma_start3A_375 : memref<128xi32, #tpu.memory_space<vmem>>) semaphore(%arg14 : memref<!tpu.dma_semaphore, #tpu.memory_space<semaphore_mem>>)
    %dma_start3A_379 = arith.constant 18 : i32
    %dma_start3A_380 = arith.constant 2304 : i32
    %dma_start3A_381 = arith.constant 0 : i32
    %dma_start3A_382 = tpu.memref_slice %arg10[%dma_start3A_380, %dma_start3A_381] : memref<3328x16xf32, #tpu.memory_space<vmem>> -> memref<128x16xf32, #tpu.memory_space<vmem>>
    %dma_start3A_383 = arith.constant 0 : i32
    %dma_start3A_384 = tpu.memref_slice %arg8[%dma_start3A_379, %dma_start3A_383] : memref<26x128xi32, #tpu.memory_space<vmem>> -> memref<1x128xi32, #tpu.memory_space<vmem>>
    %dma_start3A_385 = tpu.memref_squeeze %dma_start3A_384 : memref<1x128xi32, #tpu.memory_space<vmem>> -> memref<128xi32, #tpu.memory_space<vmem>>
    %dma_start3A_386 = arith.constant 0 : i32
    %dma_start3A_387 = arith.constant 0 : i32
    %dma_start3A_388 = tpu.memref_slice %arg3[%dma_start3A_386, %dma_start3A_387] : memref<1048576x16xf32, #tpu.memory_space<hbm>> -> memref<1048576x16xf32, #tpu.memory_space<hbm>>
    tpu.enqueue_indirect_dma source(%dma_start3A_388 : memref<1048576x16xf32, #tpu.memory_space<hbm>>) target(%dma_start3A_382 : memref<128x16xf32, #tpu.memory_space<vmem>>) offsets(%dma_start3A_385 : memref<128xi32, #tpu.memory_space<vmem>>) semaphore(%arg13 : memref<!tpu.dma_semaphore, #tpu.memory_space<semaphore_mem>>)
    %dma_start3A_389 = arith.constant 18 : i32
    %dma_start3A_390 = arith.constant 2304 : i32
    %dma_start3A_391 = arith.constant 0 : i32
    %dma_start3A_392 = tpu.memref_slice %arg11[%dma_start3A_390, %dma_start3A_391] : memref<3328x16xf32, #tpu.memory_space<vmem>> -> memref<128x16xf32, #tpu.memory_space<vmem>>
    %dma_start3A_393 = arith.constant 0 : i32
    %dma_start3A_394 = tpu.memref_slice %arg9[%dma_start3A_389, %dma_start3A_393] : memref<26x128xi32, #tpu.memory_space<vmem>> -> memref<1x128xi32, #tpu.memory_space<vmem>>
    %dma_start3A_395 = tpu.memref_squeeze %dma_start3A_394 : memref<1x128xi32, #tpu.memory_space<vmem>> -> memref<128xi32, #tpu.memory_space<vmem>>
    %dma_start3A_396 = arith.constant 0 : i32
    %dma_start3A_397 = arith.constant 0 : i32
    %dma_start3A_398 = tpu.memref_slice %arg4[%dma_start3A_396, %dma_start3A_397] : memref<65536x16xf32, #tpu.memory_space<hbm>> -> memref<65536x16xf32, #tpu.memory_space<hbm>>
    tpu.enqueue_indirect_dma source(%dma_start3A_398 : memref<65536x16xf32, #tpu.memory_space<hbm>>) target(%dma_start3A_392 : memref<128x16xf32, #tpu.memory_space<vmem>>) offsets(%dma_start3A_395 : memref<128xi32, #tpu.memory_space<vmem>>) semaphore(%arg14 : memref<!tpu.dma_semaphore, #tpu.memory_space<semaphore_mem>>)
    %dma_start3A_399 = arith.constant 19 : i32
    %dma_start3A_400 = arith.constant 2432 : i32
    %dma_start3A_401 = arith.constant 0 : i32
    %dma_start3A_402 = tpu.memref_slice %arg10[%dma_start3A_400, %dma_start3A_401] : memref<3328x16xf32, #tpu.memory_space<vmem>> -> memref<128x16xf32, #tpu.memory_space<vmem>>
    %dma_start3A_403 = arith.constant 0 : i32
    %dma_start3A_404 = tpu.memref_slice %arg8[%dma_start3A_399, %dma_start3A_403] : memref<26x128xi32, #tpu.memory_space<vmem>> -> memref<1x128xi32, #tpu.memory_space<vmem>>
    %dma_start3A_405 = tpu.memref_squeeze %dma_start3A_404 : memref<1x128xi32, #tpu.memory_space<vmem>> -> memref<128xi32, #tpu.memory_space<vmem>>
    %dma_start3A_406 = arith.constant 0 : i32
    %dma_start3A_407 = arith.constant 0 : i32
    %dma_start3A_408 = tpu.memref_slice %arg3[%dma_start3A_406, %dma_start3A_407] : memref<1048576x16xf32, #tpu.memory_space<hbm>> -> memref<1048576x16xf32, #tpu.memory_space<hbm>>
    tpu.enqueue_indirect_dma source(%dma_start3A_408 : memref<1048576x16xf32, #tpu.memory_space<hbm>>) target(%dma_start3A_402 : memref<128x16xf32, #tpu.memory_space<vmem>>) offsets(%dma_start3A_405 : memref<128xi32, #tpu.memory_space<vmem>>) semaphore(%arg13 : memref<!tpu.dma_semaphore, #tpu.memory_space<semaphore_mem>>)
    %dma_start3A_409 = arith.constant 19 : i32
    %dma_start3A_410 = arith.constant 2432 : i32
    %dma_start3A_411 = arith.constant 0 : i32
    %dma_start3A_412 = tpu.memref_slice %arg11[%dma_start3A_410, %dma_start3A_411] : memref<3328x16xf32, #tpu.memory_space<vmem>> -> memref<128x16xf32, #tpu.memory_space<vmem>>
    %dma_start3A_413 = arith.constant 0 : i32
    %dma_start3A_414 = tpu.memref_slice %arg9[%dma_start3A_409, %dma_start3A_413] : memref<26x128xi32, #tpu.memory_space<vmem>> -> memref<1x128xi32, #tpu.memory_space<vmem>>
    %dma_start3A_415 = tpu.memref_squeeze %dma_start3A_414 : memref<1x128xi32, #tpu.memory_space<vmem>> -> memref<128xi32, #tpu.memory_space<vmem>>
    %dma_start3A_416 = arith.constant 0 : i32
    %dma_start3A_417 = arith.constant 0 : i32
    %dma_start3A_418 = tpu.memref_slice %arg4[%dma_start3A_416, %dma_start3A_417] : memref<65536x16xf32, #tpu.memory_space<hbm>> -> memref<65536x16xf32, #tpu.memory_space<hbm>>
    tpu.enqueue_indirect_dma source(%dma_start3A_418 : memref<65536x16xf32, #tpu.memory_space<hbm>>) target(%dma_start3A_412 : memref<128x16xf32, #tpu.memory_space<vmem>>) offsets(%dma_start3A_415 : memref<128xi32, #tpu.memory_space<vmem>>) semaphore(%arg14 : memref<!tpu.dma_semaphore, #tpu.memory_space<semaphore_mem>>)
    %dma_start3A_419 = arith.constant 20 : i32
    %dma_start3A_420 = arith.constant 2560 : i32
    %dma_start3A_421 = arith.constant 0 : i32
    %dma_start3A_422 = tpu.memref_slice %arg10[%dma_start3A_420, %dma_start3A_421] : memref<3328x16xf32, #tpu.memory_space<vmem>> -> memref<128x16xf32, #tpu.memory_space<vmem>>
    %dma_start3A_423 = arith.constant 0 : i32
    %dma_start3A_424 = tpu.memref_slice %arg8[%dma_start3A_419, %dma_start3A_423] : memref<26x128xi32, #tpu.memory_space<vmem>> -> memref<1x128xi32, #tpu.memory_space<vmem>>
    %dma_start3A_425 = tpu.memref_squeeze %dma_start3A_424 : memref<1x128xi32, #tpu.memory_space<vmem>> -> memref<128xi32, #tpu.memory_space<vmem>>
    %dma_start3A_426 = arith.constant 0 : i32
    %dma_start3A_427 = arith.constant 0 : i32
    %dma_start3A_428 = tpu.memref_slice %arg3[%dma_start3A_426, %dma_start3A_427] : memref<1048576x16xf32, #tpu.memory_space<hbm>> -> memref<1048576x16xf32, #tpu.memory_space<hbm>>
    tpu.enqueue_indirect_dma source(%dma_start3A_428 : memref<1048576x16xf32, #tpu.memory_space<hbm>>) target(%dma_start3A_422 : memref<128x16xf32, #tpu.memory_space<vmem>>) offsets(%dma_start3A_425 : memref<128xi32, #tpu.memory_space<vmem>>) semaphore(%arg13 : memref<!tpu.dma_semaphore, #tpu.memory_space<semaphore_mem>>)
    %dma_start3A_429 = arith.constant 20 : i32
    %dma_start3A_430 = arith.constant 2560 : i32
    %dma_start3A_431 = arith.constant 0 : i32
    %dma_start3A_432 = tpu.memref_slice %arg11[%dma_start3A_430, %dma_start3A_431] : memref<3328x16xf32, #tpu.memory_space<vmem>> -> memref<128x16xf32, #tpu.memory_space<vmem>>
    %dma_start3A_433 = arith.constant 0 : i32
    %dma_start3A_434 = tpu.memref_slice %arg9[%dma_start3A_429, %dma_start3A_433] : memref<26x128xi32, #tpu.memory_space<vmem>> -> memref<1x128xi32, #tpu.memory_space<vmem>>
    %dma_start3A_435 = tpu.memref_squeeze %dma_start3A_434 : memref<1x128xi32, #tpu.memory_space<vmem>> -> memref<128xi32, #tpu.memory_space<vmem>>
    %dma_start3A_436 = arith.constant 0 : i32
    %dma_start3A_437 = arith.constant 0 : i32
    %dma_start3A_438 = tpu.memref_slice %arg4[%dma_start3A_436, %dma_start3A_437] : memref<65536x16xf32, #tpu.memory_space<hbm>> -> memref<65536x16xf32, #tpu.memory_space<hbm>>
    tpu.enqueue_indirect_dma source(%dma_start3A_438 : memref<65536x16xf32, #tpu.memory_space<hbm>>) target(%dma_start3A_432 : memref<128x16xf32, #tpu.memory_space<vmem>>) offsets(%dma_start3A_435 : memref<128xi32, #tpu.memory_space<vmem>>) semaphore(%arg14 : memref<!tpu.dma_semaphore, #tpu.memory_space<semaphore_mem>>)
    %dma_start3A_439 = arith.constant 21 : i32
    %dma_start3A_440 = arith.constant 2688 : i32
    %dma_start3A_441 = arith.constant 0 : i32
    %dma_start3A_442 = tpu.memref_slice %arg10[%dma_start3A_440, %dma_start3A_441] : memref<3328x16xf32, #tpu.memory_space<vmem>> -> memref<128x16xf32, #tpu.memory_space<vmem>>
    %dma_start3A_443 = arith.constant 0 : i32
    %dma_start3A_444 = tpu.memref_slice %arg8[%dma_start3A_439, %dma_start3A_443] : memref<26x128xi32, #tpu.memory_space<vmem>> -> memref<1x128xi32, #tpu.memory_space<vmem>>
    %dma_start3A_445 = tpu.memref_squeeze %dma_start3A_444 : memref<1x128xi32, #tpu.memory_space<vmem>> -> memref<128xi32, #tpu.memory_space<vmem>>
    %dma_start3A_446 = arith.constant 0 : i32
    %dma_start3A_447 = arith.constant 0 : i32
    %dma_start3A_448 = tpu.memref_slice %arg3[%dma_start3A_446, %dma_start3A_447] : memref<1048576x16xf32, #tpu.memory_space<hbm>> -> memref<1048576x16xf32, #tpu.memory_space<hbm>>
    tpu.enqueue_indirect_dma source(%dma_start3A_448 : memref<1048576x16xf32, #tpu.memory_space<hbm>>) target(%dma_start3A_442 : memref<128x16xf32, #tpu.memory_space<vmem>>) offsets(%dma_start3A_445 : memref<128xi32, #tpu.memory_space<vmem>>) semaphore(%arg13 : memref<!tpu.dma_semaphore, #tpu.memory_space<semaphore_mem>>)
    %dma_start3A_449 = arith.constant 21 : i32
    %dma_start3A_450 = arith.constant 2688 : i32
    %dma_start3A_451 = arith.constant 0 : i32
    %dma_start3A_452 = tpu.memref_slice %arg11[%dma_start3A_450, %dma_start3A_451] : memref<3328x16xf32, #tpu.memory_space<vmem>> -> memref<128x16xf32, #tpu.memory_space<vmem>>
    %dma_start3A_453 = arith.constant 0 : i32
    %dma_start3A_454 = tpu.memref_slice %arg9[%dma_start3A_449, %dma_start3A_453] : memref<26x128xi32, #tpu.memory_space<vmem>> -> memref<1x128xi32, #tpu.memory_space<vmem>>
    %dma_start3A_455 = tpu.memref_squeeze %dma_start3A_454 : memref<1x128xi32, #tpu.memory_space<vmem>> -> memref<128xi32, #tpu.memory_space<vmem>>
    %dma_start3A_456 = arith.constant 0 : i32
    %dma_start3A_457 = arith.constant 0 : i32
    %dma_start3A_458 = tpu.memref_slice %arg4[%dma_start3A_456, %dma_start3A_457] : memref<65536x16xf32, #tpu.memory_space<hbm>> -> memref<65536x16xf32, #tpu.memory_space<hbm>>
    tpu.enqueue_indirect_dma source(%dma_start3A_458 : memref<65536x16xf32, #tpu.memory_space<hbm>>) target(%dma_start3A_452 : memref<128x16xf32, #tpu.memory_space<vmem>>) offsets(%dma_start3A_455 : memref<128xi32, #tpu.memory_space<vmem>>) semaphore(%arg14 : memref<!tpu.dma_semaphore, #tpu.memory_space<semaphore_mem>>)
    %dma_start3A_459 = arith.constant 22 : i32
    %dma_start3A_460 = arith.constant 2816 : i32
    %dma_start3A_461 = arith.constant 0 : i32
    %dma_start3A_462 = tpu.memref_slice %arg10[%dma_start3A_460, %dma_start3A_461] : memref<3328x16xf32, #tpu.memory_space<vmem>> -> memref<128x16xf32, #tpu.memory_space<vmem>>
    %dma_start3A_463 = arith.constant 0 : i32
    %dma_start3A_464 = tpu.memref_slice %arg8[%dma_start3A_459, %dma_start3A_463] : memref<26x128xi32, #tpu.memory_space<vmem>> -> memref<1x128xi32, #tpu.memory_space<vmem>>
    %dma_start3A_465 = tpu.memref_squeeze %dma_start3A_464 : memref<1x128xi32, #tpu.memory_space<vmem>> -> memref<128xi32, #tpu.memory_space<vmem>>
    %dma_start3A_466 = arith.constant 0 : i32
    %dma_start3A_467 = arith.constant 0 : i32
    %dma_start3A_468 = tpu.memref_slice %arg3[%dma_start3A_466, %dma_start3A_467] : memref<1048576x16xf32, #tpu.memory_space<hbm>> -> memref<1048576x16xf32, #tpu.memory_space<hbm>>
    tpu.enqueue_indirect_dma source(%dma_start3A_468 : memref<1048576x16xf32, #tpu.memory_space<hbm>>) target(%dma_start3A_462 : memref<128x16xf32, #tpu.memory_space<vmem>>) offsets(%dma_start3A_465 : memref<128xi32, #tpu.memory_space<vmem>>) semaphore(%arg13 : memref<!tpu.dma_semaphore, #tpu.memory_space<semaphore_mem>>)
    %dma_start3A_469 = arith.constant 22 : i32
    %dma_start3A_470 = arith.constant 2816 : i32
    %dma_start3A_471 = arith.constant 0 : i32
    %dma_start3A_472 = tpu.memref_slice %arg11[%dma_start3A_470, %dma_start3A_471] : memref<3328x16xf32, #tpu.memory_space<vmem>> -> memref<128x16xf32, #tpu.memory_space<vmem>>
    %dma_start3A_473 = arith.constant 0 : i32
    %dma_start3A_474 = tpu.memref_slice %arg9[%dma_start3A_469, %dma_start3A_473] : memref<26x128xi32, #tpu.memory_space<vmem>> -> memref<1x128xi32, #tpu.memory_space<vmem>>
    %dma_start3A_475 = tpu.memref_squeeze %dma_start3A_474 : memref<1x128xi32, #tpu.memory_space<vmem>> -> memref<128xi32, #tpu.memory_space<vmem>>
    %dma_start3A_476 = arith.constant 0 : i32
    %dma_start3A_477 = arith.constant 0 : i32
    %dma_start3A_478 = tpu.memref_slice %arg4[%dma_start3A_476, %dma_start3A_477] : memref<65536x16xf32, #tpu.memory_space<hbm>> -> memref<65536x16xf32, #tpu.memory_space<hbm>>
    tpu.enqueue_indirect_dma source(%dma_start3A_478 : memref<65536x16xf32, #tpu.memory_space<hbm>>) target(%dma_start3A_472 : memref<128x16xf32, #tpu.memory_space<vmem>>) offsets(%dma_start3A_475 : memref<128xi32, #tpu.memory_space<vmem>>) semaphore(%arg14 : memref<!tpu.dma_semaphore, #tpu.memory_space<semaphore_mem>>)
    %dma_start3A_479 = arith.constant 23 : i32
    %dma_start3A_480 = arith.constant 2944 : i32
    %dma_start3A_481 = arith.constant 0 : i32
    %dma_start3A_482 = tpu.memref_slice %arg10[%dma_start3A_480, %dma_start3A_481] : memref<3328x16xf32, #tpu.memory_space<vmem>> -> memref<128x16xf32, #tpu.memory_space<vmem>>
    %dma_start3A_483 = arith.constant 0 : i32
    %dma_start3A_484 = tpu.memref_slice %arg8[%dma_start3A_479, %dma_start3A_483] : memref<26x128xi32, #tpu.memory_space<vmem>> -> memref<1x128xi32, #tpu.memory_space<vmem>>
    %dma_start3A_485 = tpu.memref_squeeze %dma_start3A_484 : memref<1x128xi32, #tpu.memory_space<vmem>> -> memref<128xi32, #tpu.memory_space<vmem>>
    %dma_start3A_486 = arith.constant 0 : i32
    %dma_start3A_487 = arith.constant 0 : i32
    %dma_start3A_488 = tpu.memref_slice %arg3[%dma_start3A_486, %dma_start3A_487] : memref<1048576x16xf32, #tpu.memory_space<hbm>> -> memref<1048576x16xf32, #tpu.memory_space<hbm>>
    tpu.enqueue_indirect_dma source(%dma_start3A_488 : memref<1048576x16xf32, #tpu.memory_space<hbm>>) target(%dma_start3A_482 : memref<128x16xf32, #tpu.memory_space<vmem>>) offsets(%dma_start3A_485 : memref<128xi32, #tpu.memory_space<vmem>>) semaphore(%arg13 : memref<!tpu.dma_semaphore, #tpu.memory_space<semaphore_mem>>)
    %dma_start3A_489 = arith.constant 23 : i32
    %dma_start3A_490 = arith.constant 2944 : i32
    %dma_start3A_491 = arith.constant 0 : i32
    %dma_start3A_492 = tpu.memref_slice %arg11[%dma_start3A_490, %dma_start3A_491] : memref<3328x16xf32, #tpu.memory_space<vmem>> -> memref<128x16xf32, #tpu.memory_space<vmem>>
    %dma_start3A_493 = arith.constant 0 : i32
    %dma_start3A_494 = tpu.memref_slice %arg9[%dma_start3A_489, %dma_start3A_493] : memref<26x128xi32, #tpu.memory_space<vmem>> -> memref<1x128xi32, #tpu.memory_space<vmem>>
    %dma_start3A_495 = tpu.memref_squeeze %dma_start3A_494 : memref<1x128xi32, #tpu.memory_space<vmem>> -> memref<128xi32, #tpu.memory_space<vmem>>
    %dma_start3A_496 = arith.constant 0 : i32
    %dma_start3A_497 = arith.constant 0 : i32
    %dma_start3A_498 = tpu.memref_slice %arg4[%dma_start3A_496, %dma_start3A_497] : memref<65536x16xf32, #tpu.memory_space<hbm>> -> memref<65536x16xf32, #tpu.memory_space<hbm>>
    tpu.enqueue_indirect_dma source(%dma_start3A_498 : memref<65536x16xf32, #tpu.memory_space<hbm>>) target(%dma_start3A_492 : memref<128x16xf32, #tpu.memory_space<vmem>>) offsets(%dma_start3A_495 : memref<128xi32, #tpu.memory_space<vmem>>) semaphore(%arg14 : memref<!tpu.dma_semaphore, #tpu.memory_space<semaphore_mem>>)
    %dma_start3A_499 = arith.constant 24 : i32
    %dma_start3A_500 = arith.constant 3072 : i32
    %dma_start3A_501 = arith.constant 0 : i32
    %dma_start3A_502 = tpu.memref_slice %arg10[%dma_start3A_500, %dma_start3A_501] : memref<3328x16xf32, #tpu.memory_space<vmem>> -> memref<128x16xf32, #tpu.memory_space<vmem>>
    %dma_start3A_503 = arith.constant 0 : i32
    %dma_start3A_504 = tpu.memref_slice %arg8[%dma_start3A_499, %dma_start3A_503] : memref<26x128xi32, #tpu.memory_space<vmem>> -> memref<1x128xi32, #tpu.memory_space<vmem>>
    %dma_start3A_505 = tpu.memref_squeeze %dma_start3A_504 : memref<1x128xi32, #tpu.memory_space<vmem>> -> memref<128xi32, #tpu.memory_space<vmem>>
    %dma_start3A_506 = arith.constant 0 : i32
    %dma_start3A_507 = arith.constant 0 : i32
    %dma_start3A_508 = tpu.memref_slice %arg3[%dma_start3A_506, %dma_start3A_507] : memref<1048576x16xf32, #tpu.memory_space<hbm>> -> memref<1048576x16xf32, #tpu.memory_space<hbm>>
    tpu.enqueue_indirect_dma source(%dma_start3A_508 : memref<1048576x16xf32, #tpu.memory_space<hbm>>) target(%dma_start3A_502 : memref<128x16xf32, #tpu.memory_space<vmem>>) offsets(%dma_start3A_505 : memref<128xi32, #tpu.memory_space<vmem>>) semaphore(%arg13 : memref<!tpu.dma_semaphore, #tpu.memory_space<semaphore_mem>>)
    %dma_start3A_509 = arith.constant 24 : i32
    %dma_start3A_510 = arith.constant 3072 : i32
    %dma_start3A_511 = arith.constant 0 : i32
    %dma_start3A_512 = tpu.memref_slice %arg11[%dma_start3A_510, %dma_start3A_511] : memref<3328x16xf32, #tpu.memory_space<vmem>> -> memref<128x16xf32, #tpu.memory_space<vmem>>
    %dma_start3A_513 = arith.constant 0 : i32
    %dma_start3A_514 = tpu.memref_slice %arg9[%dma_start3A_509, %dma_start3A_513] : memref<26x128xi32, #tpu.memory_space<vmem>> -> memref<1x128xi32, #tpu.memory_space<vmem>>
    %dma_start3A_515 = tpu.memref_squeeze %dma_start3A_514 : memref<1x128xi32, #tpu.memory_space<vmem>> -> memref<128xi32, #tpu.memory_space<vmem>>
    %dma_start3A_516 = arith.constant 0 : i32
    %dma_start3A_517 = arith.constant 0 : i32
    %dma_start3A_518 = tpu.memref_slice %arg4[%dma_start3A_516, %dma_start3A_517] : memref<65536x16xf32, #tpu.memory_space<hbm>> -> memref<65536x16xf32, #tpu.memory_space<hbm>>
    tpu.enqueue_indirect_dma source(%dma_start3A_518 : memref<65536x16xf32, #tpu.memory_space<hbm>>) target(%dma_start3A_512 : memref<128x16xf32, #tpu.memory_space<vmem>>) offsets(%dma_start3A_515 : memref<128xi32, #tpu.memory_space<vmem>>) semaphore(%arg14 : memref<!tpu.dma_semaphore, #tpu.memory_space<semaphore_mem>>)
    %dma_start3A_519 = arith.constant 25 : i32
    %dma_start3A_520 = arith.constant 3200 : i32
    %dma_start3A_521 = arith.constant 0 : i32
    %dma_start3A_522 = tpu.memref_slice %arg10[%dma_start3A_520, %dma_start3A_521] : memref<3328x16xf32, #tpu.memory_space<vmem>> -> memref<128x16xf32, #tpu.memory_space<vmem>>
    %dma_start3A_523 = arith.constant 0 : i32
    %dma_start3A_524 = tpu.memref_slice %arg8[%dma_start3A_519, %dma_start3A_523] : memref<26x128xi32, #tpu.memory_space<vmem>> -> memref<1x128xi32, #tpu.memory_space<vmem>>
    %dma_start3A_525 = tpu.memref_squeeze %dma_start3A_524 : memref<1x128xi32, #tpu.memory_space<vmem>> -> memref<128xi32, #tpu.memory_space<vmem>>
    %dma_start3A_526 = arith.constant 0 : i32
    %dma_start3A_527 = arith.constant 0 : i32
    %dma_start3A_528 = tpu.memref_slice %arg3[%dma_start3A_526, %dma_start3A_527] : memref<1048576x16xf32, #tpu.memory_space<hbm>> -> memref<1048576x16xf32, #tpu.memory_space<hbm>>
    tpu.enqueue_indirect_dma source(%dma_start3A_528 : memref<1048576x16xf32, #tpu.memory_space<hbm>>) target(%dma_start3A_522 : memref<128x16xf32, #tpu.memory_space<vmem>>) offsets(%dma_start3A_525 : memref<128xi32, #tpu.memory_space<vmem>>) semaphore(%arg13 : memref<!tpu.dma_semaphore, #tpu.memory_space<semaphore_mem>>)
    %dma_start3A_529 = arith.constant 25 : i32
    %dma_start3A_530 = arith.constant 3200 : i32
    %dma_start3A_531 = arith.constant 0 : i32
    %dma_start3A_532 = tpu.memref_slice %arg11[%dma_start3A_530, %dma_start3A_531] : memref<3328x16xf32, #tpu.memory_space<vmem>> -> memref<128x16xf32, #tpu.memory_space<vmem>>
    %dma_start3A_533 = arith.constant 0 : i32
    %dma_start3A_534 = tpu.memref_slice %arg9[%dma_start3A_529, %dma_start3A_533] : memref<26x128xi32, #tpu.memory_space<vmem>> -> memref<1x128xi32, #tpu.memory_space<vmem>>
    %dma_start3A_535 = tpu.memref_squeeze %dma_start3A_534 : memref<1x128xi32, #tpu.memory_space<vmem>> -> memref<128xi32, #tpu.memory_space<vmem>>
    %dma_start3A_536 = arith.constant 0 : i32
    %dma_start3A_537 = arith.constant 0 : i32
    %dma_start3A_538 = tpu.memref_slice %arg4[%dma_start3A_536, %dma_start3A_537] : memref<65536x16xf32, #tpu.memory_space<hbm>> -> memref<65536x16xf32, #tpu.memory_space<hbm>>
    tpu.enqueue_indirect_dma source(%dma_start3A_538 : memref<65536x16xf32, #tpu.memory_space<hbm>>) target(%dma_start3A_532 : memref<128x16xf32, #tpu.memory_space<vmem>>) offsets(%dma_start3A_535 : memref<128xi32, #tpu.memory_space<vmem>>) semaphore(%arg14 : memref<!tpu.dma_semaphore, #tpu.memory_space<semaphore_mem>>)
    %dma_wait3A_539 = arith.constant 0 : i32
    %dma_wait3A_540 = arith.constant 0 : i32
    %dma_wait3A_541 = arith.constant 0 : i32
    %dma_wait3A_542 = tpu.memref_slice %arg10[%dma_wait3A_540, %dma_wait3A_541] : memref<3328x16xf32, #tpu.memory_space<vmem>> -> memref<128x16xf32, #tpu.memory_space<vmem>>
    %dma_wait3A_543 = arith.constant 0 : i32
    %dma_wait3A_544 = tpu.memref_slice %arg8[%dma_wait3A_539, %dma_wait3A_543] : memref<26x128xi32, #tpu.memory_space<vmem>> -> memref<1x128xi32, #tpu.memory_space<vmem>>
    %dma_wait3A_545 = tpu.memref_squeeze %dma_wait3A_544 : memref<1x128xi32, #tpu.memory_space<vmem>> -> memref<128xi32, #tpu.memory_space<vmem>>
    %dma_wait3A_546 = arith.constant 0 : i32
    %dma_wait3A_547 = arith.constant 0 : i32
    %dma_wait3A_548 = tpu.memref_slice %arg3[%dma_wait3A_546, %dma_wait3A_547] : memref<1048576x16xf32, #tpu.memory_space<hbm>> -> memref<1048576x16xf32, #tpu.memory_space<hbm>>
    tpu.wait_indirect_dma semaphore(%arg13 : memref<!tpu.dma_semaphore, #tpu.memory_space<semaphore_mem>>) src(%dma_wait3A_548 : memref<1048576x16xf32, #tpu.memory_space<hbm>>) dst(%dma_wait3A_542 : memref<128x16xf32, #tpu.memory_space<vmem>>)
    %dma_wait3A_549 = arith.constant 0 : i32
    %dma_wait3A_550 = arith.constant 0 : i32
    %dma_wait3A_551 = arith.constant 0 : i32
    %dma_wait3A_552 = tpu.memref_slice %arg11[%dma_wait3A_550, %dma_wait3A_551] : memref<3328x16xf32, #tpu.memory_space<vmem>> -> memref<128x16xf32, #tpu.memory_space<vmem>>
    %dma_wait3A_553 = arith.constant 0 : i32
    %dma_wait3A_554 = tpu.memref_slice %arg9[%dma_wait3A_549, %dma_wait3A_553] : memref<26x128xi32, #tpu.memory_space<vmem>> -> memref<1x128xi32, #tpu.memory_space<vmem>>
    %dma_wait3A_555 = tpu.memref_squeeze %dma_wait3A_554 : memref<1x128xi32, #tpu.memory_space<vmem>> -> memref<128xi32, #tpu.memory_space<vmem>>
    %dma_wait3A_556 = arith.constant 0 : i32
    %dma_wait3A_557 = arith.constant 0 : i32
    %dma_wait3A_558 = tpu.memref_slice %arg4[%dma_wait3A_556, %dma_wait3A_557] : memref<65536x16xf32, #tpu.memory_space<hbm>> -> memref<65536x16xf32, #tpu.memory_space<hbm>>
    tpu.wait_indirect_dma semaphore(%arg14 : memref<!tpu.dma_semaphore, #tpu.memory_space<semaphore_mem>>) src(%dma_wait3A_558 : memref<65536x16xf32, #tpu.memory_space<hbm>>) dst(%dma_wait3A_552 : memref<128x16xf32, #tpu.memory_space<vmem>>)
    %dma_wait3A_559 = arith.constant 1 : i32
    %dma_wait3A_560 = arith.constant 128 : i32
    %dma_wait3A_561 = arith.constant 0 : i32
    %dma_wait3A_562 = tpu.memref_slice %arg10[%dma_wait3A_560, %dma_wait3A_561] : memref<3328x16xf32, #tpu.memory_space<vmem>> -> memref<128x16xf32, #tpu.memory_space<vmem>>
    %dma_wait3A_563 = arith.constant 0 : i32
    %dma_wait3A_564 = tpu.memref_slice %arg8[%dma_wait3A_559, %dma_wait3A_563] : memref<26x128xi32, #tpu.memory_space<vmem>> -> memref<1x128xi32, #tpu.memory_space<vmem>>
    %dma_wait3A_565 = tpu.memref_squeeze %dma_wait3A_564 : memref<1x128xi32, #tpu.memory_space<vmem>> -> memref<128xi32, #tpu.memory_space<vmem>>
    %dma_wait3A_566 = arith.constant 0 : i32
    %dma_wait3A_567 = arith.constant 0 : i32
    %dma_wait3A_568 = tpu.memref_slice %arg3[%dma_wait3A_566, %dma_wait3A_567] : memref<1048576x16xf32, #tpu.memory_space<hbm>> -> memref<1048576x16xf32, #tpu.memory_space<hbm>>
    tpu.wait_indirect_dma semaphore(%arg13 : memref<!tpu.dma_semaphore, #tpu.memory_space<semaphore_mem>>) src(%dma_wait3A_568 : memref<1048576x16xf32, #tpu.memory_space<hbm>>) dst(%dma_wait3A_562 : memref<128x16xf32, #tpu.memory_space<vmem>>)
    %dma_wait3A_569 = arith.constant 1 : i32
    %dma_wait3A_570 = arith.constant 128 : i32
    %dma_wait3A_571 = arith.constant 0 : i32
    %dma_wait3A_572 = tpu.memref_slice %arg11[%dma_wait3A_570, %dma_wait3A_571] : memref<3328x16xf32, #tpu.memory_space<vmem>> -> memref<128x16xf32, #tpu.memory_space<vmem>>
    %dma_wait3A_573 = arith.constant 0 : i32
    %dma_wait3A_574 = tpu.memref_slice %arg9[%dma_wait3A_569, %dma_wait3A_573] : memref<26x128xi32, #tpu.memory_space<vmem>> -> memref<1x128xi32, #tpu.memory_space<vmem>>
    %dma_wait3A_575 = tpu.memref_squeeze %dma_wait3A_574 : memref<1x128xi32, #tpu.memory_space<vmem>> -> memref<128xi32, #tpu.memory_space<vmem>>
    %dma_wait3A_576 = arith.constant 0 : i32
    %dma_wait3A_577 = arith.constant 0 : i32
    %dma_wait3A_578 = tpu.memref_slice %arg4[%dma_wait3A_576, %dma_wait3A_577] : memref<65536x16xf32, #tpu.memory_space<hbm>> -> memref<65536x16xf32, #tpu.memory_space<hbm>>
    tpu.wait_indirect_dma semaphore(%arg14 : memref<!tpu.dma_semaphore, #tpu.memory_space<semaphore_mem>>) src(%dma_wait3A_578 : memref<65536x16xf32, #tpu.memory_space<hbm>>) dst(%dma_wait3A_572 : memref<128x16xf32, #tpu.memory_space<vmem>>)
    %dma_wait3A_579 = arith.constant 2 : i32
    %dma_wait3A_580 = arith.constant 256 : i32
    %dma_wait3A_581 = arith.constant 0 : i32
    %dma_wait3A_582 = tpu.memref_slice %arg10[%dma_wait3A_580, %dma_wait3A_581] : memref<3328x16xf32, #tpu.memory_space<vmem>> -> memref<128x16xf32, #tpu.memory_space<vmem>>
    %dma_wait3A_583 = arith.constant 0 : i32
    %dma_wait3A_584 = tpu.memref_slice %arg8[%dma_wait3A_579, %dma_wait3A_583] : memref<26x128xi32, #tpu.memory_space<vmem>> -> memref<1x128xi32, #tpu.memory_space<vmem>>
    %dma_wait3A_585 = tpu.memref_squeeze %dma_wait3A_584 : memref<1x128xi32, #tpu.memory_space<vmem>> -> memref<128xi32, #tpu.memory_space<vmem>>
    %dma_wait3A_586 = arith.constant 0 : i32
    %dma_wait3A_587 = arith.constant 0 : i32
    %dma_wait3A_588 = tpu.memref_slice %arg3[%dma_wait3A_586, %dma_wait3A_587] : memref<1048576x16xf32, #tpu.memory_space<hbm>> -> memref<1048576x16xf32, #tpu.memory_space<hbm>>
    tpu.wait_indirect_dma semaphore(%arg13 : memref<!tpu.dma_semaphore, #tpu.memory_space<semaphore_mem>>) src(%dma_wait3A_588 : memref<1048576x16xf32, #tpu.memory_space<hbm>>) dst(%dma_wait3A_582 : memref<128x16xf32, #tpu.memory_space<vmem>>)
    %dma_wait3A_589 = arith.constant 2 : i32
    %dma_wait3A_590 = arith.constant 256 : i32
    %dma_wait3A_591 = arith.constant 0 : i32
    %dma_wait3A_592 = tpu.memref_slice %arg11[%dma_wait3A_590, %dma_wait3A_591] : memref<3328x16xf32, #tpu.memory_space<vmem>> -> memref<128x16xf32, #tpu.memory_space<vmem>>
    %dma_wait3A_593 = arith.constant 0 : i32
    %dma_wait3A_594 = tpu.memref_slice %arg9[%dma_wait3A_589, %dma_wait3A_593] : memref<26x128xi32, #tpu.memory_space<vmem>> -> memref<1x128xi32, #tpu.memory_space<vmem>>
    %dma_wait3A_595 = tpu.memref_squeeze %dma_wait3A_594 : memref<1x128xi32, #tpu.memory_space<vmem>> -> memref<128xi32, #tpu.memory_space<vmem>>
    %dma_wait3A_596 = arith.constant 0 : i32
    %dma_wait3A_597 = arith.constant 0 : i32
    %dma_wait3A_598 = tpu.memref_slice %arg4[%dma_wait3A_596, %dma_wait3A_597] : memref<65536x16xf32, #tpu.memory_space<hbm>> -> memref<65536x16xf32, #tpu.memory_space<hbm>>
    tpu.wait_indirect_dma semaphore(%arg14 : memref<!tpu.dma_semaphore, #tpu.memory_space<semaphore_mem>>) src(%dma_wait3A_598 : memref<65536x16xf32, #tpu.memory_space<hbm>>) dst(%dma_wait3A_592 : memref<128x16xf32, #tpu.memory_space<vmem>>)
    %dma_wait3A_599 = arith.constant 3 : i32
    %dma_wait3A_600 = arith.constant 384 : i32
    %dma_wait3A_601 = arith.constant 0 : i32
    %dma_wait3A_602 = tpu.memref_slice %arg10[%dma_wait3A_600, %dma_wait3A_601] : memref<3328x16xf32, #tpu.memory_space<vmem>> -> memref<128x16xf32, #tpu.memory_space<vmem>>
    %dma_wait3A_603 = arith.constant 0 : i32
    %dma_wait3A_604 = tpu.memref_slice %arg8[%dma_wait3A_599, %dma_wait3A_603] : memref<26x128xi32, #tpu.memory_space<vmem>> -> memref<1x128xi32, #tpu.memory_space<vmem>>
    %dma_wait3A_605 = tpu.memref_squeeze %dma_wait3A_604 : memref<1x128xi32, #tpu.memory_space<vmem>> -> memref<128xi32, #tpu.memory_space<vmem>>
    %dma_wait3A_606 = arith.constant 0 : i32
    %dma_wait3A_607 = arith.constant 0 : i32
    %dma_wait3A_608 = tpu.memref_slice %arg3[%dma_wait3A_606, %dma_wait3A_607] : memref<1048576x16xf32, #tpu.memory_space<hbm>> -> memref<1048576x16xf32, #tpu.memory_space<hbm>>
    tpu.wait_indirect_dma semaphore(%arg13 : memref<!tpu.dma_semaphore, #tpu.memory_space<semaphore_mem>>) src(%dma_wait3A_608 : memref<1048576x16xf32, #tpu.memory_space<hbm>>) dst(%dma_wait3A_602 : memref<128x16xf32, #tpu.memory_space<vmem>>)
    %dma_wait3A_609 = arith.constant 3 : i32
    %dma_wait3A_610 = arith.constant 384 : i32
    %dma_wait3A_611 = arith.constant 0 : i32
    %dma_wait3A_612 = tpu.memref_slice %arg11[%dma_wait3A_610, %dma_wait3A_611] : memref<3328x16xf32, #tpu.memory_space<vmem>> -> memref<128x16xf32, #tpu.memory_space<vmem>>
    %dma_wait3A_613 = arith.constant 0 : i32
    %dma_wait3A_614 = tpu.memref_slice %arg9[%dma_wait3A_609, %dma_wait3A_613] : memref<26x128xi32, #tpu.memory_space<vmem>> -> memref<1x128xi32, #tpu.memory_space<vmem>>
    %dma_wait3A_615 = tpu.memref_squeeze %dma_wait3A_614 : memref<1x128xi32, #tpu.memory_space<vmem>> -> memref<128xi32, #tpu.memory_space<vmem>>
    %dma_wait3A_616 = arith.constant 0 : i32
    %dma_wait3A_617 = arith.constant 0 : i32
    %dma_wait3A_618 = tpu.memref_slice %arg4[%dma_wait3A_616, %dma_wait3A_617] : memref<65536x16xf32, #tpu.memory_space<hbm>> -> memref<65536x16xf32, #tpu.memory_space<hbm>>
    tpu.wait_indirect_dma semaphore(%arg14 : memref<!tpu.dma_semaphore, #tpu.memory_space<semaphore_mem>>) src(%dma_wait3A_618 : memref<65536x16xf32, #tpu.memory_space<hbm>>) dst(%dma_wait3A_612 : memref<128x16xf32, #tpu.memory_space<vmem>>)
    %dma_wait3A_619 = arith.constant 4 : i32
    %dma_wait3A_620 = arith.constant 512 : i32
    %dma_wait3A_621 = arith.constant 0 : i32
    %dma_wait3A_622 = tpu.memref_slice %arg10[%dma_wait3A_620, %dma_wait3A_621] : memref<3328x16xf32, #tpu.memory_space<vmem>> -> memref<128x16xf32, #tpu.memory_space<vmem>>
    %dma_wait3A_623 = arith.constant 0 : i32
    %dma_wait3A_624 = tpu.memref_slice %arg8[%dma_wait3A_619, %dma_wait3A_623] : memref<26x128xi32, #tpu.memory_space<vmem>> -> memref<1x128xi32, #tpu.memory_space<vmem>>
    %dma_wait3A_625 = tpu.memref_squeeze %dma_wait3A_624 : memref<1x128xi32, #tpu.memory_space<vmem>> -> memref<128xi32, #tpu.memory_space<vmem>>
    %dma_wait3A_626 = arith.constant 0 : i32
    %dma_wait3A_627 = arith.constant 0 : i32
    %dma_wait3A_628 = tpu.memref_slice %arg3[%dma_wait3A_626, %dma_wait3A_627] : memref<1048576x16xf32, #tpu.memory_space<hbm>> -> memref<1048576x16xf32, #tpu.memory_space<hbm>>
    tpu.wait_indirect_dma semaphore(%arg13 : memref<!tpu.dma_semaphore, #tpu.memory_space<semaphore_mem>>) src(%dma_wait3A_628 : memref<1048576x16xf32, #tpu.memory_space<hbm>>) dst(%dma_wait3A_622 : memref<128x16xf32, #tpu.memory_space<vmem>>)
    %dma_wait3A_629 = arith.constant 4 : i32
    %dma_wait3A_630 = arith.constant 512 : i32
    %dma_wait3A_631 = arith.constant 0 : i32
    %dma_wait3A_632 = tpu.memref_slice %arg11[%dma_wait3A_630, %dma_wait3A_631] : memref<3328x16xf32, #tpu.memory_space<vmem>> -> memref<128x16xf32, #tpu.memory_space<vmem>>
    %dma_wait3A_633 = arith.constant 0 : i32
    %dma_wait3A_634 = tpu.memref_slice %arg9[%dma_wait3A_629, %dma_wait3A_633] : memref<26x128xi32, #tpu.memory_space<vmem>> -> memref<1x128xi32, #tpu.memory_space<vmem>>
    %dma_wait3A_635 = tpu.memref_squeeze %dma_wait3A_634 : memref<1x128xi32, #tpu.memory_space<vmem>> -> memref<128xi32, #tpu.memory_space<vmem>>
    %dma_wait3A_636 = arith.constant 0 : i32
    %dma_wait3A_637 = arith.constant 0 : i32
    %dma_wait3A_638 = tpu.memref_slice %arg4[%dma_wait3A_636, %dma_wait3A_637] : memref<65536x16xf32, #tpu.memory_space<hbm>> -> memref<65536x16xf32, #tpu.memory_space<hbm>>
    tpu.wait_indirect_dma semaphore(%arg14 : memref<!tpu.dma_semaphore, #tpu.memory_space<semaphore_mem>>) src(%dma_wait3A_638 : memref<65536x16xf32, #tpu.memory_space<hbm>>) dst(%dma_wait3A_632 : memref<128x16xf32, #tpu.memory_space<vmem>>)
    %dma_wait3A_639 = arith.constant 5 : i32
    %dma_wait3A_640 = arith.constant 640 : i32
    %dma_wait3A_641 = arith.constant 0 : i32
    %dma_wait3A_642 = tpu.memref_slice %arg10[%dma_wait3A_640, %dma_wait3A_641] : memref<3328x16xf32, #tpu.memory_space<vmem>> -> memref<128x16xf32, #tpu.memory_space<vmem>>
    %dma_wait3A_643 = arith.constant 0 : i32
    %dma_wait3A_644 = tpu.memref_slice %arg8[%dma_wait3A_639, %dma_wait3A_643] : memref<26x128xi32, #tpu.memory_space<vmem>> -> memref<1x128xi32, #tpu.memory_space<vmem>>
    %dma_wait3A_645 = tpu.memref_squeeze %dma_wait3A_644 : memref<1x128xi32, #tpu.memory_space<vmem>> -> memref<128xi32, #tpu.memory_space<vmem>>
    %dma_wait3A_646 = arith.constant 0 : i32
    %dma_wait3A_647 = arith.constant 0 : i32
    %dma_wait3A_648 = tpu.memref_slice %arg3[%dma_wait3A_646, %dma_wait3A_647] : memref<1048576x16xf32, #tpu.memory_space<hbm>> -> memref<1048576x16xf32, #tpu.memory_space<hbm>>
    tpu.wait_indirect_dma semaphore(%arg13 : memref<!tpu.dma_semaphore, #tpu.memory_space<semaphore_mem>>) src(%dma_wait3A_648 : memref<1048576x16xf32, #tpu.memory_space<hbm>>) dst(%dma_wait3A_642 : memref<128x16xf32, #tpu.memory_space<vmem>>)
    %dma_wait3A_649 = arith.constant 5 : i32
    %dma_wait3A_650 = arith.constant 640 : i32
    %dma_wait3A_651 = arith.constant 0 : i32
    %dma_wait3A_652 = tpu.memref_slice %arg11[%dma_wait3A_650, %dma_wait3A_651] : memref<3328x16xf32, #tpu.memory_space<vmem>> -> memref<128x16xf32, #tpu.memory_space<vmem>>
    %dma_wait3A_653 = arith.constant 0 : i32
    %dma_wait3A_654 = tpu.memref_slice %arg9[%dma_wait3A_649, %dma_wait3A_653] : memref<26x128xi32, #tpu.memory_space<vmem>> -> memref<1x128xi32, #tpu.memory_space<vmem>>
    %dma_wait3A_655 = tpu.memref_squeeze %dma_wait3A_654 : memref<1x128xi32, #tpu.memory_space<vmem>> -> memref<128xi32, #tpu.memory_space<vmem>>
    %dma_wait3A_656 = arith.constant 0 : i32
    %dma_wait3A_657 = arith.constant 0 : i32
    %dma_wait3A_658 = tpu.memref_slice %arg4[%dma_wait3A_656, %dma_wait3A_657] : memref<65536x16xf32, #tpu.memory_space<hbm>> -> memref<65536x16xf32, #tpu.memory_space<hbm>>
    tpu.wait_indirect_dma semaphore(%arg14 : memref<!tpu.dma_semaphore, #tpu.memory_space<semaphore_mem>>) src(%dma_wait3A_658 : memref<65536x16xf32, #tpu.memory_space<hbm>>) dst(%dma_wait3A_652 : memref<128x16xf32, #tpu.memory_space<vmem>>)
    %dma_wait3A_659 = arith.constant 6 : i32
    %dma_wait3A_660 = arith.constant 768 : i32
    %dma_wait3A_661 = arith.constant 0 : i32
    %dma_wait3A_662 = tpu.memref_slice %arg10[%dma_wait3A_660, %dma_wait3A_661] : memref<3328x16xf32, #tpu.memory_space<vmem>> -> memref<128x16xf32, #tpu.memory_space<vmem>>
    %dma_wait3A_663 = arith.constant 0 : i32
    %dma_wait3A_664 = tpu.memref_slice %arg8[%dma_wait3A_659, %dma_wait3A_663] : memref<26x128xi32, #tpu.memory_space<vmem>> -> memref<1x128xi32, #tpu.memory_space<vmem>>
    %dma_wait3A_665 = tpu.memref_squeeze %dma_wait3A_664 : memref<1x128xi32, #tpu.memory_space<vmem>> -> memref<128xi32, #tpu.memory_space<vmem>>
    %dma_wait3A_666 = arith.constant 0 : i32
    %dma_wait3A_667 = arith.constant 0 : i32
    %dma_wait3A_668 = tpu.memref_slice %arg3[%dma_wait3A_666, %dma_wait3A_667] : memref<1048576x16xf32, #tpu.memory_space<hbm>> -> memref<1048576x16xf32, #tpu.memory_space<hbm>>
    tpu.wait_indirect_dma semaphore(%arg13 : memref<!tpu.dma_semaphore, #tpu.memory_space<semaphore_mem>>) src(%dma_wait3A_668 : memref<1048576x16xf32, #tpu.memory_space<hbm>>) dst(%dma_wait3A_662 : memref<128x16xf32, #tpu.memory_space<vmem>>)
    %dma_wait3A_669 = arith.constant 6 : i32
    %dma_wait3A_670 = arith.constant 768 : i32
    %dma_wait3A_671 = arith.constant 0 : i32
    %dma_wait3A_672 = tpu.memref_slice %arg11[%dma_wait3A_670, %dma_wait3A_671] : memref<3328x16xf32, #tpu.memory_space<vmem>> -> memref<128x16xf32, #tpu.memory_space<vmem>>
    %dma_wait3A_673 = arith.constant 0 : i32
    %dma_wait3A_674 = tpu.memref_slice %arg9[%dma_wait3A_669, %dma_wait3A_673] : memref<26x128xi32, #tpu.memory_space<vmem>> -> memref<1x128xi32, #tpu.memory_space<vmem>>
    %dma_wait3A_675 = tpu.memref_squeeze %dma_wait3A_674 : memref<1x128xi32, #tpu.memory_space<vmem>> -> memref<128xi32, #tpu.memory_space<vmem>>
    %dma_wait3A_676 = arith.constant 0 : i32
    %dma_wait3A_677 = arith.constant 0 : i32
    %dma_wait3A_678 = tpu.memref_slice %arg4[%dma_wait3A_676, %dma_wait3A_677] : memref<65536x16xf32, #tpu.memory_space<hbm>> -> memref<65536x16xf32, #tpu.memory_space<hbm>>
    tpu.wait_indirect_dma semaphore(%arg14 : memref<!tpu.dma_semaphore, #tpu.memory_space<semaphore_mem>>) src(%dma_wait3A_678 : memref<65536x16xf32, #tpu.memory_space<hbm>>) dst(%dma_wait3A_672 : memref<128x16xf32, #tpu.memory_space<vmem>>)
    %dma_wait3A_679 = arith.constant 7 : i32
    %dma_wait3A_680 = arith.constant 896 : i32
    %dma_wait3A_681 = arith.constant 0 : i32
    %dma_wait3A_682 = tpu.memref_slice %arg10[%dma_wait3A_680, %dma_wait3A_681] : memref<3328x16xf32, #tpu.memory_space<vmem>> -> memref<128x16xf32, #tpu.memory_space<vmem>>
    %dma_wait3A_683 = arith.constant 0 : i32
    %dma_wait3A_684 = tpu.memref_slice %arg8[%dma_wait3A_679, %dma_wait3A_683] : memref<26x128xi32, #tpu.memory_space<vmem>> -> memref<1x128xi32, #tpu.memory_space<vmem>>
    %dma_wait3A_685 = tpu.memref_squeeze %dma_wait3A_684 : memref<1x128xi32, #tpu.memory_space<vmem>> -> memref<128xi32, #tpu.memory_space<vmem>>
    %dma_wait3A_686 = arith.constant 0 : i32
    %dma_wait3A_687 = arith.constant 0 : i32
    %dma_wait3A_688 = tpu.memref_slice %arg3[%dma_wait3A_686, %dma_wait3A_687] : memref<1048576x16xf32, #tpu.memory_space<hbm>> -> memref<1048576x16xf32, #tpu.memory_space<hbm>>
    tpu.wait_indirect_dma semaphore(%arg13 : memref<!tpu.dma_semaphore, #tpu.memory_space<semaphore_mem>>) src(%dma_wait3A_688 : memref<1048576x16xf32, #tpu.memory_space<hbm>>) dst(%dma_wait3A_682 : memref<128x16xf32, #tpu.memory_space<vmem>>)
    %dma_wait3A_689 = arith.constant 7 : i32
    %dma_wait3A_690 = arith.constant 896 : i32
    %dma_wait3A_691 = arith.constant 0 : i32
    %dma_wait3A_692 = tpu.memref_slice %arg11[%dma_wait3A_690, %dma_wait3A_691] : memref<3328x16xf32, #tpu.memory_space<vmem>> -> memref<128x16xf32, #tpu.memory_space<vmem>>
    %dma_wait3A_693 = arith.constant 0 : i32
    %dma_wait3A_694 = tpu.memref_slice %arg9[%dma_wait3A_689, %dma_wait3A_693] : memref<26x128xi32, #tpu.memory_space<vmem>> -> memref<1x128xi32, #tpu.memory_space<vmem>>
    %dma_wait3A_695 = tpu.memref_squeeze %dma_wait3A_694 : memref<1x128xi32, #tpu.memory_space<vmem>> -> memref<128xi32, #tpu.memory_space<vmem>>
    %dma_wait3A_696 = arith.constant 0 : i32
    %dma_wait3A_697 = arith.constant 0 : i32
    %dma_wait3A_698 = tpu.memref_slice %arg4[%dma_wait3A_696, %dma_wait3A_697] : memref<65536x16xf32, #tpu.memory_space<hbm>> -> memref<65536x16xf32, #tpu.memory_space<hbm>>
    tpu.wait_indirect_dma semaphore(%arg14 : memref<!tpu.dma_semaphore, #tpu.memory_space<semaphore_mem>>) src(%dma_wait3A_698 : memref<65536x16xf32, #tpu.memory_space<hbm>>) dst(%dma_wait3A_692 : memref<128x16xf32, #tpu.memory_space<vmem>>)
    %dma_wait3A_699 = arith.constant 8 : i32
    %dma_wait3A_700 = arith.constant 1024 : i32
    %dma_wait3A_701 = arith.constant 0 : i32
    %dma_wait3A_702 = tpu.memref_slice %arg10[%dma_wait3A_700, %dma_wait3A_701] : memref<3328x16xf32, #tpu.memory_space<vmem>> -> memref<128x16xf32, #tpu.memory_space<vmem>>
    %dma_wait3A_703 = arith.constant 0 : i32
    %dma_wait3A_704 = tpu.memref_slice %arg8[%dma_wait3A_699, %dma_wait3A_703] : memref<26x128xi32, #tpu.memory_space<vmem>> -> memref<1x128xi32, #tpu.memory_space<vmem>>
    %dma_wait3A_705 = tpu.memref_squeeze %dma_wait3A_704 : memref<1x128xi32, #tpu.memory_space<vmem>> -> memref<128xi32, #tpu.memory_space<vmem>>
    %dma_wait3A_706 = arith.constant 0 : i32
    %dma_wait3A_707 = arith.constant 0 : i32
    %dma_wait3A_708 = tpu.memref_slice %arg3[%dma_wait3A_706, %dma_wait3A_707] : memref<1048576x16xf32, #tpu.memory_space<hbm>> -> memref<1048576x16xf32, #tpu.memory_space<hbm>>
    tpu.wait_indirect_dma semaphore(%arg13 : memref<!tpu.dma_semaphore, #tpu.memory_space<semaphore_mem>>) src(%dma_wait3A_708 : memref<1048576x16xf32, #tpu.memory_space<hbm>>) dst(%dma_wait3A_702 : memref<128x16xf32, #tpu.memory_space<vmem>>)
    %dma_wait3A_709 = arith.constant 8 : i32
    %dma_wait3A_710 = arith.constant 1024 : i32
    %dma_wait3A_711 = arith.constant 0 : i32
    %dma_wait3A_712 = tpu.memref_slice %arg11[%dma_wait3A_710, %dma_wait3A_711] : memref<3328x16xf32, #tpu.memory_space<vmem>> -> memref<128x16xf32, #tpu.memory_space<vmem>>
    %dma_wait3A_713 = arith.constant 0 : i32
    %dma_wait3A_714 = tpu.memref_slice %arg9[%dma_wait3A_709, %dma_wait3A_713] : memref<26x128xi32, #tpu.memory_space<vmem>> -> memref<1x128xi32, #tpu.memory_space<vmem>>
    %dma_wait3A_715 = tpu.memref_squeeze %dma_wait3A_714 : memref<1x128xi32, #tpu.memory_space<vmem>> -> memref<128xi32, #tpu.memory_space<vmem>>
    %dma_wait3A_716 = arith.constant 0 : i32
    %dma_wait3A_717 = arith.constant 0 : i32
    %dma_wait3A_718 = tpu.memref_slice %arg4[%dma_wait3A_716, %dma_wait3A_717] : memref<65536x16xf32, #tpu.memory_space<hbm>> -> memref<65536x16xf32, #tpu.memory_space<hbm>>
    tpu.wait_indirect_dma semaphore(%arg14 : memref<!tpu.dma_semaphore, #tpu.memory_space<semaphore_mem>>) src(%dma_wait3A_718 : memref<65536x16xf32, #tpu.memory_space<hbm>>) dst(%dma_wait3A_712 : memref<128x16xf32, #tpu.memory_space<vmem>>)
    %dma_wait3A_719 = arith.constant 9 : i32
    %dma_wait3A_720 = arith.constant 1152 : i32
    %dma_wait3A_721 = arith.constant 0 : i32
    %dma_wait3A_722 = tpu.memref_slice %arg10[%dma_wait3A_720, %dma_wait3A_721] : memref<3328x16xf32, #tpu.memory_space<vmem>> -> memref<128x16xf32, #tpu.memory_space<vmem>>
    %dma_wait3A_723 = arith.constant 0 : i32
    %dma_wait3A_724 = tpu.memref_slice %arg8[%dma_wait3A_719, %dma_wait3A_723] : memref<26x128xi32, #tpu.memory_space<vmem>> -> memref<1x128xi32, #tpu.memory_space<vmem>>
    %dma_wait3A_725 = tpu.memref_squeeze %dma_wait3A_724 : memref<1x128xi32, #tpu.memory_space<vmem>> -> memref<128xi32, #tpu.memory_space<vmem>>
    %dma_wait3A_726 = arith.constant 0 : i32
    %dma_wait3A_727 = arith.constant 0 : i32
    %dma_wait3A_728 = tpu.memref_slice %arg3[%dma_wait3A_726, %dma_wait3A_727] : memref<1048576x16xf32, #tpu.memory_space<hbm>> -> memref<1048576x16xf32, #tpu.memory_space<hbm>>
    tpu.wait_indirect_dma semaphore(%arg13 : memref<!tpu.dma_semaphore, #tpu.memory_space<semaphore_mem>>) src(%dma_wait3A_728 : memref<1048576x16xf32, #tpu.memory_space<hbm>>) dst(%dma_wait3A_722 : memref<128x16xf32, #tpu.memory_space<vmem>>)
    %dma_wait3A_729 = arith.constant 9 : i32
    %dma_wait3A_730 = arith.constant 1152 : i32
    %dma_wait3A_731 = arith.constant 0 : i32
    %dma_wait3A_732 = tpu.memref_slice %arg11[%dma_wait3A_730, %dma_wait3A_731] : memref<3328x16xf32, #tpu.memory_space<vmem>> -> memref<128x16xf32, #tpu.memory_space<vmem>>
    %dma_wait3A_733 = arith.constant 0 : i32
    %dma_wait3A_734 = tpu.memref_slice %arg9[%dma_wait3A_729, %dma_wait3A_733] : memref<26x128xi32, #tpu.memory_space<vmem>> -> memref<1x128xi32, #tpu.memory_space<vmem>>
    %dma_wait3A_735 = tpu.memref_squeeze %dma_wait3A_734 : memref<1x128xi32, #tpu.memory_space<vmem>> -> memref<128xi32, #tpu.memory_space<vmem>>
    %dma_wait3A_736 = arith.constant 0 : i32
    %dma_wait3A_737 = arith.constant 0 : i32
    %dma_wait3A_738 = tpu.memref_slice %arg4[%dma_wait3A_736, %dma_wait3A_737] : memref<65536x16xf32, #tpu.memory_space<hbm>> -> memref<65536x16xf32, #tpu.memory_space<hbm>>
    tpu.wait_indirect_dma semaphore(%arg14 : memref<!tpu.dma_semaphore, #tpu.memory_space<semaphore_mem>>) src(%dma_wait3A_738 : memref<65536x16xf32, #tpu.memory_space<hbm>>) dst(%dma_wait3A_732 : memref<128x16xf32, #tpu.memory_space<vmem>>)
    %dma_wait3A_739 = arith.constant 10 : i32
    %dma_wait3A_740 = arith.constant 1280 : i32
    %dma_wait3A_741 = arith.constant 0 : i32
    %dma_wait3A_742 = tpu.memref_slice %arg10[%dma_wait3A_740, %dma_wait3A_741] : memref<3328x16xf32, #tpu.memory_space<vmem>> -> memref<128x16xf32, #tpu.memory_space<vmem>>
    %dma_wait3A_743 = arith.constant 0 : i32
    %dma_wait3A_744 = tpu.memref_slice %arg8[%dma_wait3A_739, %dma_wait3A_743] : memref<26x128xi32, #tpu.memory_space<vmem>> -> memref<1x128xi32, #tpu.memory_space<vmem>>
    %dma_wait3A_745 = tpu.memref_squeeze %dma_wait3A_744 : memref<1x128xi32, #tpu.memory_space<vmem>> -> memref<128xi32, #tpu.memory_space<vmem>>
    %dma_wait3A_746 = arith.constant 0 : i32
    %dma_wait3A_747 = arith.constant 0 : i32
    %dma_wait3A_748 = tpu.memref_slice %arg3[%dma_wait3A_746, %dma_wait3A_747] : memref<1048576x16xf32, #tpu.memory_space<hbm>> -> memref<1048576x16xf32, #tpu.memory_space<hbm>>
    tpu.wait_indirect_dma semaphore(%arg13 : memref<!tpu.dma_semaphore, #tpu.memory_space<semaphore_mem>>) src(%dma_wait3A_748 : memref<1048576x16xf32, #tpu.memory_space<hbm>>) dst(%dma_wait3A_742 : memref<128x16xf32, #tpu.memory_space<vmem>>)
    %dma_wait3A_749 = arith.constant 10 : i32
    %dma_wait3A_750 = arith.constant 1280 : i32
    %dma_wait3A_751 = arith.constant 0 : i32
    %dma_wait3A_752 = tpu.memref_slice %arg11[%dma_wait3A_750, %dma_wait3A_751] : memref<3328x16xf32, #tpu.memory_space<vmem>> -> memref<128x16xf32, #tpu.memory_space<vmem>>
    %dma_wait3A_753 = arith.constant 0 : i32
    %dma_wait3A_754 = tpu.memref_slice %arg9[%dma_wait3A_749, %dma_wait3A_753] : memref<26x128xi32, #tpu.memory_space<vmem>> -> memref<1x128xi32, #tpu.memory_space<vmem>>
    %dma_wait3A_755 = tpu.memref_squeeze %dma_wait3A_754 : memref<1x128xi32, #tpu.memory_space<vmem>> -> memref<128xi32, #tpu.memory_space<vmem>>
    %dma_wait3A_756 = arith.constant 0 : i32
    %dma_wait3A_757 = arith.constant 0 : i32
    %dma_wait3A_758 = tpu.memref_slice %arg4[%dma_wait3A_756, %dma_wait3A_757] : memref<65536x16xf32, #tpu.memory_space<hbm>> -> memref<65536x16xf32, #tpu.memory_space<hbm>>
    tpu.wait_indirect_dma semaphore(%arg14 : memref<!tpu.dma_semaphore, #tpu.memory_space<semaphore_mem>>) src(%dma_wait3A_758 : memref<65536x16xf32, #tpu.memory_space<hbm>>) dst(%dma_wait3A_752 : memref<128x16xf32, #tpu.memory_space<vmem>>)
    %dma_wait3A_759 = arith.constant 11 : i32
    %dma_wait3A_760 = arith.constant 1408 : i32
    %dma_wait3A_761 = arith.constant 0 : i32
    %dma_wait3A_762 = tpu.memref_slice %arg10[%dma_wait3A_760, %dma_wait3A_761] : memref<3328x16xf32, #tpu.memory_space<vmem>> -> memref<128x16xf32, #tpu.memory_space<vmem>>
    %dma_wait3A_763 = arith.constant 0 : i32
    %dma_wait3A_764 = tpu.memref_slice %arg8[%dma_wait3A_759, %dma_wait3A_763] : memref<26x128xi32, #tpu.memory_space<vmem>> -> memref<1x128xi32, #tpu.memory_space<vmem>>
    %dma_wait3A_765 = tpu.memref_squeeze %dma_wait3A_764 : memref<1x128xi32, #tpu.memory_space<vmem>> -> memref<128xi32, #tpu.memory_space<vmem>>
    %dma_wait3A_766 = arith.constant 0 : i32
    %dma_wait3A_767 = arith.constant 0 : i32
    %dma_wait3A_768 = tpu.memref_slice %arg3[%dma_wait3A_766, %dma_wait3A_767] : memref<1048576x16xf32, #tpu.memory_space<hbm>> -> memref<1048576x16xf32, #tpu.memory_space<hbm>>
    tpu.wait_indirect_dma semaphore(%arg13 : memref<!tpu.dma_semaphore, #tpu.memory_space<semaphore_mem>>) src(%dma_wait3A_768 : memref<1048576x16xf32, #tpu.memory_space<hbm>>) dst(%dma_wait3A_762 : memref<128x16xf32, #tpu.memory_space<vmem>>)
    %dma_wait3A_769 = arith.constant 11 : i32
    %dma_wait3A_770 = arith.constant 1408 : i32
    %dma_wait3A_771 = arith.constant 0 : i32
    %dma_wait3A_772 = tpu.memref_slice %arg11[%dma_wait3A_770, %dma_wait3A_771] : memref<3328x16xf32, #tpu.memory_space<vmem>> -> memref<128x16xf32, #tpu.memory_space<vmem>>
    %dma_wait3A_773 = arith.constant 0 : i32
    %dma_wait3A_774 = tpu.memref_slice %arg9[%dma_wait3A_769, %dma_wait3A_773] : memref<26x128xi32, #tpu.memory_space<vmem>> -> memref<1x128xi32, #tpu.memory_space<vmem>>
    %dma_wait3A_775 = tpu.memref_squeeze %dma_wait3A_774 : memref<1x128xi32, #tpu.memory_space<vmem>> -> memref<128xi32, #tpu.memory_space<vmem>>
    %dma_wait3A_776 = arith.constant 0 : i32
    %dma_wait3A_777 = arith.constant 0 : i32
    %dma_wait3A_778 = tpu.memref_slice %arg4[%dma_wait3A_776, %dma_wait3A_777] : memref<65536x16xf32, #tpu.memory_space<hbm>> -> memref<65536x16xf32, #tpu.memory_space<hbm>>
    tpu.wait_indirect_dma semaphore(%arg14 : memref<!tpu.dma_semaphore, #tpu.memory_space<semaphore_mem>>) src(%dma_wait3A_778 : memref<65536x16xf32, #tpu.memory_space<hbm>>) dst(%dma_wait3A_772 : memref<128x16xf32, #tpu.memory_space<vmem>>)
    %dma_wait3A_779 = arith.constant 12 : i32
    %dma_wait3A_780 = arith.constant 1536 : i32
    %dma_wait3A_781 = arith.constant 0 : i32
    %dma_wait3A_782 = tpu.memref_slice %arg10[%dma_wait3A_780, %dma_wait3A_781] : memref<3328x16xf32, #tpu.memory_space<vmem>> -> memref<128x16xf32, #tpu.memory_space<vmem>>
    %dma_wait3A_783 = arith.constant 0 : i32
    %dma_wait3A_784 = tpu.memref_slice %arg8[%dma_wait3A_779, %dma_wait3A_783] : memref<26x128xi32, #tpu.memory_space<vmem>> -> memref<1x128xi32, #tpu.memory_space<vmem>>
    %dma_wait3A_785 = tpu.memref_squeeze %dma_wait3A_784 : memref<1x128xi32, #tpu.memory_space<vmem>> -> memref<128xi32, #tpu.memory_space<vmem>>
    %dma_wait3A_786 = arith.constant 0 : i32
    %dma_wait3A_787 = arith.constant 0 : i32
    %dma_wait3A_788 = tpu.memref_slice %arg3[%dma_wait3A_786, %dma_wait3A_787] : memref<1048576x16xf32, #tpu.memory_space<hbm>> -> memref<1048576x16xf32, #tpu.memory_space<hbm>>
    tpu.wait_indirect_dma semaphore(%arg13 : memref<!tpu.dma_semaphore, #tpu.memory_space<semaphore_mem>>) src(%dma_wait3A_788 : memref<1048576x16xf32, #tpu.memory_space<hbm>>) dst(%dma_wait3A_782 : memref<128x16xf32, #tpu.memory_space<vmem>>)
    %dma_wait3A_789 = arith.constant 12 : i32
    %dma_wait3A_790 = arith.constant 1536 : i32
    %dma_wait3A_791 = arith.constant 0 : i32
    %dma_wait3A_792 = tpu.memref_slice %arg11[%dma_wait3A_790, %dma_wait3A_791] : memref<3328x16xf32, #tpu.memory_space<vmem>> -> memref<128x16xf32, #tpu.memory_space<vmem>>
    %dma_wait3A_793 = arith.constant 0 : i32
    %dma_wait3A_794 = tpu.memref_slice %arg9[%dma_wait3A_789, %dma_wait3A_793] : memref<26x128xi32, #tpu.memory_space<vmem>> -> memref<1x128xi32, #tpu.memory_space<vmem>>
    %dma_wait3A_795 = tpu.memref_squeeze %dma_wait3A_794 : memref<1x128xi32, #tpu.memory_space<vmem>> -> memref<128xi32, #tpu.memory_space<vmem>>
    %dma_wait3A_796 = arith.constant 0 : i32
    %dma_wait3A_797 = arith.constant 0 : i32
    %dma_wait3A_798 = tpu.memref_slice %arg4[%dma_wait3A_796, %dma_wait3A_797] : memref<65536x16xf32, #tpu.memory_space<hbm>> -> memref<65536x16xf32, #tpu.memory_space<hbm>>
    tpu.wait_indirect_dma semaphore(%arg14 : memref<!tpu.dma_semaphore, #tpu.memory_space<semaphore_mem>>) src(%dma_wait3A_798 : memref<65536x16xf32, #tpu.memory_space<hbm>>) dst(%dma_wait3A_792 : memref<128x16xf32, #tpu.memory_space<vmem>>)
    %dma_wait3A_799 = arith.constant 13 : i32
    %dma_wait3A_800 = arith.constant 1664 : i32
    %dma_wait3A_801 = arith.constant 0 : i32
    %dma_wait3A_802 = tpu.memref_slice %arg10[%dma_wait3A_800, %dma_wait3A_801] : memref<3328x16xf32, #tpu.memory_space<vmem>> -> memref<128x16xf32, #tpu.memory_space<vmem>>
    %dma_wait3A_803 = arith.constant 0 : i32
    %dma_wait3A_804 = tpu.memref_slice %arg8[%dma_wait3A_799, %dma_wait3A_803] : memref<26x128xi32, #tpu.memory_space<vmem>> -> memref<1x128xi32, #tpu.memory_space<vmem>>
    %dma_wait3A_805 = tpu.memref_squeeze %dma_wait3A_804 : memref<1x128xi32, #tpu.memory_space<vmem>> -> memref<128xi32, #tpu.memory_space<vmem>>
    %dma_wait3A_806 = arith.constant 0 : i32
    %dma_wait3A_807 = arith.constant 0 : i32
    %dma_wait3A_808 = tpu.memref_slice %arg3[%dma_wait3A_806, %dma_wait3A_807] : memref<1048576x16xf32, #tpu.memory_space<hbm>> -> memref<1048576x16xf32, #tpu.memory_space<hbm>>
    tpu.wait_indirect_dma semaphore(%arg13 : memref<!tpu.dma_semaphore, #tpu.memory_space<semaphore_mem>>) src(%dma_wait3A_808 : memref<1048576x16xf32, #tpu.memory_space<hbm>>) dst(%dma_wait3A_802 : memref<128x16xf32, #tpu.memory_space<vmem>>)
    %dma_wait3A_809 = arith.constant 13 : i32
    %dma_wait3A_810 = arith.constant 1664 : i32
    %dma_wait3A_811 = arith.constant 0 : i32
    %dma_wait3A_812 = tpu.memref_slice %arg11[%dma_wait3A_810, %dma_wait3A_811] : memref<3328x16xf32, #tpu.memory_space<vmem>> -> memref<128x16xf32, #tpu.memory_space<vmem>>
    %dma_wait3A_813 = arith.constant 0 : i32
    %dma_wait3A_814 = tpu.memref_slice %arg9[%dma_wait3A_809, %dma_wait3A_813] : memref<26x128xi32, #tpu.memory_space<vmem>> -> memref<1x128xi32, #tpu.memory_space<vmem>>
    %dma_wait3A_815 = tpu.memref_squeeze %dma_wait3A_814 : memref<1x128xi32, #tpu.memory_space<vmem>> -> memref<128xi32, #tpu.memory_space<vmem>>
    %dma_wait3A_816 = arith.constant 0 : i32
    %dma_wait3A_817 = arith.constant 0 : i32
    %dma_wait3A_818 = tpu.memref_slice %arg4[%dma_wait3A_816, %dma_wait3A_817] : memref<65536x16xf32, #tpu.memory_space<hbm>> -> memref<65536x16xf32, #tpu.memory_space<hbm>>
    tpu.wait_indirect_dma semaphore(%arg14 : memref<!tpu.dma_semaphore, #tpu.memory_space<semaphore_mem>>) src(%dma_wait3A_818 : memref<65536x16xf32, #tpu.memory_space<hbm>>) dst(%dma_wait3A_812 : memref<128x16xf32, #tpu.memory_space<vmem>>)
    %dma_wait3A_819 = arith.constant 14 : i32
    %dma_wait3A_820 = arith.constant 1792 : i32
    %dma_wait3A_821 = arith.constant 0 : i32
    %dma_wait3A_822 = tpu.memref_slice %arg10[%dma_wait3A_820, %dma_wait3A_821] : memref<3328x16xf32, #tpu.memory_space<vmem>> -> memref<128x16xf32, #tpu.memory_space<vmem>>
    %dma_wait3A_823 = arith.constant 0 : i32
    %dma_wait3A_824 = tpu.memref_slice %arg8[%dma_wait3A_819, %dma_wait3A_823] : memref<26x128xi32, #tpu.memory_space<vmem>> -> memref<1x128xi32, #tpu.memory_space<vmem>>
    %dma_wait3A_825 = tpu.memref_squeeze %dma_wait3A_824 : memref<1x128xi32, #tpu.memory_space<vmem>> -> memref<128xi32, #tpu.memory_space<vmem>>
    %dma_wait3A_826 = arith.constant 0 : i32
    %dma_wait3A_827 = arith.constant 0 : i32
    %dma_wait3A_828 = tpu.memref_slice %arg3[%dma_wait3A_826, %dma_wait3A_827] : memref<1048576x16xf32, #tpu.memory_space<hbm>> -> memref<1048576x16xf32, #tpu.memory_space<hbm>>
    tpu.wait_indirect_dma semaphore(%arg13 : memref<!tpu.dma_semaphore, #tpu.memory_space<semaphore_mem>>) src(%dma_wait3A_828 : memref<1048576x16xf32, #tpu.memory_space<hbm>>) dst(%dma_wait3A_822 : memref<128x16xf32, #tpu.memory_space<vmem>>)
    %dma_wait3A_829 = arith.constant 14 : i32
    %dma_wait3A_830 = arith.constant 1792 : i32
    %dma_wait3A_831 = arith.constant 0 : i32
    %dma_wait3A_832 = tpu.memref_slice %arg11[%dma_wait3A_830, %dma_wait3A_831] : memref<3328x16xf32, #tpu.memory_space<vmem>> -> memref<128x16xf32, #tpu.memory_space<vmem>>
    %dma_wait3A_833 = arith.constant 0 : i32
    %dma_wait3A_834 = tpu.memref_slice %arg9[%dma_wait3A_829, %dma_wait3A_833] : memref<26x128xi32, #tpu.memory_space<vmem>> -> memref<1x128xi32, #tpu.memory_space<vmem>>
    %dma_wait3A_835 = tpu.memref_squeeze %dma_wait3A_834 : memref<1x128xi32, #tpu.memory_space<vmem>> -> memref<128xi32, #tpu.memory_space<vmem>>
    %dma_wait3A_836 = arith.constant 0 : i32
    %dma_wait3A_837 = arith.constant 0 : i32
    %dma_wait3A_838 = tpu.memref_slice %arg4[%dma_wait3A_836, %dma_wait3A_837] : memref<65536x16xf32, #tpu.memory_space<hbm>> -> memref<65536x16xf32, #tpu.memory_space<hbm>>
    tpu.wait_indirect_dma semaphore(%arg14 : memref<!tpu.dma_semaphore, #tpu.memory_space<semaphore_mem>>) src(%dma_wait3A_838 : memref<65536x16xf32, #tpu.memory_space<hbm>>) dst(%dma_wait3A_832 : memref<128x16xf32, #tpu.memory_space<vmem>>)
    %dma_wait3A_839 = arith.constant 15 : i32
    %dma_wait3A_840 = arith.constant 1920 : i32
    %dma_wait3A_841 = arith.constant 0 : i32
    %dma_wait3A_842 = tpu.memref_slice %arg10[%dma_wait3A_840, %dma_wait3A_841] : memref<3328x16xf32, #tpu.memory_space<vmem>> -> memref<128x16xf32, #tpu.memory_space<vmem>>
    %dma_wait3A_843 = arith.constant 0 : i32
    %dma_wait3A_844 = tpu.memref_slice %arg8[%dma_wait3A_839, %dma_wait3A_843] : memref<26x128xi32, #tpu.memory_space<vmem>> -> memref<1x128xi32, #tpu.memory_space<vmem>>
    %dma_wait3A_845 = tpu.memref_squeeze %dma_wait3A_844 : memref<1x128xi32, #tpu.memory_space<vmem>> -> memref<128xi32, #tpu.memory_space<vmem>>
    %dma_wait3A_846 = arith.constant 0 : i32
    %dma_wait3A_847 = arith.constant 0 : i32
    %dma_wait3A_848 = tpu.memref_slice %arg3[%dma_wait3A_846, %dma_wait3A_847] : memref<1048576x16xf32, #tpu.memory_space<hbm>> -> memref<1048576x16xf32, #tpu.memory_space<hbm>>
    tpu.wait_indirect_dma semaphore(%arg13 : memref<!tpu.dma_semaphore, #tpu.memory_space<semaphore_mem>>) src(%dma_wait3A_848 : memref<1048576x16xf32, #tpu.memory_space<hbm>>) dst(%dma_wait3A_842 : memref<128x16xf32, #tpu.memory_space<vmem>>)
    %dma_wait3A_849 = arith.constant 15 : i32
    %dma_wait3A_850 = arith.constant 1920 : i32
    %dma_wait3A_851 = arith.constant 0 : i32
    %dma_wait3A_852 = tpu.memref_slice %arg11[%dma_wait3A_850, %dma_wait3A_851] : memref<3328x16xf32, #tpu.memory_space<vmem>> -> memref<128x16xf32, #tpu.memory_space<vmem>>
    %dma_wait3A_853 = arith.constant 0 : i32
    %dma_wait3A_854 = tpu.memref_slice %arg9[%dma_wait3A_849, %dma_wait3A_853] : memref<26x128xi32, #tpu.memory_space<vmem>> -> memref<1x128xi32, #tpu.memory_space<vmem>>
    %dma_wait3A_855 = tpu.memref_squeeze %dma_wait3A_854 : memref<1x128xi32, #tpu.memory_space<vmem>> -> memref<128xi32, #tpu.memory_space<vmem>>
    %dma_wait3A_856 = arith.constant 0 : i32
    %dma_wait3A_857 = arith.constant 0 : i32
    %dma_wait3A_858 = tpu.memref_slice %arg4[%dma_wait3A_856, %dma_wait3A_857] : memref<65536x16xf32, #tpu.memory_space<hbm>> -> memref<65536x16xf32, #tpu.memory_space<hbm>>
    tpu.wait_indirect_dma semaphore(%arg14 : memref<!tpu.dma_semaphore, #tpu.memory_space<semaphore_mem>>) src(%dma_wait3A_858 : memref<65536x16xf32, #tpu.memory_space<hbm>>) dst(%dma_wait3A_852 : memref<128x16xf32, #tpu.memory_space<vmem>>)
    %dma_wait3A_859 = arith.constant 16 : i32
    %dma_wait3A_860 = arith.constant 2048 : i32
    %dma_wait3A_861 = arith.constant 0 : i32
    %dma_wait3A_862 = tpu.memref_slice %arg10[%dma_wait3A_860, %dma_wait3A_861] : memref<3328x16xf32, #tpu.memory_space<vmem>> -> memref<128x16xf32, #tpu.memory_space<vmem>>
    %dma_wait3A_863 = arith.constant 0 : i32
    %dma_wait3A_864 = tpu.memref_slice %arg8[%dma_wait3A_859, %dma_wait3A_863] : memref<26x128xi32, #tpu.memory_space<vmem>> -> memref<1x128xi32, #tpu.memory_space<vmem>>
    %dma_wait3A_865 = tpu.memref_squeeze %dma_wait3A_864 : memref<1x128xi32, #tpu.memory_space<vmem>> -> memref<128xi32, #tpu.memory_space<vmem>>
    %dma_wait3A_866 = arith.constant 0 : i32
    %dma_wait3A_867 = arith.constant 0 : i32
    %dma_wait3A_868 = tpu.memref_slice %arg3[%dma_wait3A_866, %dma_wait3A_867] : memref<1048576x16xf32, #tpu.memory_space<hbm>> -> memref<1048576x16xf32, #tpu.memory_space<hbm>>
    tpu.wait_indirect_dma semaphore(%arg13 : memref<!tpu.dma_semaphore, #tpu.memory_space<semaphore_mem>>) src(%dma_wait3A_868 : memref<1048576x16xf32, #tpu.memory_space<hbm>>) dst(%dma_wait3A_862 : memref<128x16xf32, #tpu.memory_space<vmem>>)
    %dma_wait3A_869 = arith.constant 16 : i32
    %dma_wait3A_870 = arith.constant 2048 : i32
    %dma_wait3A_871 = arith.constant 0 : i32
    %dma_wait3A_872 = tpu.memref_slice %arg11[%dma_wait3A_870, %dma_wait3A_871] : memref<3328x16xf32, #tpu.memory_space<vmem>> -> memref<128x16xf32, #tpu.memory_space<vmem>>
    %dma_wait3A_873 = arith.constant 0 : i32
    %dma_wait3A_874 = tpu.memref_slice %arg9[%dma_wait3A_869, %dma_wait3A_873] : memref<26x128xi32, #tpu.memory_space<vmem>> -> memref<1x128xi32, #tpu.memory_space<vmem>>
    %dma_wait3A_875 = tpu.memref_squeeze %dma_wait3A_874 : memref<1x128xi32, #tpu.memory_space<vmem>> -> memref<128xi32, #tpu.memory_space<vmem>>
    %dma_wait3A_876 = arith.constant 0 : i32
    %dma_wait3A_877 = arith.constant 0 : i32
    %dma_wait3A_878 = tpu.memref_slice %arg4[%dma_wait3A_876, %dma_wait3A_877] : memref<65536x16xf32, #tpu.memory_space<hbm>> -> memref<65536x16xf32, #tpu.memory_space<hbm>>
    tpu.wait_indirect_dma semaphore(%arg14 : memref<!tpu.dma_semaphore, #tpu.memory_space<semaphore_mem>>) src(%dma_wait3A_878 : memref<65536x16xf32, #tpu.memory_space<hbm>>) dst(%dma_wait3A_872 : memref<128x16xf32, #tpu.memory_space<vmem>>)
    %dma_wait3A_879 = arith.constant 17 : i32
    %dma_wait3A_880 = arith.constant 2176 : i32
    %dma_wait3A_881 = arith.constant 0 : i32
    %dma_wait3A_882 = tpu.memref_slice %arg10[%dma_wait3A_880, %dma_wait3A_881] : memref<3328x16xf32, #tpu.memory_space<vmem>> -> memref<128x16xf32, #tpu.memory_space<vmem>>
    %dma_wait3A_883 = arith.constant 0 : i32
    %dma_wait3A_884 = tpu.memref_slice %arg8[%dma_wait3A_879, %dma_wait3A_883] : memref<26x128xi32, #tpu.memory_space<vmem>> -> memref<1x128xi32, #tpu.memory_space<vmem>>
    %dma_wait3A_885 = tpu.memref_squeeze %dma_wait3A_884 : memref<1x128xi32, #tpu.memory_space<vmem>> -> memref<128xi32, #tpu.memory_space<vmem>>
    %dma_wait3A_886 = arith.constant 0 : i32
    %dma_wait3A_887 = arith.constant 0 : i32
    %dma_wait3A_888 = tpu.memref_slice %arg3[%dma_wait3A_886, %dma_wait3A_887] : memref<1048576x16xf32, #tpu.memory_space<hbm>> -> memref<1048576x16xf32, #tpu.memory_space<hbm>>
    tpu.wait_indirect_dma semaphore(%arg13 : memref<!tpu.dma_semaphore, #tpu.memory_space<semaphore_mem>>) src(%dma_wait3A_888 : memref<1048576x16xf32, #tpu.memory_space<hbm>>) dst(%dma_wait3A_882 : memref<128x16xf32, #tpu.memory_space<vmem>>)
    %dma_wait3A_889 = arith.constant 17 : i32
    %dma_wait3A_890 = arith.constant 2176 : i32
    %dma_wait3A_891 = arith.constant 0 : i32
    %dma_wait3A_892 = tpu.memref_slice %arg11[%dma_wait3A_890, %dma_wait3A_891] : memref<3328x16xf32, #tpu.memory_space<vmem>> -> memref<128x16xf32, #tpu.memory_space<vmem>>
    %dma_wait3A_893 = arith.constant 0 : i32
    %dma_wait3A_894 = tpu.memref_slice %arg9[%dma_wait3A_889, %dma_wait3A_893] : memref<26x128xi32, #tpu.memory_space<vmem>> -> memref<1x128xi32, #tpu.memory_space<vmem>>
    %dma_wait3A_895 = tpu.memref_squeeze %dma_wait3A_894 : memref<1x128xi32, #tpu.memory_space<vmem>> -> memref<128xi32, #tpu.memory_space<vmem>>
    %dma_wait3A_896 = arith.constant 0 : i32
    %dma_wait3A_897 = arith.constant 0 : i32
    %dma_wait3A_898 = tpu.memref_slice %arg4[%dma_wait3A_896, %dma_wait3A_897] : memref<65536x16xf32, #tpu.memory_space<hbm>> -> memref<65536x16xf32, #tpu.memory_space<hbm>>
    tpu.wait_indirect_dma semaphore(%arg14 : memref<!tpu.dma_semaphore, #tpu.memory_space<semaphore_mem>>) src(%dma_wait3A_898 : memref<65536x16xf32, #tpu.memory_space<hbm>>) dst(%dma_wait3A_892 : memref<128x16xf32, #tpu.memory_space<vmem>>)
    %dma_wait3A_899 = arith.constant 18 : i32
    %dma_wait3A_900 = arith.constant 2304 : i32
    %dma_wait3A_901 = arith.constant 0 : i32
    %dma_wait3A_902 = tpu.memref_slice %arg10[%dma_wait3A_900, %dma_wait3A_901] : memref<3328x16xf32, #tpu.memory_space<vmem>> -> memref<128x16xf32, #tpu.memory_space<vmem>>
    %dma_wait3A_903 = arith.constant 0 : i32
    %dma_wait3A_904 = tpu.memref_slice %arg8[%dma_wait3A_899, %dma_wait3A_903] : memref<26x128xi32, #tpu.memory_space<vmem>> -> memref<1x128xi32, #tpu.memory_space<vmem>>
    %dma_wait3A_905 = tpu.memref_squeeze %dma_wait3A_904 : memref<1x128xi32, #tpu.memory_space<vmem>> -> memref<128xi32, #tpu.memory_space<vmem>>
    %dma_wait3A_906 = arith.constant 0 : i32
    %dma_wait3A_907 = arith.constant 0 : i32
    %dma_wait3A_908 = tpu.memref_slice %arg3[%dma_wait3A_906, %dma_wait3A_907] : memref<1048576x16xf32, #tpu.memory_space<hbm>> -> memref<1048576x16xf32, #tpu.memory_space<hbm>>
    tpu.wait_indirect_dma semaphore(%arg13 : memref<!tpu.dma_semaphore, #tpu.memory_space<semaphore_mem>>) src(%dma_wait3A_908 : memref<1048576x16xf32, #tpu.memory_space<hbm>>) dst(%dma_wait3A_902 : memref<128x16xf32, #tpu.memory_space<vmem>>)
    %dma_wait3A_909 = arith.constant 18 : i32
    %dma_wait3A_910 = arith.constant 2304 : i32
    %dma_wait3A_911 = arith.constant 0 : i32
    %dma_wait3A_912 = tpu.memref_slice %arg11[%dma_wait3A_910, %dma_wait3A_911] : memref<3328x16xf32, #tpu.memory_space<vmem>> -> memref<128x16xf32, #tpu.memory_space<vmem>>
    %dma_wait3A_913 = arith.constant 0 : i32
    %dma_wait3A_914 = tpu.memref_slice %arg9[%dma_wait3A_909, %dma_wait3A_913] : memref<26x128xi32, #tpu.memory_space<vmem>> -> memref<1x128xi32, #tpu.memory_space<vmem>>
    %dma_wait3A_915 = tpu.memref_squeeze %dma_wait3A_914 : memref<1x128xi32, #tpu.memory_space<vmem>> -> memref<128xi32, #tpu.memory_space<vmem>>
    %dma_wait3A_916 = arith.constant 0 : i32
    %dma_wait3A_917 = arith.constant 0 : i32
    %dma_wait3A_918 = tpu.memref_slice %arg4[%dma_wait3A_916, %dma_wait3A_917] : memref<65536x16xf32, #tpu.memory_space<hbm>> -> memref<65536x16xf32, #tpu.memory_space<hbm>>
    tpu.wait_indirect_dma semaphore(%arg14 : memref<!tpu.dma_semaphore, #tpu.memory_space<semaphore_mem>>) src(%dma_wait3A_918 : memref<65536x16xf32, #tpu.memory_space<hbm>>) dst(%dma_wait3A_912 : memref<128x16xf32, #tpu.memory_space<vmem>>)
    %dma_wait3A_919 = arith.constant 19 : i32
    %dma_wait3A_920 = arith.constant 2432 : i32
    %dma_wait3A_921 = arith.constant 0 : i32
    %dma_wait3A_922 = tpu.memref_slice %arg10[%dma_wait3A_920, %dma_wait3A_921] : memref<3328x16xf32, #tpu.memory_space<vmem>> -> memref<128x16xf32, #tpu.memory_space<vmem>>
    %dma_wait3A_923 = arith.constant 0 : i32
    %dma_wait3A_924 = tpu.memref_slice %arg8[%dma_wait3A_919, %dma_wait3A_923] : memref<26x128xi32, #tpu.memory_space<vmem>> -> memref<1x128xi32, #tpu.memory_space<vmem>>
    %dma_wait3A_925 = tpu.memref_squeeze %dma_wait3A_924 : memref<1x128xi32, #tpu.memory_space<vmem>> -> memref<128xi32, #tpu.memory_space<vmem>>
    %dma_wait3A_926 = arith.constant 0 : i32
    %dma_wait3A_927 = arith.constant 0 : i32
    %dma_wait3A_928 = tpu.memref_slice %arg3[%dma_wait3A_926, %dma_wait3A_927] : memref<1048576x16xf32, #tpu.memory_space<hbm>> -> memref<1048576x16xf32, #tpu.memory_space<hbm>>
    tpu.wait_indirect_dma semaphore(%arg13 : memref<!tpu.dma_semaphore, #tpu.memory_space<semaphore_mem>>) src(%dma_wait3A_928 : memref<1048576x16xf32, #tpu.memory_space<hbm>>) dst(%dma_wait3A_922 : memref<128x16xf32, #tpu.memory_space<vmem>>)
    %dma_wait3A_929 = arith.constant 19 : i32
    %dma_wait3A_930 = arith.constant 2432 : i32
    %dma_wait3A_931 = arith.constant 0 : i32
    %dma_wait3A_932 = tpu.memref_slice %arg11[%dma_wait3A_930, %dma_wait3A_931] : memref<3328x16xf32, #tpu.memory_space<vmem>> -> memref<128x16xf32, #tpu.memory_space<vmem>>
    %dma_wait3A_933 = arith.constant 0 : i32
    %dma_wait3A_934 = tpu.memref_slice %arg9[%dma_wait3A_929, %dma_wait3A_933] : memref<26x128xi32, #tpu.memory_space<vmem>> -> memref<1x128xi32, #tpu.memory_space<vmem>>
    %dma_wait3A_935 = tpu.memref_squeeze %dma_wait3A_934 : memref<1x128xi32, #tpu.memory_space<vmem>> -> memref<128xi32, #tpu.memory_space<vmem>>
    %dma_wait3A_936 = arith.constant 0 : i32
    %dma_wait3A_937 = arith.constant 0 : i32
    %dma_wait3A_938 = tpu.memref_slice %arg4[%dma_wait3A_936, %dma_wait3A_937] : memref<65536x16xf32, #tpu.memory_space<hbm>> -> memref<65536x16xf32, #tpu.memory_space<hbm>>
    tpu.wait_indirect_dma semaphore(%arg14 : memref<!tpu.dma_semaphore, #tpu.memory_space<semaphore_mem>>) src(%dma_wait3A_938 : memref<65536x16xf32, #tpu.memory_space<hbm>>) dst(%dma_wait3A_932 : memref<128x16xf32, #tpu.memory_space<vmem>>)
    %dma_wait3A_939 = arith.constant 20 : i32
    %dma_wait3A_940 = arith.constant 2560 : i32
    %dma_wait3A_941 = arith.constant 0 : i32
    %dma_wait3A_942 = tpu.memref_slice %arg10[%dma_wait3A_940, %dma_wait3A_941] : memref<3328x16xf32, #tpu.memory_space<vmem>> -> memref<128x16xf32, #tpu.memory_space<vmem>>
    %dma_wait3A_943 = arith.constant 0 : i32
    %dma_wait3A_944 = tpu.memref_slice %arg8[%dma_wait3A_939, %dma_wait3A_943] : memref<26x128xi32, #tpu.memory_space<vmem>> -> memref<1x128xi32, #tpu.memory_space<vmem>>
    %dma_wait3A_945 = tpu.memref_squeeze %dma_wait3A_944 : memref<1x128xi32, #tpu.memory_space<vmem>> -> memref<128xi32, #tpu.memory_space<vmem>>
    %dma_wait3A_946 = arith.constant 0 : i32
    %dma_wait3A_947 = arith.constant 0 : i32
    %dma_wait3A_948 = tpu.memref_slice %arg3[%dma_wait3A_946, %dma_wait3A_947] : memref<1048576x16xf32, #tpu.memory_space<hbm>> -> memref<1048576x16xf32, #tpu.memory_space<hbm>>
    tpu.wait_indirect_dma semaphore(%arg13 : memref<!tpu.dma_semaphore, #tpu.memory_space<semaphore_mem>>) src(%dma_wait3A_948 : memref<1048576x16xf32, #tpu.memory_space<hbm>>) dst(%dma_wait3A_942 : memref<128x16xf32, #tpu.memory_space<vmem>>)
    %dma_wait3A_949 = arith.constant 20 : i32
    %dma_wait3A_950 = arith.constant 2560 : i32
    %dma_wait3A_951 = arith.constant 0 : i32
    %dma_wait3A_952 = tpu.memref_slice %arg11[%dma_wait3A_950, %dma_wait3A_951] : memref<3328x16xf32, #tpu.memory_space<vmem>> -> memref<128x16xf32, #tpu.memory_space<vmem>>
    %dma_wait3A_953 = arith.constant 0 : i32
    %dma_wait3A_954 = tpu.memref_slice %arg9[%dma_wait3A_949, %dma_wait3A_953] : memref<26x128xi32, #tpu.memory_space<vmem>> -> memref<1x128xi32, #tpu.memory_space<vmem>>
    %dma_wait3A_955 = tpu.memref_squeeze %dma_wait3A_954 : memref<1x128xi32, #tpu.memory_space<vmem>> -> memref<128xi32, #tpu.memory_space<vmem>>
    %dma_wait3A_956 = arith.constant 0 : i32
    %dma_wait3A_957 = arith.constant 0 : i32
    %dma_wait3A_958 = tpu.memref_slice %arg4[%dma_wait3A_956, %dma_wait3A_957] : memref<65536x16xf32, #tpu.memory_space<hbm>> -> memref<65536x16xf32, #tpu.memory_space<hbm>>
    tpu.wait_indirect_dma semaphore(%arg14 : memref<!tpu.dma_semaphore, #tpu.memory_space<semaphore_mem>>) src(%dma_wait3A_958 : memref<65536x16xf32, #tpu.memory_space<hbm>>) dst(%dma_wait3A_952 : memref<128x16xf32, #tpu.memory_space<vmem>>)
    %dma_wait3A_959 = arith.constant 21 : i32
    %dma_wait3A_960 = arith.constant 2688 : i32
    %dma_wait3A_961 = arith.constant 0 : i32
    %dma_wait3A_962 = tpu.memref_slice %arg10[%dma_wait3A_960, %dma_wait3A_961] : memref<3328x16xf32, #tpu.memory_space<vmem>> -> memref<128x16xf32, #tpu.memory_space<vmem>>
    %dma_wait3A_963 = arith.constant 0 : i32
    %dma_wait3A_964 = tpu.memref_slice %arg8[%dma_wait3A_959, %dma_wait3A_963] : memref<26x128xi32, #tpu.memory_space<vmem>> -> memref<1x128xi32, #tpu.memory_space<vmem>>
    %dma_wait3A_965 = tpu.memref_squeeze %dma_wait3A_964 : memref<1x128xi32, #tpu.memory_space<vmem>> -> memref<128xi32, #tpu.memory_space<vmem>>
    %dma_wait3A_966 = arith.constant 0 : i32
    %dma_wait3A_967 = arith.constant 0 : i32
    %dma_wait3A_968 = tpu.memref_slice %arg3[%dma_wait3A_966, %dma_wait3A_967] : memref<1048576x16xf32, #tpu.memory_space<hbm>> -> memref<1048576x16xf32, #tpu.memory_space<hbm>>
    tpu.wait_indirect_dma semaphore(%arg13 : memref<!tpu.dma_semaphore, #tpu.memory_space<semaphore_mem>>) src(%dma_wait3A_968 : memref<1048576x16xf32, #tpu.memory_space<hbm>>) dst(%dma_wait3A_962 : memref<128x16xf32, #tpu.memory_space<vmem>>)
    %dma_wait3A_969 = arith.constant 21 : i32
    %dma_wait3A_970 = arith.constant 2688 : i32
    %dma_wait3A_971 = arith.constant 0 : i32
    %dma_wait3A_972 = tpu.memref_slice %arg11[%dma_wait3A_970, %dma_wait3A_971] : memref<3328x16xf32, #tpu.memory_space<vmem>> -> memref<128x16xf32, #tpu.memory_space<vmem>>
    %dma_wait3A_973 = arith.constant 0 : i32
    %dma_wait3A_974 = tpu.memref_slice %arg9[%dma_wait3A_969, %dma_wait3A_973] : memref<26x128xi32, #tpu.memory_space<vmem>> -> memref<1x128xi32, #tpu.memory_space<vmem>>
    %dma_wait3A_975 = tpu.memref_squeeze %dma_wait3A_974 : memref<1x128xi32, #tpu.memory_space<vmem>> -> memref<128xi32, #tpu.memory_space<vmem>>
    %dma_wait3A_976 = arith.constant 0 : i32
    %dma_wait3A_977 = arith.constant 0 : i32
    %dma_wait3A_978 = tpu.memref_slice %arg4[%dma_wait3A_976, %dma_wait3A_977] : memref<65536x16xf32, #tpu.memory_space<hbm>> -> memref<65536x16xf32, #tpu.memory_space<hbm>>
    tpu.wait_indirect_dma semaphore(%arg14 : memref<!tpu.dma_semaphore, #tpu.memory_space<semaphore_mem>>) src(%dma_wait3A_978 : memref<65536x16xf32, #tpu.memory_space<hbm>>) dst(%dma_wait3A_972 : memref<128x16xf32, #tpu.memory_space<vmem>>)
    %dma_wait3A_979 = arith.constant 22 : i32
    %dma_wait3A_980 = arith.constant 2816 : i32
    %dma_wait3A_981 = arith.constant 0 : i32
    %dma_wait3A_982 = tpu.memref_slice %arg10[%dma_wait3A_980, %dma_wait3A_981] : memref<3328x16xf32, #tpu.memory_space<vmem>> -> memref<128x16xf32, #tpu.memory_space<vmem>>
    %dma_wait3A_983 = arith.constant 0 : i32
    %dma_wait3A_984 = tpu.memref_slice %arg8[%dma_wait3A_979, %dma_wait3A_983] : memref<26x128xi32, #tpu.memory_space<vmem>> -> memref<1x128xi32, #tpu.memory_space<vmem>>
    %dma_wait3A_985 = tpu.memref_squeeze %dma_wait3A_984 : memref<1x128xi32, #tpu.memory_space<vmem>> -> memref<128xi32, #tpu.memory_space<vmem>>
    %dma_wait3A_986 = arith.constant 0 : i32
    %dma_wait3A_987 = arith.constant 0 : i32
    %dma_wait3A_988 = tpu.memref_slice %arg3[%dma_wait3A_986, %dma_wait3A_987] : memref<1048576x16xf32, #tpu.memory_space<hbm>> -> memref<1048576x16xf32, #tpu.memory_space<hbm>>
    tpu.wait_indirect_dma semaphore(%arg13 : memref<!tpu.dma_semaphore, #tpu.memory_space<semaphore_mem>>) src(%dma_wait3A_988 : memref<1048576x16xf32, #tpu.memory_space<hbm>>) dst(%dma_wait3A_982 : memref<128x16xf32, #tpu.memory_space<vmem>>)
    %dma_wait3A_989 = arith.constant 22 : i32
    %dma_wait3A_990 = arith.constant 2816 : i32
    %dma_wait3A_991 = arith.constant 0 : i32
    %dma_wait3A_992 = tpu.memref_slice %arg11[%dma_wait3A_990, %dma_wait3A_991] : memref<3328x16xf32, #tpu.memory_space<vmem>> -> memref<128x16xf32, #tpu.memory_space<vmem>>
    %dma_wait3A_993 = arith.constant 0 : i32
    %dma_wait3A_994 = tpu.memref_slice %arg9[%dma_wait3A_989, %dma_wait3A_993] : memref<26x128xi32, #tpu.memory_space<vmem>> -> memref<1x128xi32, #tpu.memory_space<vmem>>
    %dma_wait3A_995 = tpu.memref_squeeze %dma_wait3A_994 : memref<1x128xi32, #tpu.memory_space<vmem>> -> memref<128xi32, #tpu.memory_space<vmem>>
    %dma_wait3A_996 = arith.constant 0 : i32
    %dma_wait3A_997 = arith.constant 0 : i32
    %dma_wait3A_998 = tpu.memref_slice %arg4[%dma_wait3A_996, %dma_wait3A_997] : memref<65536x16xf32, #tpu.memory_space<hbm>> -> memref<65536x16xf32, #tpu.memory_space<hbm>>
    tpu.wait_indirect_dma semaphore(%arg14 : memref<!tpu.dma_semaphore, #tpu.memory_space<semaphore_mem>>) src(%dma_wait3A_998 : memref<65536x16xf32, #tpu.memory_space<hbm>>) dst(%dma_wait3A_992 : memref<128x16xf32, #tpu.memory_space<vmem>>)
    %dma_wait3A_999 = arith.constant 23 : i32
    %dma_wait3A_1000 = arith.constant 2944 : i32
    %dma_wait3A_1001 = arith.constant 0 : i32
    %dma_wait3A_1002 = tpu.memref_slice %arg10[%dma_wait3A_1000, %dma_wait3A_1001] : memref<3328x16xf32, #tpu.memory_space<vmem>> -> memref<128x16xf32, #tpu.memory_space<vmem>>
    %dma_wait3A_1003 = arith.constant 0 : i32
    %dma_wait3A_1004 = tpu.memref_slice %arg8[%dma_wait3A_999, %dma_wait3A_1003] : memref<26x128xi32, #tpu.memory_space<vmem>> -> memref<1x128xi32, #tpu.memory_space<vmem>>
    %dma_wait3A_1005 = tpu.memref_squeeze %dma_wait3A_1004 : memref<1x128xi32, #tpu.memory_space<vmem>> -> memref<128xi32, #tpu.memory_space<vmem>>
    %dma_wait3A_1006 = arith.constant 0 : i32
    %dma_wait3A_1007 = arith.constant 0 : i32
    %dma_wait3A_1008 = tpu.memref_slice %arg3[%dma_wait3A_1006, %dma_wait3A_1007] : memref<1048576x16xf32, #tpu.memory_space<hbm>> -> memref<1048576x16xf32, #tpu.memory_space<hbm>>
    tpu.wait_indirect_dma semaphore(%arg13 : memref<!tpu.dma_semaphore, #tpu.memory_space<semaphore_mem>>) src(%dma_wait3A_1008 : memref<1048576x16xf32, #tpu.memory_space<hbm>>) dst(%dma_wait3A_1002 : memref<128x16xf32, #tpu.memory_space<vmem>>)
    %dma_wait3A_1009 = arith.constant 23 : i32
    %dma_wait3A_1010 = arith.constant 2944 : i32
    %dma_wait3A_1011 = arith.constant 0 : i32
    %dma_wait3A_1012 = tpu.memref_slice %arg11[%dma_wait3A_1010, %dma_wait3A_1011] : memref<3328x16xf32, #tpu.memory_space<vmem>> -> memref<128x16xf32, #tpu.memory_space<vmem>>
    %dma_wait3A_1013 = arith.constant 0 : i32
    %dma_wait3A_1014 = tpu.memref_slice %arg9[%dma_wait3A_1009, %dma_wait3A_1013] : memref<26x128xi32, #tpu.memory_space<vmem>> -> memref<1x128xi32, #tpu.memory_space<vmem>>
    %dma_wait3A_1015 = tpu.memref_squeeze %dma_wait3A_1014 : memref<1x128xi32, #tpu.memory_space<vmem>> -> memref<128xi32, #tpu.memory_space<vmem>>
    %dma_wait3A_1016 = arith.constant 0 : i32
    %dma_wait3A_1017 = arith.constant 0 : i32
    %dma_wait3A_1018 = tpu.memref_slice %arg4[%dma_wait3A_1016, %dma_wait3A_1017] : memref<65536x16xf32, #tpu.memory_space<hbm>> -> memref<65536x16xf32, #tpu.memory_space<hbm>>
    tpu.wait_indirect_dma semaphore(%arg14 : memref<!tpu.dma_semaphore, #tpu.memory_space<semaphore_mem>>) src(%dma_wait3A_1018 : memref<65536x16xf32, #tpu.memory_space<hbm>>) dst(%dma_wait3A_1012 : memref<128x16xf32, #tpu.memory_space<vmem>>)
    %dma_wait3A_1019 = arith.constant 24 : i32
    %dma_wait3A_1020 = arith.constant 3072 : i32
    %dma_wait3A_1021 = arith.constant 0 : i32
    %dma_wait3A_1022 = tpu.memref_slice %arg10[%dma_wait3A_1020, %dma_wait3A_1021] : memref<3328x16xf32, #tpu.memory_space<vmem>> -> memref<128x16xf32, #tpu.memory_space<vmem>>
    %dma_wait3A_1023 = arith.constant 0 : i32
    %dma_wait3A_1024 = tpu.memref_slice %arg8[%dma_wait3A_1019, %dma_wait3A_1023] : memref<26x128xi32, #tpu.memory_space<vmem>> -> memref<1x128xi32, #tpu.memory_space<vmem>>
    %dma_wait3A_1025 = tpu.memref_squeeze %dma_wait3A_1024 : memref<1x128xi32, #tpu.memory_space<vmem>> -> memref<128xi32, #tpu.memory_space<vmem>>
    %dma_wait3A_1026 = arith.constant 0 : i32
    %dma_wait3A_1027 = arith.constant 0 : i32
    %dma_wait3A_1028 = tpu.memref_slice %arg3[%dma_wait3A_1026, %dma_wait3A_1027] : memref<1048576x16xf32, #tpu.memory_space<hbm>> -> memref<1048576x16xf32, #tpu.memory_space<hbm>>
    tpu.wait_indirect_dma semaphore(%arg13 : memref<!tpu.dma_semaphore, #tpu.memory_space<semaphore_mem>>) src(%dma_wait3A_1028 : memref<1048576x16xf32, #tpu.memory_space<hbm>>) dst(%dma_wait3A_1022 : memref<128x16xf32, #tpu.memory_space<vmem>>)
    %dma_wait3A_1029 = arith.constant 24 : i32
    %dma_wait3A_1030 = arith.constant 3072 : i32
    %dma_wait3A_1031 = arith.constant 0 : i32
    %dma_wait3A_1032 = tpu.memref_slice %arg11[%dma_wait3A_1030, %dma_wait3A_1031] : memref<3328x16xf32, #tpu.memory_space<vmem>> -> memref<128x16xf32, #tpu.memory_space<vmem>>
    %dma_wait3A_1033 = arith.constant 0 : i32
    %dma_wait3A_1034 = tpu.memref_slice %arg9[%dma_wait3A_1029, %dma_wait3A_1033] : memref<26x128xi32, #tpu.memory_space<vmem>> -> memref<1x128xi32, #tpu.memory_space<vmem>>
    %dma_wait3A_1035 = tpu.memref_squeeze %dma_wait3A_1034 : memref<1x128xi32, #tpu.memory_space<vmem>> -> memref<128xi32, #tpu.memory_space<vmem>>
    %dma_wait3A_1036 = arith.constant 0 : i32
    %dma_wait3A_1037 = arith.constant 0 : i32
    %dma_wait3A_1038 = tpu.memref_slice %arg4[%dma_wait3A_1036, %dma_wait3A_1037] : memref<65536x16xf32, #tpu.memory_space<hbm>> -> memref<65536x16xf32, #tpu.memory_space<hbm>>
    tpu.wait_indirect_dma semaphore(%arg14 : memref<!tpu.dma_semaphore, #tpu.memory_space<semaphore_mem>>) src(%dma_wait3A_1038 : memref<65536x16xf32, #tpu.memory_space<hbm>>) dst(%dma_wait3A_1032 : memref<128x16xf32, #tpu.memory_space<vmem>>)
    %dma_wait3A_1039 = arith.constant 25 : i32
    %dma_wait3A_1040 = arith.constant 3200 : i32
    %dma_wait3A_1041 = arith.constant 0 : i32
    %dma_wait3A_1042 = tpu.memref_slice %arg10[%dma_wait3A_1040, %dma_wait3A_1041] : memref<3328x16xf32, #tpu.memory_space<vmem>> -> memref<128x16xf32, #tpu.memory_space<vmem>>
    %dma_wait3A_1043 = arith.constant 0 : i32
    %dma_wait3A_1044 = tpu.memref_slice %arg8[%dma_wait3A_1039, %dma_wait3A_1043] : memref<26x128xi32, #tpu.memory_space<vmem>> -> memref<1x128xi32, #tpu.memory_space<vmem>>
    %dma_wait3A_1045 = tpu.memref_squeeze %dma_wait3A_1044 : memref<1x128xi32, #tpu.memory_space<vmem>> -> memref<128xi32, #tpu.memory_space<vmem>>
    %dma_wait3A_1046 = arith.constant 0 : i32
    %dma_wait3A_1047 = arith.constant 0 : i32
    %dma_wait3A_1048 = tpu.memref_slice %arg3[%dma_wait3A_1046, %dma_wait3A_1047] : memref<1048576x16xf32, #tpu.memory_space<hbm>> -> memref<1048576x16xf32, #tpu.memory_space<hbm>>
    tpu.wait_indirect_dma semaphore(%arg13 : memref<!tpu.dma_semaphore, #tpu.memory_space<semaphore_mem>>) src(%dma_wait3A_1048 : memref<1048576x16xf32, #tpu.memory_space<hbm>>) dst(%dma_wait3A_1042 : memref<128x16xf32, #tpu.memory_space<vmem>>)
    %dma_wait3A_1049 = arith.constant 25 : i32
    %dma_wait3A_1050 = arith.constant 3200 : i32
    %dma_wait3A_1051 = arith.constant 0 : i32
    %dma_wait3A_1052 = tpu.memref_slice %arg11[%dma_wait3A_1050, %dma_wait3A_1051] : memref<3328x16xf32, #tpu.memory_space<vmem>> -> memref<128x16xf32, #tpu.memory_space<vmem>>
    %dma_wait3A_1053 = arith.constant 0 : i32
    %dma_wait3A_1054 = tpu.memref_slice %arg9[%dma_wait3A_1049, %dma_wait3A_1053] : memref<26x128xi32, #tpu.memory_space<vmem>> -> memref<1x128xi32, #tpu.memory_space<vmem>>
    %dma_wait3A_1055 = tpu.memref_squeeze %dma_wait3A_1054 : memref<1x128xi32, #tpu.memory_space<vmem>> -> memref<128xi32, #tpu.memory_space<vmem>>
    %dma_wait3A_1056 = arith.constant 0 : i32
    %dma_wait3A_1057 = arith.constant 0 : i32
    %dma_wait3A_1058 = tpu.memref_slice %arg4[%dma_wait3A_1056, %dma_wait3A_1057] : memref<65536x16xf32, #tpu.memory_space<hbm>> -> memref<65536x16xf32, #tpu.memory_space<hbm>>
    tpu.wait_indirect_dma semaphore(%arg14 : memref<!tpu.dma_semaphore, #tpu.memory_space<semaphore_mem>>) src(%dma_wait3A_1058 : memref<65536x16xf32, #tpu.memory_space<hbm>>) dst(%dma_wait3A_1052 : memref<128x16xf32, #tpu.memory_space<vmem>>)
    %mul3A_1059 = arith.constant 3328 : i32
    %mul3A_1060 = arith.muli %add3A, %mul3A_1059 : i32
    %dma_start3A_1061 = arith.constant 0 : i32
    %dma_start3A_1062 = tpu.memref_slice %arg5[%mul3A_1060, %dma_start3A_1061] : memref<106496x16xf32, #tpu.memory_space<hbm>> -> memref<3328x16xf32, #tpu.memory_space<hbm>>
    %dma_start3A_1063 = arith.constant 0 : i32
    %dma_start3A_1064 = tpu.memref_slice %arg5[%mul3A_1060, %dma_start3A_1063] : memref<106496x16xf32, #tpu.memory_space<hbm>> -> memref<3328x16xf32, #tpu.memory_space<hbm>>
    tpu.enqueue_dma source(%arg10 : memref<3328x16xf32, #tpu.memory_space<vmem>>) target(%dma_start3A_1064 : memref<3328x16xf32, #tpu.memory_space<hbm>>) target_semaphore(%arg13 : memref<!tpu.dma_semaphore, #tpu.memory_space<semaphore_mem>>)
    %dma_wait3A_1065 = arith.constant 0 : i32
    %dma_wait3A_1066 = tpu.memref_slice %arg5[%mul3A_1060, %dma_wait3A_1065] : memref<106496x16xf32, #tpu.memory_space<hbm>> -> memref<3328x16xf32, #tpu.memory_space<hbm>>
    %dma_wait3A_1067 = arith.constant 0 : i32
    %dma_wait3A_1068 = tpu.memref_slice %arg5[%mul3A_1060, %dma_wait3A_1067] : memref<106496x16xf32, #tpu.memory_space<hbm>> -> memref<3328x16xf32, #tpu.memory_space<hbm>>
    tpu.wait_dma2 semaphore(%arg13 : memref<!tpu.dma_semaphore, #tpu.memory_space<semaphore_mem>>) src(%arg10 : memref<3328x16xf32, #tpu.memory_space<vmem>>) dst(%dma_wait3A_1068 : memref<3328x16xf32, #tpu.memory_space<hbm>>)
    %dma_start3A_1069 = arith.constant 0 : i32
    %dma_start3A_1070 = tpu.memref_slice %arg6[%mul3A_1060, %dma_start3A_1069] : memref<106496x16xf32, #tpu.memory_space<hbm>> -> memref<3328x16xf32, #tpu.memory_space<hbm>>
    %dma_start3A_1071 = arith.constant 0 : i32
    %dma_start3A_1072 = tpu.memref_slice %arg6[%mul3A_1060, %dma_start3A_1071] : memref<106496x16xf32, #tpu.memory_space<hbm>> -> memref<3328x16xf32, #tpu.memory_space<hbm>>
    tpu.enqueue_dma source(%arg11 : memref<3328x16xf32, #tpu.memory_space<vmem>>) target(%dma_start3A_1072 : memref<3328x16xf32, #tpu.memory_space<hbm>>) target_semaphore(%arg14 : memref<!tpu.dma_semaphore, #tpu.memory_space<semaphore_mem>>)
    %dma_wait3A_1073 = arith.constant 0 : i32
    %dma_wait3A_1074 = tpu.memref_slice %arg6[%mul3A_1060, %dma_wait3A_1073] : memref<106496x16xf32, #tpu.memory_space<hbm>> -> memref<3328x16xf32, #tpu.memory_space<hbm>>
    %dma_wait3A_1075 = arith.constant 0 : i32
    %dma_wait3A_1076 = tpu.memref_slice %arg6[%mul3A_1060, %dma_wait3A_1075] : memref<106496x16xf32, #tpu.memory_space<hbm>> -> memref<3328x16xf32, #tpu.memory_space<hbm>>
    tpu.wait_dma2 semaphore(%arg14 : memref<!tpu.dma_semaphore, #tpu.memory_space<semaphore_mem>>) src(%arg11 : memref<3328x16xf32, #tpu.memory_space<vmem>>) dst(%dma_wait3A_1076 : memref<3328x16xf32, #tpu.memory_space<hbm>>)
    return
  }
}

module attributes {stable_mosaic.version = 14 : i64} {
  func.func @_tr_kernel(%arg0: i32, %arg1: memref<10x65536xf32, #tpu.memory_space<vmem>>, %arg2: memref<16x65536xf32, #tpu.memory_space<vmem>>, %arg3: memref<512x128xf32, #tpu.memory_space<vmem>>, %arg4: memref<8192x128xf32, #tpu.memory_space<vmem>>) attributes {dimension_semantics = [#tpu.dimension_semantics<arbitrary>], iteration_bounds = array<i64: 16>, scalar_prefetch = 0 : i64, scratch_operands = 0 : i64, tpu.core_type = #tpu.core_type<tc>, window_params = [{transform_indices = @transform_0, window_bounds = array<i64: 10, 65536>}, {transform_indices = @transform_1, window_bounds = array<i64: 16, 65536>}, {transform_indices = @transform_2, window_bounds = array<i64: 512, 128>}, {transform_indices = @transform_3, window_bounds = array<i64: 8192, 128>}]} {
    %get3A = arith.constant 0 : index
    %get3A_0 = arith.constant 0 : index
    %get3A_1 = vector.load %arg2[%get3A, %get3A_0] : memref<16x65536xf32, #tpu.memory_space<vmem>>, vector<16x65536xf32>
    %reshape3A = vector.shape_cast %get3A_1 : vector<16x65536xf32> to vector<16x8x8192xf32>
    %transpose3A = tpu.transpose %reshape3A, [1, 0, 2] : vector<16x8x8192xf32> -> vector<8x16x8192xf32>
    %reshape3A_2 = vector.shape_cast %transpose3A : vector<8x16x8192xf32> to vector<128x8192xf32>
    %transpose3A_3 = tpu.transpose %reshape3A_2, [1, 0] : vector<128x8192xf32> -> vector<8192x128xf32>
    %swap3A = arith.constant 0 : index
    %swap3A_4 = arith.constant 0 : index
    %swap3A_5 = vector.load %arg4[%swap3A, %swap3A_4] : memref<8192x128xf32, #tpu.memory_space<vmem>>, vector<8192x128xf32>
    tpu.vector_store %arg4[%swap3A, %swap3A_4], %transpose3A_3 {strides = array<i32>} : memref<8192x128xf32, #tpu.memory_space<vmem>>, vector<8192x128xf32>,
    %get3A_6 = arith.constant 0 : index
    %get3A_7 = arith.constant 0 : index
    %get3A_8 = vector.load %arg1[%get3A_6, %get3A_7] : memref<10x65536xf32, #tpu.memory_space<vmem>>, vector<10x65536xf32>
    %reduce_sum3A = arith.constant dense<0.000000e+00> : vector<65536xf32>
    %reduce_sum3A_9 = vector.multi_reduction <add>, %get3A_8, %reduce_sum3A [0] : vector<10x65536xf32> to vector<65536xf32>
    %reshape3A_10 = vector.shape_cast %reduce_sum3A_9 : vector<65536xf32> to vector<512x128xf32>
    %swap3A_11 = arith.constant 0 : index
    %swap3A_12 = arith.constant 0 : index
    %swap3A_13 = vector.load %arg3[%swap3A_11, %swap3A_12] : memref<512x128xf32, #tpu.memory_space<vmem>>, vector<512x128xf32>
    tpu.vector_store %arg3[%swap3A_11, %swap3A_12], %reshape3A_10 {strides = array<i32>} : memref<512x128xf32, #tpu.memory_space<vmem>>, vector<512x128xf32>,
    return
  }
  func.func @transform_0(%arg0: i32) -> (i32, i32) {
    %c0_i32 = arith.constant 0 : i32
    %c0_i32_0 = arith.constant 0 : i32
    return %c0_i32, %arg0 : i32, i32
  }
  func.func @transform_1(%arg0: i32) -> (i32, i32) {
    %c0_i32 = arith.constant 0 : i32
    %c0_i32_0 = arith.constant 0 : i32
    return %c0_i32, %arg0 : i32, i32
  }
  func.func @transform_2(%arg0: i32) -> (i32, i32) {
    %c0_i32 = arith.constant 0 : i32
    %c0_i32_0 = arith.constant 0 : i32
    return %arg0, %c0_i32 : i32, i32
  }
  func.func @transform_3(%arg0: i32) -> (i32, i32) {
    %c0_i32 = arith.constant 0 : i32
    %c0_i32_0 = arith.constant 0 : i32
    return %arg0, %c0_i32 : i32, i32
  }
}

module attributes {stable_mosaic.version = 14 : i64} {
  func.func @_mlp_kernel(%arg0: i32, %arg1: memref<1024x26xi32, #tpu.memory_space<vmem>>, %arg2: memref<1024x416xf32, #tpu.memory_space<vmem>>, %arg3: memref<1024x416xf32, #tpu.memory_space<vmem>>, %arg4: memref<1x416xf32, #tpu.memory_space<vmem>>, %arg5: memref<1x416xf32, #tpu.memory_space<vmem>>, %arg6: memref<416x512xf32, #tpu.memory_space<vmem>>, %arg7: memref<1x512xf32, #tpu.memory_space<vmem>>, %arg8: memref<512x256xf32, #tpu.memory_space<vmem>>, %arg9: memref<1x256xf32, #tpu.memory_space<vmem>>, %arg10: memref<256x128xf32, #tpu.memory_space<vmem>>, %arg11: memref<1x128xf32, #tpu.memory_space<vmem>>, %arg12: memref<128x1xf32, #tpu.memory_space<vmem>>, %arg13: memref<1x1xf32, #tpu.memory_space<vmem>>, %arg14: memref<1024x1xf32, #tpu.memory_space<vmem>>) attributes {dimension_semantics = [#tpu.dimension_semantics<arbitrary>], iteration_bounds = array<i64: 4>, scalar_prefetch = 0 : i64, scratch_operands = 0 : i64, tpu.core_type = #tpu.core_type<tc>, window_params = [{transform_indices = @transform_0, window_bounds = array<i64: 1024, 26>}, {transform_indices = @transform_1, window_bounds = array<i64: 1024, 416>}, {transform_indices = @transform_2, window_bounds = array<i64: 1024, 416>}, {pipeline_mode = #tpu.pipeline_mode<synchronous>, transform_indices = @transform_3, window_bounds = array<i64: 1, 416>}, {pipeline_mode = #tpu.pipeline_mode<synchronous>, transform_indices = @transform_4, window_bounds = array<i64: 1, 416>}, {pipeline_mode = #tpu.pipeline_mode<synchronous>, transform_indices = @transform_5, window_bounds = array<i64: 416, 512>}, {pipeline_mode = #tpu.pipeline_mode<synchronous>, transform_indices = @transform_6, window_bounds = array<i64: 1, 512>}, {pipeline_mode = #tpu.pipeline_mode<synchronous>, transform_indices = @transform_7, window_bounds = array<i64: 512, 256>}, {pipeline_mode = #tpu.pipeline_mode<synchronous>, transform_indices = @transform_8, window_bounds = array<i64: 1, 256>}, {pipeline_mode = #tpu.pipeline_mode<synchronous>, transform_indices = @transform_9, window_bounds = array<i64: 256, 128>}, {pipeline_mode = #tpu.pipeline_mode<synchronous>, transform_indices = @transform_10, window_bounds = array<i64: 1, 128>}, {pipeline_mode = #tpu.pipeline_mode<synchronous>, transform_indices = @transform_11, window_bounds = array<i64: 128, 1>}, {pipeline_mode = #tpu.pipeline_mode<synchronous>, transform_indices = @transform_12, window_bounds = array<i64: 1, 1>}, {transform_indices = @transform_13, window_bounds = array<i64: 1024, 1>}]} {
    %get3A = arith.constant 0 : index
    %get3A_0 = arith.constant 0 : index
    %get3A_1 = vector.load %arg2[%get3A, %get3A_0] : memref<1024x416xf32, #tpu.memory_space<vmem>>, vector<1024x416xf32>
    %reduce_sum3A = arith.constant dense<0.000000e+00> : vector<1024xf32>
    %reduce_sum3A_2 = vector.multi_reduction <add>, %get3A_1, %reduce_sum3A [1] : vector<1024x416xf32> to vector<1024xf32>
    %broadcast_in_dim3A = vector.shape_cast %reduce_sum3A_2 : vector<1024xf32> to vector<1024x1xf32>
    %div3A = arith.constant 4.160000e+02 : f32
    %div3A_3 = vector.broadcast %div3A : f32 to vector<1024x1xf32>
    %div3A_4 = arith.divf %broadcast_in_dim3A, %div3A_3 : vector<1024x1xf32>
    %sub3A = vector.broadcast %div3A_4 : vector<1024x1xf32> to vector<1024x416xf32>
    %sub3A_5 = arith.subf %get3A_1, %sub3A : vector<1024x416xf32>
    %mul3A = arith.mulf %sub3A_5, %sub3A_5 : vector<1024x416xf32>
    %reduce_sum3A_6 = arith.constant dense<0.000000e+00> : vector<1024xf32>
    %reduce_sum3A_7 = vector.multi_reduction <add>, %mul3A, %reduce_sum3A_6 [1] : vector<1024x416xf32> to vector<1024xf32>
    %broadcast_in_dim3A_8 = vector.shape_cast %reduce_sum3A_7 : vector<1024xf32> to vector<1024x1xf32>
    %div3A_9 = arith.constant 4.160000e+02 : f32
    %div3A_10 = vector.broadcast %div3A_9 : f32 to vector<1024x1xf32>
    %div3A_11 = arith.divf %broadcast_in_dim3A_8, %div3A_10 : vector<1024x1xf32>
    %add3A = arith.constant 9.99999974E-6 : f32
    %add3A_12 = vector.broadcast %add3A : f32 to vector<1024x1xf32>
    %add3A_13 = arith.addf %div3A_11, %add3A_12 : vector<1024x1xf32>
    %rsqrt3A = math.rsqrt %add3A_13 : vector<1024x1xf32>
    %mul3A_14 = vector.broadcast %rsqrt3A : vector<1024x1xf32> to vector<1024x416xf32>
    %mul3A_15 = arith.mulf %sub3A_5, %mul3A_14 : vector<1024x416xf32>
    %get3A_16 = arith.constant 0 : index
    %get3A_17 = arith.constant 0 : index
    %get3A_18 = vector.load %arg4[%get3A_16, %get3A_17] : memref<1x416xf32, #tpu.memory_space<vmem>>, vector<1x416xf32>
    %mul3A_19 = vector.broadcast %get3A_18 : vector<1x416xf32> to vector<1024x416xf32>
    %mul3A_20 = arith.mulf %mul3A_15, %mul3A_19 : vector<1024x416xf32>
    %get3A_21 = arith.constant 0 : index
    %get3A_22 = arith.constant 0 : index
    %get3A_23 = vector.load %arg5[%get3A_21, %get3A_22] : memref<1x416xf32, #tpu.memory_space<vmem>>, vector<1x416xf32>
    %add3A_24 = vector.broadcast %get3A_23 : vector<1x416xf32> to vector<1024x416xf32>
    %add3A_25 = arith.addf %mul3A_20, %add3A_24 : vector<1024x416xf32>
    %get3A_26 = arith.constant 0 : index
    %get3A_27 = arith.constant 0 : index
    %get3A_28 = vector.load %arg6[%get3A_26, %get3A_27] : memref<416x512xf32, #tpu.memory_space<vmem>>, vector<416x512xf32>
    %dot_general3A = arith.constant dense<0.000000e+00> : vector<1024x512xf32>
    %dot_general3A_29 = tpu.matmul %add3A_25, %get3A_28, %dot_general3A {dimension_numbers = #tpu.dot_dimension_numbers<[1], [0], [0], [1], [0, 0, 1, 1], [], []>, transpose_lhs_hint = false} : vector<1024x416xf32>, vector<416x512xf32>, vector<1024x512xf32> -> vector<1024x512xf32>
    %get3A_30 = arith.constant 0 : index
    %get3A_31 = arith.constant 0 : index
    %get3A_32 = vector.load %arg7[%get3A_30, %get3A_31] : memref<1x512xf32, #tpu.memory_space<vmem>>, vector<1x512xf32>
    %add3A_33 = vector.broadcast %get3A_32 : vector<1x512xf32> to vector<1024x512xf32>
    %add3A_34 = arith.addf %dot_general3A_29, %add3A_33 : vector<1024x512xf32>
    %max3A = arith.constant 0.000000e+00 : f32
    %max3A_35 = vector.broadcast %max3A : f32 to vector<1024x512xf32>
    %max3A_36 = arith.maximumf %add3A_34, %max3A_35 : vector<1024x512xf32>
    %get3A_37 = arith.constant 0 : index
    %get3A_38 = arith.constant 0 : index
    %get3A_39 = vector.load %arg8[%get3A_37, %get3A_38] : memref<512x256xf32, #tpu.memory_space<vmem>>, vector<512x256xf32>
    %dot_general3A_40 = arith.constant dense<0.000000e+00> : vector<1024x256xf32>
    %dot_general3A_41 = tpu.matmul %max3A_36, %get3A_39, %dot_general3A_40 {dimension_numbers = #tpu.dot_dimension_numbers<[1], [0], [0], [1], [0, 0, 1, 1], [], []>, transpose_lhs_hint = false} : vector<1024x512xf32>, vector<512x256xf32>, vector<1024x256xf32> -> vector<1024x256xf32>
    %get3A_42 = arith.constant 0 : index
    %get3A_43 = arith.constant 0 : index
    %get3A_44 = vector.load %arg9[%get3A_42, %get3A_43] : memref<1x256xf32, #tpu.memory_space<vmem>>, vector<1x256xf32>
    %add3A_45 = vector.broadcast %get3A_44 : vector<1x256xf32> to vector<1024x256xf32>
    %add3A_46 = arith.addf %dot_general3A_41, %add3A_45 : vector<1024x256xf32>
    %max3A_47 = arith.constant 0.000000e+00 : f32
    %max3A_48 = vector.broadcast %max3A_47 : f32 to vector<1024x256xf32>
    %max3A_49 = arith.maximumf %add3A_46, %max3A_48 : vector<1024x256xf32>
    %get3A_50 = arith.constant 0 : index
    %get3A_51 = arith.constant 0 : index
    %get3A_52 = vector.load %arg10[%get3A_50, %get3A_51] : memref<256x128xf32, #tpu.memory_space<vmem>>, vector<256x128xf32>
    %dot_general3A_53 = arith.constant dense<0.000000e+00> : vector<1024x128xf32>
    %dot_general3A_54 = tpu.matmul %max3A_49, %get3A_52, %dot_general3A_53 {dimension_numbers = #tpu.dot_dimension_numbers<[1], [0], [0], [1], [0, 0, 1, 1], [], []>, transpose_lhs_hint = false} : vector<1024x256xf32>, vector<256x128xf32>, vector<1024x128xf32> -> vector<1024x128xf32>
    %get3A_55 = arith.constant 0 : index
    %get3A_56 = arith.constant 0 : index
    %get3A_57 = vector.load %arg11[%get3A_55, %get3A_56] : memref<1x128xf32, #tpu.memory_space<vmem>>, vector<1x128xf32>
    %add3A_58 = vector.broadcast %get3A_57 : vector<1x128xf32> to vector<1024x128xf32>
    %add3A_59 = arith.addf %dot_general3A_54, %add3A_58 : vector<1024x128xf32>
    %max3A_60 = arith.constant 0.000000e+00 : f32
    %max3A_61 = vector.broadcast %max3A_60 : f32 to vector<1024x128xf32>
    %max3A_62 = arith.maximumf %add3A_59, %max3A_61 : vector<1024x128xf32>
    %get3A_63 = arith.constant 0 : index
    %get3A_64 = arith.constant 0 : index
    %get3A_65 = vector.load %arg12[%get3A_63, %get3A_64] : memref<128x1xf32, #tpu.memory_space<vmem>>, vector<128x1xf32>
    %dot_general3A_66 = arith.constant dense<0.000000e+00> : vector<1024x1xf32>
    %dot_general3A_67 = tpu.matmul %max3A_62, %get3A_65, %dot_general3A_66 {dimension_numbers = #tpu.dot_dimension_numbers<[1], [0], [0], [1], [0, 0, 1, 1], [], []>, transpose_lhs_hint = false} : vector<1024x128xf32>, vector<128x1xf32>, vector<1024x1xf32> -> vector<1024x1xf32>
    %get3A_68 = arith.constant 0 : index
    %get3A_69 = arith.constant 0 : index
    %get3A_70 = vector.load %arg13[%get3A_68, %get3A_69] : memref<1x1xf32, #tpu.memory_space<vmem>>, vector<1x1xf32>
    %add3A_71 = vector.broadcast %get3A_70 : vector<1x1xf32> to vector<1024x1xf32>
    %add3A_72 = arith.addf %dot_general3A_67, %add3A_71 : vector<1024x1xf32>
    %get3A_73 = arith.constant 0 : index
    %get3A_74 = arith.constant 0 : index
    %get3A_75 = vector.load %arg1[%get3A_73, %get3A_74] : memref<1024x26xi32, #tpu.memory_space<vmem>>, vector<1024x26xi32>
    %and3A = arith.constant 15 : i32
    %and3A_76 = vector.broadcast %and3A : i32 to vector<1024x26xi32>
    %and3A_77 = arith.andi %get3A_75, %and3A_76 : vector<1024x26xi32>
    %convert_element_type3A = arith.sitofp %and3A_77 : vector<1024x26xi32> to vector<1024x26xf32>
    %iota3A = tpu.iota {dimensions = array<i32: 1>} : vector<26x416xi32>
    %jit3A = arith.constant 16 : i32
    %div3A_78 = vector.broadcast %jit3A : i32 to vector<26x416xi32>
    %div3A_79 = arith.divsi %iota3A, %div3A_78 : vector<26x416xi32>
    %sign3A = arith.constant 0 : i32
    %sign3A_80 = vector.broadcast %sign3A : i32 to vector<26x416xi32>
    %sign3A_81 = arith.cmpi sgt, %iota3A, %sign3A_80 : vector<26x416xi32>
    %sign3A_82 = arith.extui %sign3A_81 : vector<26x416xi1> to vector<26x416xi32>
    %sign3A_83 = arith.constant 0 : i32
    %sign3A_84 = vector.broadcast %sign3A_83 : i32 to vector<26x416xi32>
    %sign3A_85 = arith.cmpi slt, %iota3A, %sign3A_84 : vector<26x416xi32>
    %sign3A_86 = arith.extui %sign3A_85 : vector<26x416xi1> to vector<26x416xi32>
    %sign3A_87 = arith.subi %sign3A_82, %sign3A_86 : vector<26x416xi32>
    %sign3A_88 = arith.constant 0 : i32
    %sign3A_89 = arith.cmpi sgt, %jit3A, %sign3A_88 : i32
    %sign3A_90 = arith.extui %sign3A_89 : i1 to i32
    %sign3A_91 = arith.constant 0 : i32
    %sign3A_92 = arith.cmpi slt, %jit3A, %sign3A_91 : i32
    %sign3A_93 = arith.extui %sign3A_92 : i1 to i32
    %sign3A_94 = arith.subi %sign3A_90, %sign3A_93 : i32
    %ne3A = vector.broadcast %sign3A_94 : i32 to vector<26x416xi32>
    %ne3A_95 = arith.cmpi ne, %sign3A_87, %ne3A : vector<26x416xi32>
    %rem3A = vector.broadcast %jit3A : i32 to vector<26x416xi32>
    %rem3A_96 = arith.remsi %iota3A, %rem3A : vector<26x416xi32>
    %ne3A_97 = arith.constant 0 : i32
    %ne3A_98 = vector.broadcast %ne3A_97 : i32 to vector<26x416xi32>
    %ne3A_99 = arith.cmpi ne, %rem3A_96, %ne3A_98 : vector<26x416xi32>
    %and3A_100 = arith.andi %ne3A_95, %ne3A_99 : vector<26x416xi1>
    %sub3A_101 = arith.constant 1 : i32
    %sub3A_102 = vector.broadcast %sub3A_101 : i32 to vector<26x416xi32>
    %sub3A_103 = arith.subi %div3A_79, %sub3A_102 : vector<26x416xi32>
    %select_n3A = arith.select %and3A_100, %sub3A_103, %div3A_79 : vector<26x416xi1>, vector<26x416xi32>
    %iota3A_104 = tpu.iota {dimensions = array<i32: 0>} : vector<26x416xi32>
    %eq3A = arith.cmpi eq, %select_n3A, %iota3A_104 : vector<26x416xi32>
    %convert_element_type3A_105 = arith.extui %eq3A : vector<26x416xi1> to vector<26x416xi32>
    %convert_element_type3A_106 = arith.sitofp %convert_element_type3A_105 : vector<26x416xi32> to vector<26x416xf32>
    %dot_general3A_107 = arith.constant dense<0.000000e+00> : vector<1024x416xf32>
    %dot_general3A_108 = tpu.matmul %convert_element_type3A, %convert_element_type3A_106, %dot_general3A_107 {dimension_numbers = #tpu.dot_dimension_numbers<[1], [0], [0], [1], [0, 0, 1, 1], [], []>, transpose_lhs_hint = false} : vector<1024x26xf32>, vector<26x416xf32>, vector<1024x416xf32> -> vector<1024x416xf32>
    %iota3A_109 = tpu.iota {dimensions = array<i32: 1>} : vector<1x416xi32>
    %jit3A_110 = arith.constant 16 : i32
    %eq3A_111 = arith.constant 0 : i32
    %eq3A_112 = arith.cmpi eq, %jit3A_110, %eq3A_111 : i32
    %jit3A_113 = arith.constant 1 : i32
    %select_n3A_114 = arith.select %eq3A_112, %jit3A_113, %jit3A_110 : i32
    %rem3A_115 = vector.broadcast %select_n3A_114 : i32 to vector<1x416xi32>
    %rem3A_116 = arith.remsi %iota3A_109, %rem3A_115 : vector<1x416xi32>
    %ne3A_117 = arith.constant 0 : i32
    %ne3A_118 = vector.broadcast %ne3A_117 : i32 to vector<1x416xi32>
    %ne3A_119 = arith.cmpi ne, %rem3A_116, %ne3A_118 : vector<1x416xi32>
    %lt3A = arith.constant 0 : i32
    %lt3A_120 = vector.broadcast %lt3A : i32 to vector<1x416xi32>
    %lt3A_121 = arith.cmpi slt, %rem3A_116, %lt3A_120 : vector<1x416xi32>
    %lt3A_122 = arith.constant 0 : i32
    %lt3A_123 = arith.cmpi slt, %select_n3A_114, %lt3A_122 : i32
    %ne3A_124 = vector.broadcast %lt3A_123 : i1 to vector<1x416xi1>
    %ne3A_125 = vector.broadcast %ne3A_124 : vector<1x416xi1> to vector<1x416xi1>
    %ne3A_126 = arith.xori %lt3A_121, %ne3A_125 : vector<1x416xi1>
    %and3A_127 = arith.andi %ne3A_126, %ne3A_119 : vector<1x416xi1>
    %add3A_128 = vector.broadcast %select_n3A_114 : i32 to vector<1x416xi32>
    %add3A_129 = arith.addi %rem3A_116, %add3A_128 : vector<1x416xi32>
    %select_n3A_130 = arith.select %and3A_127, %add3A_129, %rem3A_116 : vector<1x416xi1>, vector<1x416xi32>
    %convert_element_type3A_131 = arith.sitofp %select_n3A_130 : vector<1x416xi32> to vector<1x416xf32>
    %eq3A_132 = vector.broadcast %convert_element_type3A_131 : vector<1x416xf32> to vector<1024x416xf32>
    %eq3A_133 = arith.cmpf oeq, %eq3A_132, %dot_general3A_108 : vector<1024x416xf32>
    %get3A_134 = arith.constant 0 : index
    %get3A_135 = arith.constant 0 : index
    %get3A_136 = vector.load %arg3[%get3A_134, %get3A_135] : memref<1024x416xf32, #tpu.memory_space<vmem>>, vector<1024x416xf32>
    %jit3A_137 = arith.constant 0.000000e+00 : f32
    %broadcast_in_dim3A_138 = vector.broadcast %jit3A_137 : f32 to vector<1024x416xf32>
    %select_n3A_139 = arith.select %eq3A_133, %get3A_136, %broadcast_in_dim3A_138 : vector<1024x416xi1>, vector<1024x416xf32>
    %reduce_sum3A_140 = arith.constant dense<0.000000e+00> : vector<1024xf32>
    %reduce_sum3A_141 = vector.multi_reduction <add>, %select_n3A_139, %reduce_sum3A_140 [1] : vector<1024x416xf32> to vector<1024xf32>
    %broadcast_in_dim3A_142 = vector.shape_cast %reduce_sum3A_141 : vector<1024xf32> to vector<1024x1xf32>
    %add3A_143 = arith.addf %add3A_72, %broadcast_in_dim3A_142 : vector<1024x1xf32>
    %logistic3A = arith.negf %add3A_143 : vector<1024x1xf32>
    %logistic3A_144 = math.exp %logistic3A : vector<1024x1xf32>
    %logistic3A_145 = arith.constant 1.000000e+00 : f32
    %logistic3A_146 = vector.broadcast %logistic3A_145 : f32 to vector<1024x1xf32>
    %logistic3A_147 = arith.addf %logistic3A_146, %logistic3A_144 : vector<1024x1xf32>
    %logistic3A_148 = arith.divf %logistic3A_146, %logistic3A_147 : vector<1024x1xf32>
    %swap3A = arith.constant 0 : index
    %swap3A_149 = arith.constant 0 : index
    %swap3A_150 = vector.load %arg14[%swap3A, %swap3A_149] : memref<1024x1xf32, #tpu.memory_space<vmem>>, vector<1024x1xf32>
    tpu.vector_store %arg14[%swap3A, %swap3A_149], %logistic3A_148 {strides = array<i32>} : memref<1024x1xf32, #tpu.memory_space<vmem>>, vector<1024x1xf32>,
    return
  }
  func.func @transform_0(%arg0: i32) -> (i32, i32) {
    %c0_i32 = arith.constant 0 : i32
    %c0_i32_0 = arith.constant 0 : i32
    return %arg0, %c0_i32 : i32, i32
  }
  func.func @transform_1(%arg0: i32) -> (i32, i32) {
    %c0_i32 = arith.constant 0 : i32
    %c0_i32_0 = arith.constant 0 : i32
    return %arg0, %c0_i32 : i32, i32
  }
  func.func @transform_2(%arg0: i32) -> (i32, i32) {
    %c0_i32 = arith.constant 0 : i32
    %c0_i32_0 = arith.constant 0 : i32
    return %arg0, %c0_i32 : i32, i32
  }
  func.func @transform_3(%arg0: i32) -> (i32, i32) {
    %c0_i32 = arith.constant 0 : i32
    %c0_i32_0 = arith.constant 0 : i32
    %c0_i32_1 = arith.constant 0 : i32
    return %c0_i32, %c0_i32_0 : i32, i32
  }
  func.func @transform_4(%arg0: i32) -> (i32, i32) {
    %c0_i32 = arith.constant 0 : i32
    %c0_i32_0 = arith.constant 0 : i32
    %c0_i32_1 = arith.constant 0 : i32
    return %c0_i32, %c0_i32_0 : i32, i32
  }
  func.func @transform_5(%arg0: i32) -> (i32, i32) {
    %c0_i32 = arith.constant 0 : i32
    %c0_i32_0 = arith.constant 0 : i32
    %c0_i32_1 = arith.constant 0 : i32
    return %c0_i32, %c0_i32_0 : i32, i32
  }
  func.func @transform_6(%arg0: i32) -> (i32, i32) {
    %c0_i32 = arith.constant 0 : i32
    %c0_i32_0 = arith.constant 0 : i32
    %c0_i32_1 = arith.constant 0 : i32
    return %c0_i32, %c0_i32_0 : i32, i32
  }
  func.func @transform_7(%arg0: i32) -> (i32, i32) {
    %c0_i32 = arith.constant 0 : i32
    %c0_i32_0 = arith.constant 0 : i32
    %c0_i32_1 = arith.constant 0 : i32
    return %c0_i32, %c0_i32_0 : i32, i32
  }
  func.func @transform_8(%arg0: i32) -> (i32, i32) {
    %c0_i32 = arith.constant 0 : i32
    %c0_i32_0 = arith.constant 0 : i32
    %c0_i32_1 = arith.constant 0 : i32
    return %c0_i32, %c0_i32_0 : i32, i32
  }
  func.func @transform_9(%arg0: i32) -> (i32, i32) {
    %c0_i32 = arith.constant 0 : i32
    %c0_i32_0 = arith.constant 0 : i32
    %c0_i32_1 = arith.constant 0 : i32
    return %c0_i32, %c0_i32_0 : i32, i32
  }
  func.func @transform_10(%arg0: i32) -> (i32, i32) {
    %c0_i32 = arith.constant 0 : i32
    %c0_i32_0 = arith.constant 0 : i32
    %c0_i32_1 = arith.constant 0 : i32
    return %c0_i32, %c0_i32_0 : i32, i32
  }
  func.func @transform_11(%arg0: i32) -> (i32, i32) {
    %c0_i32 = arith.constant 0 : i32
    %c0_i32_0 = arith.constant 0 : i32
    %c0_i32_1 = arith.constant 0 : i32
    return %c0_i32, %c0_i32_0 : i32, i32
  }
  func.func @transform_12(%arg0: i32) -> (i32, i32) {
    %c0_i32 = arith.constant 0 : i32
    %c0_i32_0 = arith.constant 0 : i32
    %c0_i32_1 = arith.constant 0 : i32
    return %c0_i32, %c0_i32_0 : i32, i32
  }
  func.func @transform_13(%arg0: i32) -> (i32, i32) {
    %c0_i32 = arith.constant 0 : i32
    %c0_i32_0 = arith.constant 0 : i32
    return %arg0, %c0_i32 : i32, i32
  }
}

</mosaic_0001>

<sc_bundles>
// kernel: kernel.5.cloned.1.call-start
scs
__scs_entry_jumppad:
0x0: {  	(pc) =	sbr.rel $0x88, $3  }
0x1: {  	(tag) =	ssettag $0x0;
	lr =	simm.s32 $0x1  }
0x2: {  	[smem:$0x3F94] =	sst lr;
	_ =	strace $0xD0000000  }
0x3: {  	_ = 	snop  }
0x4: {  	_ = 	snop  }
0x5: {  	_ = 	snop  }
0x6: {  	_ = 	snop  }
0x7: {  	_ = 	snop  }
__scs_overlays_trampoline_lowered:
0x8: {  	[smem:$0x3FA3] =	sst s0  }
0x9: {  	[smem:$0x3FA4] =	sst s1  }
0xa: {  	[smem:$0x3FA5] =	sst s2  }
0xb: {  	[smem:$0x3FA6] =	sst s3  }
0xc: {  	[smem:$0x3FA7] =	sst s4  }
0xd: {  	[smem:$0x3FA8] =	sst s5  }
0xe: {  	[smem:$0x3FA9] =	sst s6  }
0xf: {  	[smem:$0x3FAA] =	sst s7  }
0x10: {  	[smem:$0x3FAB] =	sst s8  }
0x11: {  	[smem:$0x3FAC] =	sst s9;
	s0 =	simm.s32 @!p0 $0x0  }
0x12: {  	s1 =	sld [smem:$0x3F92];
	s0 =	simm.s32 @p0 $0x1  }
0x13: {  	[smem:$0x3FAD] =	sst s0;
	s0 =	simm.s32 @!p1 $0x0  }
0x14: {  	s2 =	sld [smem:$0x3F91];
	s0 =	simm.s32 @p1 $0x1  }
0x15: {  	[smem:$0x3FAE] =	sst s0;
	s0 =	simm.s32 @!p2 $0x0  }
0x16: {  	s3 =	sld [smem:$0x3FDB];
	s0 =	simm.s32 @p2 $0x1  }
0x17: {  	s4 =	simm.s32 $0x1BF5;
	[smem:$0x3FB0] =	sst s0  }
0x18: {  	s0 =	sld [smem:$0x3F93];
	_ =	swait.ge [sflag:s4], $0x0  }
0x19: {  	s7 =	sld [smem:$0x3F94]  }
0x1a: {  	s8 =	sadd.s32 $0xFFFFE003, lr  }
0x1b: {  	s9 =	sadd.s32 $0xFFFFFEF7, lr;
	s5 =	simm.s32 $0xFFFFFFFF;
	p2 =	slt.u32 s8, $0xFFFFF086  }
0x1c: {  	p1 =	slt.u32 s9, $0xF7A;
	s5 =	simm.s32 @!p2 $0x0  }
0x1d: {  	s5 =	simm.s32 @p1 $0x1;
	p0 =	seq.s32 s7, s2  }
0x1e: {  	s7 =	smul.u32 @!p0 $0xF7A, s2;
	p2 =	seq.s32 @!p0 s5, $0x0  }
0x1f: {  	s9 =	smul.u32 $0xF7A, s1;
	s8 =	simm.s32 @!p0 $0x1BF5;
	p2 =	por !p2, p0  }
0x20: {  	[sflag:s8] =	ssyncset.s32 @!p0 $0xFFFFF086;
	s6 =	sadd.s32 @!p0 s3, s7;
	s7 =	simm.s32 @!p0 $0x108  }
0x21: {  	s3 =	sadd.s32 s3, s9;
	s6 =	sadd.s32 @!p0 $0x88, s6;
	s7 =	simm.s32 @p2 $0x1082  }
0x22: {  	[simem:s7], [sflag:s8] =	dma.local @!p0 [hbm:s6], $0xF7A  }
0x23: {  	s9 =	sor.u32 $0xD0000000, s2;
	s6 =	simm.s32 $0x108;
	_ =	swait.ge @!p0 [sflag:s8], $0x0  }
0x24: {  	s3 =	sadd.s32 $0x88, s3;
	s6 =	simm.s32 @!p1 $0x1082;
	[sflag:s4] =	ssyncset.s32 $0xFFFFF086  }
0x25: {  	[simem:s6], [sflag:s4] =	dma.local [hbm:s3], $0xF7A  }
0x26: {  	[smem:$0x3F94] =	sst s1;
	(tag) =	ssettag s2;
	_ =	strace s9  }
0x27: {  	s1 =	sld [smem:$0x3FA4]  }
0x28: {  	s2 =	sld [smem:$0x3FA5]  }
0x29: {  	s4 =	sld [smem:$0x3FA7]  }
0x2a: {  	p0 =	seq.s32 s5, $0x0;
	s5 =	sld [smem:$0x3FA8]  }
0x2b: {  	s6 =	sld [smem:$0x3FA9]  }
0x2c: {  	s7 =	sld [smem:$0x3FAA]  }
0x2d: {  	s3 =	simm.s32 $0x108;
	s8 =	sld [smem:$0x3FAB]  }
0x2e: {  	s3 =	simm.s32 @!p0 $0x1082;
	s9 =	sld [smem:$0x3FAC]  }
0x2f: {  	lr =	sadd.s32 s0, s3;
	s0 =	sld [smem:$0x3FA3]  }
0x30: {  	s3 =	sld [smem:$0x3FA6]  }
0x31: {  	[smem:$0x3FAF] =	sst s10  }
0x32: {  	s10 =	sld [smem:$0x3FAD];
	_ =	sdelay $0x3  }
0x33: {  	p0 =	seq.s32 s10, $0x1;
	s10 =	sld [smem:$0x3FAF];
	_ =	sdelay $0x3  }
0x34: {  	[smem:$0x3FAF] =	sst s10  }
0x35: {  	s10 =	sld [smem:$0x3FAE];
	_ =	sdelay $0x3  }
0x36: {  	p1 =	seq.s32 s10, $0x1;
	s10 =	sld [smem:$0x3FAF];
	_ =	sdelay $0x3  }
0x37: {  	[smem:$0x3FAF] =	sst s10  }
0x38: {  	s10 =	sld [smem:$0x3FB0]  }
0x39: {  	_ = 	snop;
	(pc) =	sbr.ind lr, $3  }
0x3a: {  	_ = 	snop  }
0x3b: {  	_ = 	snop  }
0x3c: {  	p2 =	seq.s32 s10, $0x1;
	s10 =	sld [smem:$0x3FAF]  }
0x3d: {  	_ =	shalt  }
0x3e: {  	_ =	shalt  }
0x3f: {  	_ =	shalt  }
0x40: {  	_ =	shalt  }
0x41: {  	_ =	shalt  }
0x42: {  	_ =	shalt  }
0x43: {  	_ =	shalt  }
0x44: {  	_ =	shalt  }
0x45: {  	_ =	shalt  }
0x46: {  	_ =	shalt  }
0x47: {  	_ =	shalt  }
0x48: {  	_ =	shalt  }
0x49: {  	_ =	shalt  }
0x4a: {  	_ =	shalt  }
0x4b: {  	_ =	shalt  }
0x4c: {  	_ =	shalt  }
0x4d: {  	_ =	shalt  }
0x4e: {  	_ =	shalt  }
0x4f: {  	_ =	shalt  }
0x50: {  	_ =	shalt  }
0x51: {  	_ =	shalt  }
0x52: {  	_ =	shalt  }
0x53: {  	_ =	shalt  }
0x54: {  	_ =	shalt  }
0x55: {  	_ =	shalt  }
0x56: {  	_ =	shalt  }
0x57: {  	_ =	shalt  }
0x58: {  	_ =	shalt  }
0x59: {  	_ =	shalt  }
0x5a: {  	_ =	shalt  }
0x5b: {  	_ =	shalt  }
0x5c: {  	_ =	shalt  }
0x5d: {  	_ =	shalt  }
0x5e: {  	_ =	shalt  }
0x5f: {  	_ =	shalt  }
0x60: {  	_ =	shalt  }
0x61: {  	_ =	shalt  }
0x62: {  	_ =	shalt  }
0x63: {  	_ =	shalt  }
0x64: {  	_ =	shalt  }
0x65: {  	_ =	shalt  }
0x66: {  	_ =	shalt  }
0x67: {  	_ =	shalt  }
0x68: {  	_ =	shalt  }
0x69: {  	_ =	shalt  }
0x6a: {  	_ =	shalt  }
0x6b: {  	_ =	shalt  }
0x6c: {  	_ =	shalt  }
0x6d: {  	_ =	shalt  }
0x6e: {  	_ =	shalt  }
0x6f: {  	_ =	shalt  }
0x70: {  	_ =	shalt  }
0x71: {  	_ =	shalt  }
0x72: {  	_ =	shalt  }
0x73: {  	_ =	shalt  }
0x74: {  	_ =	shalt  }
0x75: {  	_ =	shalt  }
0x76: {  	_ =	shalt  }
0x77: {  	_ =	shalt  }
0x78: {  	_ =	shalt  }
0x79: {  	_ =	shalt  }
0x7a: {  	_ =	shalt  }
0x7b: {  	_ =	shalt  }
0x7c: {  	_ =	shalt  }
0x7d: {  	_ =	shalt  }
0x7e: {  	_ =	shalt  }
0x7f: {  	_ =	shalt  }
0x80: {  	_ =	shalt  }
0x81: {  	_ =	shalt  }
0x82: {  	_ =	shalt  }
0x83: {  	_ =	shalt  }
0x84: {  	_ =	shalt  }
0x85: {  	_ =	shalt  }
0x86: {  	_ =	shalt  }
0x87: {  	_ =	shalt  }
.Lfunc_end0:
.L_simem_size_0:
called_computation_lowered:
.L_overlay_start_0:
0x88: {  	s2 =	sld [smem:$0x3FD9]  }
0x89: {  	s3 =	sld [smem:$0x3FFE];
	_ =	sdelay $0x1  }
0x8a: {  	s1 =	srdreg.scid  }
0x8b: {  	s0 =	sand.u32 $0x1, s1  }
0x8c: {  	s16 =	sshll.u32 s0, $0xA;
	s2 =	sadd.s32 s3, s2  }
0x8d: {  	s2 =	sadd.s32 s2, s16  }
0x8e: {  	[smem:$0x3FBB] =	sst s2  }
0x8f: {  	_ = 	snop  }
0x90: {  	(tm) =	ssettm $0x1  }
0x91: {  	s17 =	sld [smem:$0x3FFB];
	_ =	sdelay $0x3  }
0x92: {  	_ =	strace s17  }
0x93: {  	s2 =	sld [smem:$0x3FFC];
	_ =	sdelay $0x3  }
0x94: {  	_ =	strace s2  }
0x95: {  	s2 =	sld [smem:$0x3FFD];
	_ =	sdelay $0x3  }
0x96: {  	_ =	strace s2  }
0x97: {  	_ =	strace $0x8FFFFFFF  }
0x98: {  	s18 =	sld [smem:$0x3FDB];
	_ =	sdelay $0x1  }
0x99: {  	s19 =	simm.s32 $_scs_section_size  }
0x9a: {  	s4 =	simm.s32 $_size__tile_overlayer_lowered;
	s5 =	simm.s32 $_tile_overlayer_lowered  }
0x9b: {  	s22 =	simm.s32 $0x1BFF;
	s21 =	sshll.u32 s5, $0x1;
	s2 =	sadd.s32 s19, s18  }
0x9c: {  	s6 =	simm.s32 $0x0;
	s20 =	sshll.u32 s4, $0x1;
	s4 =	sadd.s32 s21, s2  }
0x9d: {  	[timem:s6], [sflag:s22] =	dma.local [hbm:s4], s20  }
0x9e: {  	_ =	swait.ge [sflag:s22], s20  }
0x9f: {  	s3 =	ssub.s32 $0x0, s20;
	[sflag:s22] =	ssyncset.done $0x0  }
0xa0: {  	[sflag:s22] =	ssyncadd.s32 s3;
	_ =	sdelay $0x1  }
0xa1: {  	s23 =	simm.s32 $0x1B8B  }
0xa2: {  	_ =	swait.ge [sflag:s23], $0x1  }
0xa3: {  	[sflag:s23] =	ssyncset.done $0x0  }
0xa4: {  	s25 =	simm.s32 $0x1B8E;
	s24 =	sld [smem:$0x3FFE];
	[sflag:s23] =	ssyncadd.s32 $0xFFFFFFFF  }
0xa5: {  	s26 =	simm.s32 $execute0_lowered;
	[smem:$0x3FD2] =	sst s25  }
0xa6: {  	s4 =	sshll.u32 s26, $0x1;
	_ =	strace $0x80000046;
	[dreg:$0x1] =	wrdreg $0xFFFFFFFF  }
0xa7: {  	s28 =	simm.s32 $_size_execute0_lowered;
	s2 =	sadd.s32 s2, s4;
	[dreg:$0x0] =	wrdreg $0x0  }
0xa8: {  	s4 =	sshll.u32 s28, $0x1;
	[dreg:$0x2] =	wrdreg s2  }
0xa9: {  	[dreg:$0x3] =	wrdreg s4  }
0xaa: {  	[dreg:$0x4] =	wrdreg $0xC0  }
0xab: {  	_ =	task [dreg:s6], $0x5FFFF  }
0xac: {  	[dreg:$0x1] =	wrdreg $0xFFFFFFFF  }
0xad: {  	[dreg:$0x0] =	wrdreg $0x60  }
0xae: {  	[dreg:$0x2] =	wrdreg s24  }
0xaf: {  	[dreg:$0x3] =	wrdreg $0x9  }
0xb0: {  	_ =	task.clear_ibuf [dreg:s6], $0x4FFFF;
	_ =	strace $0x90000046  }
0xb1: {  	s29 =	simm.s32 $0x9;
	_ =	strace $0x80000048  }
0xb2: {  	_ =	swait.ge [sflag:s29], $0x1  }
0xb3: {  	[sflag:s29] =	ssyncadd.s32 $0xFFFFFFFF  }
0xb4: {  	_ =	strace $0x90000048  }
0xb5: {  	_ =	sfence  }
0xb6: {  	s30 =	sld [smem:$0x0];
	_ =	sdelay $0x2  }
0xb7: {  	s31 =	sshll.u32 s1, $0xD;
	s1 =	sshrl.u32 s1, $0x2  }
0xb8: {  	s3 =	sand.u32 $0x4000, s31;
	s1 =	sadd.s32 s1, s30  }
0xb9: {  	s0 =	sor.u32 s3, s0;
	s1 =	sshll.u32 s1, $0x11  }
0xba: {  	s0 =	sor.u32 s1, s0  }
0xbb: {  	s0 =	sadd.s32 $0x8F2B, s0  }
0xbc: {  	[sflag:s0] =	ssyncadd.remote.s32 $0x1  }
0xbd: {  	_ =	sfence.sel $0xFFFF  }
0xbe: {  	[dreg:$0x0] =	wrdreg $0xFFFFFFFF;
	(pc) =	sbr.abs _section_cstart, $3  }
0xbf: {  	[dreg:$0x1] =	wrdreg $0xFFFFFFFF  }
0xc0: {  	_ =	task.clear_ibuf [dreg:s6], $0x2FFFF;
	_ =	strace $0x9FFFFFFF  }
0xc1: {  	(tm) =	ssettm $0x7FFFFFFF  }
tec
execute0_lowered:
.L_overlay_start_1:
0x0: {  	(tag) =	ssettag $0x1  }
0x1: {  	s0 =	srdreg.scid  }
0x2: {  	s2 =	stileid.u32;
	s1 =	rddreg [dreg:$0x0];
	s9 =	simm.s32 $0x1  }
0x3: {  	s10 =	simm.s32 $0x80;
	s12 =	simm.s32 $0x2700;
	s14 =	simm.s32 $0xF700  }
0x4: {  	s21 =	simm.s32 $0x2500;
	s22 =	simm.s32 $0x1A700;
	s23 =	simm.s32 $0x1880  }
0x5: {  	s24 =	simm.s32 $0xDF00;
	s25 =	simm.s32 $0x2580;
	s28 =	simm.s32 $0x1900  }
0x6: {  	s29 =	simm.s32 $0xE700;
	s30 =	simm.s32 $0x2600;
	s31 =	simm.s32 $0x1B700  }
0x7: {  	s11 =	simm.s32 $0x2680;
	s13 =	simm.s32 $0x1BF00;
	s15 =	simm.s32 $0x2  }
0x8: {  	s16 =	simm.s32 $0x3;
	s0 =	sand.u32 $0x1, s0;
	s3 =	sshll.u32 s2, $0x1  }
0x9: {  	s17 =	simm.s32 $0x0;
	s2 =	simm.s32 $0x0;
	s3 =	sor.u32 s0, s3  }
0xa: {  	[smem:$0x7FF] =	sst s2;
	s0 =	ssub.s32 $0x2, s0;
	s4 =	smul.u32 $0x1A0, s3  }
0xb: {  	_ =	strace $0x80000047;
	s5 =	smul.u32 $0x1A00, s3;
	s26 =	sshrl.u32 s0, $0x1  }
0xc: {  	s3 =	sadd.s32 $0x5400, s1;
	s0 =	ssub.s32 s0, s26;
	s26 =	simm.s32 $0x1AF00  }
0xd: {  	s6 =	sadd.s32 s4, s1;
	s4 =	sadd.s32 $0x205400, s1;
	s1 =	sadd.s32 s5, s1  }
0xe: {  	s8 =	smax.u32 s0, $0x1;
	s5 =	sadd.s32 $0x2000, s6;
	s6 =	sadd.s32 $0x225400, s1  }
0xf: {  	s0 =	simm.s32 $0xEF00;
	s7 =	sadd.s32 $0x259400, s1;
	s1 =	simm.s32 $0x1980  }
.LBB2_1:
0x10: {  	[tilespmem:s2], [sflag:$0x1] =	stream.linear.gather [hbm4b:s5+s2], $0xD00, $0x38;
	[tilespmem:$0x1C700] =	vst v63  }
0x11: {  	_ =	swait.ge [sflag:s9], $0xD00  }
0x12: {  	[sflag:s9] =	ssyncset.done $0x0  }
0x13: {  	s18 =	simm.s32 $0x0;
	[sflag:s9] =	ssyncadd.s32 $0xFFFFF300  }
0x14: {  	v5 =	vld [tilespmem:s18+$0x70]  }
0x15: {  	v6 =	vld [tilespmem:s18+$0x0]  }
0x16: {  	v0 =	vld [tilespmem:s18+$0x20]  }
0x17: {  	v1 =	vld [tilespmem:s18+$0x10]  }
0x18: {  	v2 =	vld [tilespmem:s18+$0x30]  }
0x19: {  	v3 =	vld [tilespmem:s18+$0x40];
	v7 =	vshll.u32 v5, $0x3;
	v14 =	vshrl.u32 v5, $0x4  }
0x1a: {  	v4 =	vld [tilespmem:s18+$0x50];
	v8 =	vand.u32 $0xFFFF0000, v5;
	v9 =	vshrl.u32 v5, $0xD;
	v10 =	vshll.u32 v6, $0x3  }
0x1b: {  	v11 =	vshll.u32 v0, $0x3;
	v12 =	vand.u32 $0xFFFF0000, v6;
	v17 =	vshrl.u32 v6, $0xD  }
0x1c: {  	v13 =	vand.u32 $0xFFFF0000, v1;
	v19 =	vshrl.u32 v1, $0xD;
	v21 =	vand.u32 $0xFFFF0000, v0  }
0x1d: {  	v22 =	vshrl.u32 v0, $0xD;
	v23 =	vand.u32 $0xFFFF0000, v2;
	v24 =	vshrl.u32 v2, $0xD  }
0x1e: {  	v25 =	vand.u32 $0xFFFF0000, v3;
	v26 =	vshrl.u32 v3, $0xD;
	v7 =	vand.u32 $0xFFF8, v7  }
0x1f: {  	v5 =	vld [tilespmem:s18+$0x60];
	v27 =	vand.u32 $0xFFFF0000, v4;
	v7 =	vor.u32 v8, v7;
	v8 =	vand.u32 $0x7, v9  }
0x20: {  	v28 =	vshrl.u32 v4, $0xD;
	v9 =	vshll.u32 v1, $0x3;
	v15 =	vor.u32 v8, v7  }
0x21: {  	v7 =	vand.u32 $0xFFF8, v10;
	v8 =	vand.u32 $0xFFF8, v9;
	v9 =	vshll.u32 v2, $0x3  }
0x22: {  	v10 =	vand.u32 $0xFFF8, v11;
	v11 =	vshll.u32 v3, $0x3;
	v9 =	vand.u32 $0xFFF8, v9  }
0x23: {  	v16 =	vand.u32 $0xFFF8, v11;
	v11 =	vshll.u32 v4, $0x3;
	v12 =	vor.u32 v12, v7  }
0x24: {  	[tilespmem:s18+$0xD70] =	vst v15;
	v15 =	vand.u32 $0x7, v24;
	v18 =	vand.u32 $0xFFF8, v11;
	v11 =	vshll.u32 v5, $0x3  }
0x25: {  	v7 =	vand.u32 $0xFFFF0000, v5;
	v29 =	vshrl.u32 v5, $0xD;
	v9 =	vor.u32 v23, v9  }
0x26: {  	v20 =	vand.u32 $0xFFF8, v11;
	v11 =	vor.u32 v13, v8;
	v13 =	vor.u32 v21, v10  }
0x27: {  	v8 =	vor.u32 v25, v16;
	v16 =	vand.u32 $0x7, v17;
	v10 =	vor.u32 v27, v18  }
0x28: {  	[tilespmem:s18+$0x1A70] =	vst v14;
	v17 =	vand.u32 $0x7, v22;
	v18 =	vand.u32 $0x7, v26;
	v14 =	vand.u32 $0x7, v29  }
0x29: {  	s19 =	simm.s32 $0x80;
	s20 =	simm.s32 $0x400;
	v7 =	vor.u32 v7, v20;
	v20 =	vand.u32 $0x7, v19;
	v19 =	vand.u32 $0x7, v28  }
.LBB2_2:
0x2a: {  	p0 =	sne.s32 s20, $0x3200;
	v21 =	vld [tilespmem:s19+$0x70];
	v12 =	vor.u32 v16, v12;
	v11 =	vor.u32 v20, v11;
	v13 =	vor.u32 v17, v13  }
0x2b: {  	v9 =	vor.u32 v15, v9;
	v8 =	vor.u32 v18, v8;
	v10 =	vor.u32 v19, v10;
	v16 =	vld [tilespmem:s19+$0x0];
	[tilespmem:s18+$0xD00] =	vst v12  }
0x2c: {  	v7 =	vor.u32 v14, v7;
	v12 =	vshrl.u32 v6, $0x4;
	[tilespmem:s18+$0xD10] =	vst v11;
	v11 =	vshrl.u32 v1, $0x4;
	v1 =	vld [tilespmem:s19+$0x10]  }
0x2d: {  	v14 =	vshrl.u32 v2, $0x4;
	v15 =	vshrl.u32 v3, $0x4;
	[tilespmem:s18+$0xD20] =	vst v13;
	v13 =	vshrl.u32 v0, $0x4;
	v0 =	vld [tilespmem:s19+$0x20]  }
0x2e: {  	v17 =	vshrl.u32 v5, $0x4;
	v2 =	vld [tilespmem:s19+$0x30];
	[tilespmem:s18+$0xD30] =	vst v9;
	v9 =	vshrl.u32 v4, $0x4  }
0x2f: {  	v3 =	vld [tilespmem:s19+$0x40];
	v5 =	vshll.u32 v21, $0x3;
	v18 =	vshrl.u32 v21, $0x4;
	[tilespmem:s18+$0xD40] =	vst v8  }
0x30: {  	v8 =	vand.u32 $0xFFFF0000, v21;
	v20 =	vshrl.u32 v21, $0xD;
	v4 =	vld [tilespmem:s19+$0x50];
	v19 =	vand.u32 $0xFFF8, v5;
	[tilespmem:s18+$0xD50] =	vst v10;
	v6 =	vmovc v16  }
0x31: {  	v16 =	vand.u32 $0x7, v20;
	v10 =	vshll.u32 v6, $0x3;
	v5 =	vld [tilespmem:s19+$0x60];
	v8 =	vor.u32 v8, v19;
	[tilespmem:s18+$0xD60] =	vst v7  }
0x32: {  	v7 =	vshll.u32 v1, $0x3;
	v19 =	vshll.u32 v0, $0x3;
	v8 =	vor.u32 v16, v8;
	[tilespmem:s18+$0x1A00] =	vst v12  }
0x33: {  	v10 =	vand.u32 $0xFFF8, v10;
	v7 =	vand.u32 $0xFFF8, v7;
	v12 =	vshll.u32 v2, $0x3;
	[tilespmem:s19+$0xD70] =	vst v8  }
0x34: {  	v8 =	vand.u32 $0xFFF8, v19;
	v16 =	vand.u32 $0xFFF8, v12;
	v12 =	vshll.u32 v3, $0x3;
	[tilespmem:s18+$0x1A10] =	vst v11  }
0x35: {  	v11 =	vand.u32 $0xFFFF0000, v6;
	v19 =	vand.u32 $0xFFF8, v12;
	v12 =	vshll.u32 v4, $0x3;
	[tilespmem:s18+$0x1A20] =	vst v13  }
0x36: {  	v20 =	vshrl.u32 v6, $0xD;
	v21 =	vand.u32 $0xFFF8, v12;
	v12 =	vshll.u32 v5, $0x3;
	[tilespmem:s18+$0x1A30] =	vst v14  }
0x37: {  	v13 =	vand.u32 $0xFFFF0000, v1;
	v14 =	vshrl.u32 v1, $0xD;
	v22 =	vand.u32 $0xFFF8, v12;
	[tilespmem:s18+$0x1A40] =	vst v15  }
0x38: {  	v23 =	vshrl.u32 v0, $0xD;
	v24 =	vand.u32 $0xFFFF0000, v2;
	v15 =	vand.u32 $0xFFFF0000, v0;
	[tilespmem:s18+$0x1A50] =	vst v9  }
0x39: {  	v25 =	vshrl.u32 v2, $0xD;
	v26 =	vand.u32 $0xFFFF0000, v3;
	v27 =	vshrl.u32 v3, $0xD;
	[tilespmem:s18+$0x1A60] =	vst v17;
	s18 =	smov.u32 s19  }
0x3a: {  	v28 =	vshrl.u32 v4, $0xD;
	v29 =	vand.u32 $0xFFFF0000, v5;
	v17 =	vand.u32 $0xFFFF0000, v4;
	[tilespmem:s18+$0x1A70] =	vst v18  }
.Ltmp0:
0x3b: {  	v30 =	vshrl.u32 v5, $0xD;
	v12 =	vor.u32 v11, v10;
	v11 =	vor.u32 v13, v7;
	(pc) =	sbr.rel @p0 .LBB2_2-.Ltmp0, $4  }
0x3c: {  	v13 =	vor.u32 v15, v8;
	v9 =	vor.u32 v24, v16;
	v8 =	vor.u32 v26, v19  }
0x3d: {  	v16 =	vand.u32 $0x7, v20;
	v7 =	vor.u32 v29, v22;
	v10 =	vor.u32 v17, v21  }
0x3e: {  	v20 =	vand.u32 $0x7, v14;
	v15 =	vand.u32 $0x7, v25;
	v17 =	vand.u32 $0x7, v23  }
0x3f: {  	v19 =	vand.u32 $0x7, v28;
	v14 =	vand.u32 $0x7, v30;
	s19 =	sshra.s32 s20, $0x2;
	s20 =	sadd.s32 $0x200, s20;
	v18 =	vand.u32 $0x7, v27  }
0x40: {  	v21 =	vld [tilespmem:s19+$0x70];
	v12 =	vor.u32 v16, v12  }
0x41: {  	v16 =	vld [tilespmem:s19+$0x0];
	v11 =	vor.u32 v20, v11;
	[tilespmem:s18+$0xD00] =	vst v12  }
0x42: {  	v57 =	vor.u32 v17, v13;
	v12 =	vld [tilespmem:s19+$0x10];
	[tilespmem:s18+$0xD10] =	vst v11  }
0x43: {  	v9 =	vor.u32 v15, v9;
	v13 =	vld [tilespmem:s19+$0x20];
	[tilespmem:s18+$0xD20] =	vst v57  }
0x44: {  	v8 =	vor.u32 v18, v8;
	v11 =	vld [tilespmem:s19+$0x30];
	[tilespmem:s18+$0xD30] =	vst v9  }
0x45: {  	v10 =	vor.u32 v19, v10;
	v7 =	vor.u32 v14, v7;
	v9 =	vld [tilespmem:s19+$0x40];
	[tilespmem:s18+$0xD40] =	vst v8;
	v58 =	vshll.u32 v21, $0x3  }
0x46: {  	v60 =	vand.u32 $0xFFFF0000, v21;
	v61 =	vshrl.u32 v21, $0xD;
	v15 =	vld [tilespmem:s19+$0x50];
	v8 =	vand.u32 $0xFFF8, v58;
	[tilespmem:s18+$0xD50] =	vst v10  }
0x47: {  	v6 =	vshrl.u32 v6, $0x4;
	v29 =	vand.u32 $0x7, v61;
	v63 =	vld [tilespmem:s19+$0x60];
	v8 =	vor.u32 v60, v8;
	[tilespmem:s18+$0xD60] =	vst v7  }
0x48: {  	v1 =	vshrl.u32 v1, $0x4;
	v0 =	vshrl.u32 v0, $0x4;
	[tilespmem:s18+$0x1A00] =	vst v6;
	v8 =	vor.u32 v29, v8  }
0x49: {  	v2 =	vshrl.u32 v2, $0x4;
	v3 =	vshrl.u32 v3, $0x4;
	v4 =	vshrl.u32 v4, $0x4;
	[tilespmem:s19+$0xD70] =	vst v8  }
0x4a: {  	v5 =	vshrl.u32 v5, $0x4;
	v59 =	vshrl.u32 v21, $0x4;
	v62 =	vshll.u32 v16, $0x3;
	[tilespmem:s18+$0x1A10] =	vst v1  }
0x4b: {  	v37 =	vand.u32 $0xFFFF0000, v16;
	v39 =	vshrl.u32 v16, $0xD;
	v57 =	vshrl.u32 v16, $0x4;
	[tilespmem:s18+$0x1A20] =	vst v0  }
0x4c: {  	v32 =	vand.u32 $0xFFF8, v62;
	v30 =	vshll.u32 v12, $0x3;
	v41 =	vand.u32 $0xFFFF0000, v12;
	[tilespmem:s18+$0x1A30] =	vst v2  }
0x4d: {  	v22 =	vshrl.u32 v12, $0xD;
	v45 =	vor.u32 v37, v32;
	v58 =	vshrl.u32 v12, $0x4;
	[tilespmem:s18+$0x1A40] =	vst v3  }
0x4e: {  	v31 =	vshll.u32 v13, $0x3;
	v33 =	vand.u32 $0xFFF8, v30;
	v42 =	vand.u32 $0xFFFF0000, v13;
	[tilespmem:s18+$0x1A50] =	vst v4  }
0x4f: {  	v23 =	vshrl.u32 v13, $0xD;
	v47 =	vand.u32 $0x7, v22;
	v34 =	vshll.u32 v11, $0x3;
	[tilespmem:s18+$0x1A60] =	vst v5  }
0x50: {  	v35 =	vand.u32 $0xFFF8, v31;
	v24 =	vand.u32 $0xFFFF0000, v11;
	v43 =	vshrl.u32 v11, $0xD;
	[tilespmem:s19+$0x1A70] =	vst v59  }
0x51: {  	v48 =	vand.u32 $0x7, v23;
	v60 =	vshrl.u32 v11, $0x4;
	v17 =	vand.u32 $0xFFF8, v34;
	[tilespmem:s19+$0x1A00] =	vst v57  }
0x52: {  	v36 =	vshll.u32 v9, $0x3;
	v25 =	vand.u32 $0xFFFF0000, v9;
	v26 =	vshrl.u32 v9, $0xD;
	[tilespmem:s19+$0x1A10] =	vst v58  }
0x53: {  	v0 =	vor.u32 v41, v33;
	v1 =	vand.u32 $0x7, v39;
	v61 =	vshrl.u32 v9, $0x4;
	[tilespmem:s19+$0x1A30] =	vst v60  }
0x54: {  	v2 =	vor.u32 v42, v35;
	v3 =	vand.u32 $0x7, v43;
	v1 =	vor.u32 v1, v45;
	[tilespmem:s19+$0x1A40] =	vst v61  }
0x55: {  	v18 =	vand.u32 $0xFFF8, v36;
	v38 =	vshll.u32 v15, $0x3;
	v0 =	vor.u32 v47, v0;
	[tilespmem:s19+$0xD00] =	vst v1  }
0x56: {  	v44 =	vand.u32 $0xFFFF0000, v15;
	v27 =	vshrl.u32 v15, $0xD;
	v2 =	vor.u32 v48, v2;
	[tilespmem:s19+$0xD10] =	vst v0  }
0x57: {  	v49 =	vor.u32 v24, v17;
	v51 =	vand.u32 $0x7, v26;
	v59 =	vshrl.u32 v13, $0x4;
	[tilespmem:s19+$0xD20] =	vst v2  }
0x58: {  	v62 =	vshrl.u32 v15, $0x4;
	v20 =	vand.u32 $0xFFF8, v38;
	v40 =	vshll.u32 v63, $0x3;
	[tilespmem:s19+$0x1A20] =	vst v59  }
0x59: {  	v28 =	vand.u32 $0xFFFF0000, v63;
	v46 =	vshrl.u32 v63, $0xD;
	v1 =	vor.u32 v3, v49;
	[tilespmem:s19+$0x1A50] =	vst v62  }
0x5a: {  	v50 =	vor.u32 v25, v18;
	v53 =	vand.u32 $0x7, v27;
	v63 =	vshrl.u32 v63, $0x4;
	[tilespmem:s19+$0xD30] =	vst v1  }
0x5b: {  	v21 =	vand.u32 $0xFFF8, v40;
	v52 =	vor.u32 v44, v20;
	v0 =	vor.u32 v51, v50;
	[tilespmem:s19+$0x1A60] =	vst v63  }
0x5c: {  	v55 =	vand.u32 $0x7, v46;
	v54 =	vor.u32 v28, v21;
	v2 =	vor.u32 v53, v52;
	[tilespmem:s19+$0xD40] =	vst v0  }
0x5d: {  	v56 =	vor.u32 v55, v54;
	[tilespmem:s19+$0xD50] =	vst v2  }
0x5e: {  	[tilespmem:s19+$0xD60] =	vst v56;
	s19 =	simm.s32 $0xD00  }
0x5f: {  	[tilespmem:s12], [sflag:$0x2] =	stream.indirect.gather [hbm4b:s3+s10], $0x10, s19, s10, $0xb8;
	[tilespmem:$0x1C700] =	vst v63  }
0x60: {  	s20 =	simm.s32 $0x1A00  }
0x61: {  	[tilespmem:s14], [sflag:$0x3] =	stream.indirect.gather [hbm4b:s4+s10], $0x10, s20, s10, $0xb8;
	[tilespmem:$0x1C700] =	vst v63  }
0x62: {  	s19 =	simm.s32 $0xD80;
	s20 =	simm.s32 $0x2F00  }
0x63: {  	[tilespmem:s20], [sflag:$0x2] =	stream.indirect.gather [hbm4b:s3+s10], $0x10, s19, s10, $0xb8;
	[tilespmem:$0x1C700] =	vst v63  }
0x64: {  	s19 =	simm.s32 $0x1A80;
	s20 =	simm.s32 $0xFF00  }
0x65: {  	[tilespmem:s20], [sflag:$0x3] =	stream.indirect.gather [hbm4b:s4+s10], $0x10, s19, s10, $0xb8;
	[tilespmem:$0x1C700] =	vst v63  }
0x66: {  	s19 =	simm.s32 $0xE00;
	s20 =	simm.s32 $0x3700  }
0x67: {  	[tilespmem:s20], [sflag:$0x2] =	stream.indirect.gather [hbm4b:s3+s10], $0x10, s19, s10, $0xb8;
	[tilespmem:$0x1C700] =	vst v63  }
0x68: {  	s19 =	simm.s32 $0x1B00;
	s20 =	simm.s32 $0x10700  }
0x69: {  	[tilespmem:s20], [sflag:$0x3] =	stream.indirect.gather [hbm4b:s4+s10], $0x10, s19, s10, $0xb8;
	[tilespmem:$0x1C700] =	vst v63  }
0x6a: {  	s19 =	simm.s32 $0xE80;
	s20 =	simm.s32 $0x3F00  }
0x6b: {  	[tilespmem:s20], [sflag:$0x2] =	stream.indirect.gather [hbm4b:s3+s10], $0x10, s19, s10, $0xb8;
	[tilespmem:$0x1C700] =	vst v63  }
0x6c: {  	s19 =	simm.s32 $0x1B80;
	s20 =	simm.s32 $0x10F00  }
0x6d: {  	[tilespmem:s20], [sflag:$0x3] =	stream.indirect.gather [hbm4b:s4+s10], $0x10, s19, s10, $0xb8;
	[tilespmem:$0x1C700] =	vst v63  }
0x6e: {  	s19 =	simm.s32 $0xF00;
	s20 =	simm.s32 $0x4700  }
0x6f: {  	[tilespmem:s20], [sflag:$0x2] =	stream.indirect.gather [hbm4b:s3+s10], $0x10, s19, s10, $0xb8;
	[tilespmem:$0x1C700] =	vst v63  }
0x70: {  	s19 =	simm.s32 $0x1C00;
	s20 =	simm.s32 $0x11700  }
0x71: {  	[tilespmem:s20], [sflag:$0x3] =	stream.indirect.gather [hbm4b:s4+s10], $0x10, s19, s10, $0xb8;
	[tilespmem:$0x1C700] =	vst v63  }
0x72: {  	s19 =	simm.s32 $0xF80;
	s20 =	simm.s32 $0x4F00  }
0x73: {  	[tilespmem:s20], [sflag:$0x2] =	stream.indirect.gather [hbm4b:s3+s10], $0x10, s19, s10, $0xb8;
	[tilespmem:$0x1C700] =	vst v63  }
0x74: {  	s19 =	simm.s32 $0x1C80;
	s20 =	simm.s32 $0x11F00  }
0x75: {  	[tilespmem:s20], [sflag:$0x3] =	stream.indirect.gather [hbm4b:s4+s10], $0x10, s19, s10, $0xb8;
	[tilespmem:$0x1C700] =	vst v63  }
0x76: {  	s19 =	simm.s32 $0x1000;
	s20 =	simm.s32 $0x5700  }
0x77: {  	[tilespmem:s20], [sflag:$0x2] =	stream.indirect.gather [hbm4b:s3+s10], $0x10, s19, s10, $0xb8;
	[tilespmem:$0x1C700] =	vst v63  }
0x78: {  	s19 =	simm.s32 $0x1D00;
	s20 =	simm.s32 $0x12700  }
0x79: {  	[tilespmem:s20], [sflag:$0x3] =	stream.indirect.gather [hbm4b:s4+s10], $0x10, s19, s10, $0xb8;
	[tilespmem:$0x1C700] =	vst v63  }
0x7a: {  	s19 =	simm.s32 $0x1080;
	s20 =	simm.s32 $0x5F00  }
0x7b: {  	[tilespmem:s20], [sflag:$0x2] =	stream.indirect.gather [hbm4b:s3+s10], $0x10, s19, s10, $0xb8;
	[tilespmem:$0x1C700] =	vst v63  }
0x7c: {  	s19 =	simm.s32 $0x1D80;
	s20 =	simm.s32 $0x12F00  }
0x7d: {  	[tilespmem:s20], [sflag:$0x3] =	stream.indirect.gather [hbm4b:s4+s10], $0x10, s19, s10, $0xb8;
	[tilespmem:$0x1C700] =	vst v63  }
0x7e: {  	s19 =	simm.s32 $0x1100;
	s20 =	simm.s32 $0x6700  }
0x7f: {  	[tilespmem:s20], [sflag:$0x2] =	stream.indirect.gather [hbm4b:s3+s10], $0x10, s19, s10, $0xb8;
	[tilespmem:$0x1C700] =	vst v63  }
0x80: {  	s19 =	simm.s32 $0x1E00;
	s20 =	simm.s32 $0x13700  }
0x81: {  	[tilespmem:s20], [sflag:$0x3] =	stream.indirect.gather [hbm4b:s4+s10], $0x10, s19, s10, $0xb8;
	[tilespmem:$0x1C700] =	vst v63  }
0x82: {  	s19 =	simm.s32 $0x1180;
	s20 =	simm.s32 $0x6F00  }
0x83: {  	[tilespmem:s20], [sflag:$0x2] =	stream.indirect.gather [hbm4b:s3+s10], $0x10, s19, s10, $0xb8;
	[tilespmem:$0x1C700] =	vst v63  }
0x84: {  	s19 =	simm.s32 $0x1E80;
	s20 =	simm.s32 $0x13F00  }
0x85: {  	[tilespmem:s20], [sflag:$0x3] =	stream.indirect.gather [hbm4b:s4+s10], $0x10, s19, s10, $0xb8;
	[tilespmem:$0x1C700] =	vst v63  }
0x86: {  	s19 =	simm.s32 $0x1200;
	s20 =	simm.s32 $0x7700  }
0x87: {  	[tilespmem:s20], [sflag:$0x2] =	stream.indirect.gather [hbm4b:s3+s10], $0x10, s19, s10, $0xb8;
	[tilespmem:$0x1C700] =	vst v63  }
0x88: {  	s19 =	simm.s32 $0x1F00;
	s20 =	simm.s32 $0x14700  }
0x89: {  	[tilespmem:s20], [sflag:$0x3] =	stream.indirect.gather [hbm4b:s4+s10], $0x10, s19, s10, $0xb8;
	[tilespmem:$0x1C700] =	vst v63  }
0x8a: {  	s19 =	simm.s32 $0x1280;
	s20 =	simm.s32 $0x7F00  }
0x8b: {  	[tilespmem:s20], [sflag:$0x2] =	stream.indirect.gather [hbm4b:s3+s10], $0x10, s19, s10, $0xb8;
	[tilespmem:$0x1C700] =	vst v63  }
0x8c: {  	s19 =	simm.s32 $0x1F80;
	s20 =	simm.s32 $0x14F00  }
0x8d: {  	[tilespmem:s20], [sflag:$0x3] =	stream.indirect.gather [hbm4b:s4+s10], $0x10, s19, s10, $0xb8;
	[tilespmem:$0x1C700] =	vst v63  }
0x8e: {  	s19 =	simm.s32 $0x1300;
	s20 =	simm.s32 $0x8700  }
0x8f: {  	[tilespmem:s20], [sflag:$0x2] =	stream.indirect.gather [hbm4b:s3+s10], $0x10, s19, s10, $0xb8;
	[tilespmem:$0x1C700] =	vst v63  }
0x90: {  	s19 =	simm.s32 $0x2000;
	s20 =	simm.s32 $0x15700  }
0x91: {  	[tilespmem:s20], [sflag:$0x3] =	stream.indirect.gather [hbm4b:s4+s10], $0x10, s19, s10, $0xb8;
	[tilespmem:$0x1C700] =	vst v63  }
0x92: {  	s19 =	simm.s32 $0x1380;
	s20 =	simm.s32 $0x8F00  }
0x93: {  	[tilespmem:s20], [sflag:$0x2] =	stream.indirect.gather [hbm4b:s3+s10], $0x10, s19, s10, $0xb8;
	[tilespmem:$0x1C700] =	vst v63  }
0x94: {  	s19 =	simm.s32 $0x2080;
	s20 =	simm.s32 $0x15F00  }
0x95: {  	[tilespmem:s20], [sflag:$0x3] =	stream.indirect.gather [hbm4b:s4+s10], $0x10, s19, s10, $0xb8;
	[tilespmem:$0x1C700] =	vst v63  }
0x96: {  	s19 =	simm.s32 $0x1400;
	s20 =	simm.s32 $0x9700  }
0x97: {  	[tilespmem:s20], [sflag:$0x2] =	stream.indirect.gather [hbm4b:s3+s10], $0x10, s19, s10, $0xb8;
	[tilespmem:$0x1C700] =	vst v63  }
0x98: {  	s19 =	simm.s32 $0x2100;
	s20 =	simm.s32 $0x16700  }
0x99: {  	[tilespmem:s20], [sflag:$0x3] =	stream.indirect.gather [hbm4b:s4+s10], $0x10, s19, s10, $0xb8;
	[tilespmem:$0x1C700] =	vst v63  }
0x9a: {  	s19 =	simm.s32 $0x1480;
	s20 =	simm.s32 $0x9F00  }
0x9b: {  	[tilespmem:s20], [sflag:$0x2] =	stream.indirect.gather [hbm4b:s3+s10], $0x10, s19, s10, $0xb8;
	[tilespmem:$0x1C700] =	vst v63  }
0x9c: {  	s19 =	simm.s32 $0x2180;
	s20 =	simm.s32 $0x16F00  }
0x9d: {  	[tilespmem:s20], [sflag:$0x3] =	stream.indirect.gather [hbm4b:s4+s10], $0x10, s19, s10, $0xb8;
	[tilespmem:$0x1C700] =	vst v63  }
0x9e: {  	s19 =	simm.s32 $0x1500;
	s20 =	simm.s32 $0xA700  }
0x9f: {  	[tilespmem:s20], [sflag:$0x2] =	stream.indirect.gather [hbm4b:s3+s10], $0x10, s19, s10, $0xb8;
	[tilespmem:$0x1C700] =	vst v63  }
0xa0: {  	s19 =	simm.s32 $0x2200;
	s20 =	simm.s32 $0x17700  }
0xa1: {  	[tilespmem:s20], [sflag:$0x3] =	stream.indirect.gather [hbm4b:s4+s10], $0x10, s19, s10, $0xb8;
	[tilespmem:$0x1C700] =	vst v63  }
0xa2: {  	s19 =	simm.s32 $0x1580;
	s20 =	simm.s32 $0xAF00  }
0xa3: {  	[tilespmem:s20], [sflag:$0x2] =	stream.indirect.gather [hbm4b:s3+s10], $0x10, s19, s10, $0xb8;
	[tilespmem:$0x1C700] =	vst v63  }
0xa4: {  	s19 =	simm.s32 $0x2280;
	s20 =	simm.s32 $0x17F00  }
0xa5: {  	[tilespmem:s20], [sflag:$0x3] =	stream.indirect.gather [hbm4b:s4+s10], $0x10, s19, s10, $0xb8;
	[tilespmem:$0x1C700] =	vst v63  }
0xa6: {  	s19 =	simm.s32 $0x1600;
	s20 =	simm.s32 $0xB700  }
0xa7: {  	[tilespmem:s20], [sflag:$0x2] =	stream.indirect.gather [hbm4b:s3+s10], $0x10, s19, s10, $0xb8;
	[tilespmem:$0x1C700] =	vst v63  }
0xa8: {  	s19 =	simm.s32 $0x2300;
	s20 =	simm.s32 $0x18700  }
0xa9: {  	[tilespmem:s20], [sflag:$0x3] =	stream.indirect.gather [hbm4b:s4+s10], $0x10, s19, s10, $0xb8;
	[tilespmem:$0x1C700] =	vst v63  }
0xaa: {  	s19 =	simm.s32 $0x1680;
	s20 =	simm.s32 $0xBF00  }
0xab: {  	[tilespmem:s20], [sflag:$0x2] =	stream.indirect.gather [hbm4b:s3+s10], $0x10, s19, s10, $0xb8;
	[tilespmem:$0x1C700] =	vst v63  }
0xac: {  	s19 =	simm.s32 $0x2380;
	s20 =	simm.s32 $0x18F00  }
0xad: {  	[tilespmem:s20], [sflag:$0x3] =	stream.indirect.gather [hbm4b:s4+s10], $0x10, s19, s10, $0xb8;
	[tilespmem:$0x1C700] =	vst v63  }
0xae: {  	s19 =	simm.s32 $0x1700;
	s20 =	simm.s32 $0xC700  }
0xaf: {  	[tilespmem:s20], [sflag:$0x2] =	stream.indirect.gather [hbm4b:s3+s10], $0x10, s19, s10, $0xb8;
	[tilespmem:$0x1C700] =	vst v63  }
0xb0: {  	s19 =	simm.s32 $0x2400;
	s20 =	simm.s32 $0x19700  }
0xb1: {  	[tilespmem:s20], [sflag:$0x3] =	stream.indirect.gather [hbm4b:s4+s10], $0x10, s19, s10, $0xb8;
	[tilespmem:$0x1C700] =	vst v63  }
0xb2: {  	s19 =	simm.s32 $0x1780;
	s20 =	simm.s32 $0xCF00  }
0xb3: {  	[tilespmem:s20], [sflag:$0x2] =	stream.indirect.gather [hbm4b:s3+s10], $0x10, s19, s10, $0xb8;
	[tilespmem:$0x1C700] =	vst v63  }
0xb4: {  	s19 =	simm.s32 $0x2480;
	s20 =	simm.s32 $0x19F00  }
0xb5: {  	[tilespmem:s20], [sflag:$0x3] =	stream.indirect.gather [hbm4b:s4+s10], $0x10, s19, s10, $0xb8;
	[tilespmem:$0x1C700] =	vst v63  }
0xb6: {  	s19 =	simm.s32 $0x1800;
	s20 =	simm.s32 $0xD700  }
0xb7: {  	[tilespmem:s20], [sflag:$0x2] =	stream.indirect.gather [hbm4b:s3+s10], $0x10, s19, s10, $0xb8;
	[tilespmem:$0x1C700] =	vst v63  }
0xb8: {  	_ = 	snop  }
0xb9: {  	[tilespmem:s22], [sflag:$0x3] =	stream.indirect.gather [hbm4b:s4+s10], $0x10, s21, s10, $0xb8;
	[tilespmem:$0x1C700] =	vst v63  }
0xba: {  	_ = 	snop  }
0xbb: {  	[tilespmem:s24], [sflag:$0x2] =	stream.indirect.gather [hbm4b:s3+s10], $0x10, s23, s10, $0xb8;
	[tilespmem:$0x1C700] =	vst v63  }
0xbc: {  	_ = 	snop  }
0xbd: {  	[tilespmem:s26], [sflag:$0x3] =	stream.indirect.gather [hbm4b:s4+s10], $0x10, s25, s10, $0xb8;
	[tilespmem:$0x1C700] =	vst v63  }
0xbe: {  	_ = 	snop  }
0xbf: {  	[tilespmem:s29], [sflag:$0x2] =	stream.indirect.gather [hbm4b:s3+s10], $0x10, s28, s10, $0xb8;
	[tilespmem:$0x1C700] =	vst v63  }
0xc0: {  	_ = 	snop  }
0xc1: {  	[tilespmem:s31], [sflag:$0x3] =	stream.indirect.gather [hbm4b:s4+s10], $0x10, s30, s10, $0xb8;
	[tilespmem:$0x1C700] =	vst v63  }
0xc2: {  	_ = 	snop  }
0xc3: {  	[tilespmem:s0], [sflag:$0x2] =	stream.indirect.gather [hbm4b:s3+s10], $0x10, s1, s10, $0xb8;
	[tilespmem:$0x1C700] =	vst v63  }
0xc4: {  	_ = 	snop  }
0xc5: {  	[tilespmem:s13], [sflag:$0x3] =	stream.indirect.gather [hbm4b:s4+s10], $0x10, s11, s10, $0xb8;
	[tilespmem:$0x1C700] =	vst v63  }
0xc6: {  	_ =	swait.ge [sflag:s15], $0x800  }
0xc7: {  	[sflag:s15] =	ssyncset.done $0x0  }
0xc8: {  	[sflag:s15] =	ssyncadd.s32 $0xFFFFF800  }
0xc9: {  	_ =	swait.ge [sflag:s16], $0x800  }
0xca: {  	[sflag:s16] =	ssyncset.done $0x0  }
0xcb: {  	[sflag:s16] =	ssyncadd.s32 $0xFFFFF800  }
0xcc: {  	_ =	swait.ge [sflag:s15], $0x800  }
0xcd: {  	[sflag:s15] =	ssyncset.done $0x0  }
0xce: {  	[sflag:s15] =	ssyncadd.s32 $0xFFFFF800  }
0xcf: {  	_ =	swait.ge [sflag:s16], $0x800  }
0xd0: {  	[sflag:s16] =	ssyncset.done $0x0  }
0xd1: {  	[sflag:s16] =	ssyncadd.s32 $0xFFFFF800  }
0xd2: {  	_ =	swait.ge [sflag:s15], $0x800  }
0xd3: {  	[sflag:s15] =	ssyncset.done $0x0  }
0xd4: {  	[sflag:s15] =	ssyncadd.s32 $0xFFFFF800  }
0xd5: {  	_ =	swait.ge [sflag:s16], $0x800  }
0xd6: {  	[sflag:s16] =	ssyncset.done $0x0  }
0xd7: {  	[sflag:s16] =	ssyncadd.s32 $0xFFFFF800  }
0xd8: {  	_ =	swait.ge [sflag:s15], $0x800  }
0xd9: {  	[sflag:s15] =	ssyncset.done $0x0  }
0xda: {  	[sflag:s15] =	ssyncadd.s32 $0xFFFFF800  }
0xdb: {  	_ =	swait.ge [sflag:s16], $0x800  }
0xdc: {  	[sflag:s16] =	ssyncset.done $0x0  }
0xdd: {  	[sflag:s16] =	ssyncadd.s32 $0xFFFFF800  }
0xde: {  	_ =	swait.ge [sflag:s15], $0x800  }
0xdf: {  	[sflag:s15] =	ssyncset.done $0x0  }
0xe0: {  	[sflag:s15] =	ssyncadd.s32 $0xFFFFF800  }
0xe1: {  	_ =	swait.ge [sflag:s16], $0x800  }
0xe2: {  	[sflag:s16] =	ssyncset.done $0x0  }
0xe3: {  	[sflag:s16] =	ssyncadd.s32 $0xFFFFF800  }
0xe4: {  	_ =	swait.ge [sflag:s15], $0x800  }
0xe5: {  	[sflag:s15] =	ssyncset.done $0x0  }
0xe6: {  	[sflag:s15] =	ssyncadd.s32 $0xFFFFF800  }
0xe7: {  	_ =	swait.ge [sflag:s16], $0x800  }
0xe8: {  	[sflag:s16] =	ssyncset.done $0x0  }
0xe9: {  	[sflag:s16] =	ssyncadd.s32 $0xFFFFF800  }
0xea: {  	_ =	swait.ge [sflag:s15], $0x800  }
0xeb: {  	[sflag:s15] =	ssyncset.done $0x0  }
0xec: {  	[sflag:s15] =	ssyncadd.s32 $0xFFFFF800  }
0xed: {  	_ =	swait.ge [sflag:s16], $0x800  }
0xee: {  	[sflag:s16] =	ssyncset.done $0x0  }
0xef: {  	[sflag:s16] =	ssyncadd.s32 $0xFFFFF800  }
0xf0: {  	_ =	swait.ge [sflag:s15], $0x800  }
0xf1: {  	[sflag:s15] =	ssyncset.done $0x0  }
0xf2: {  	[sflag:s15] =	ssyncadd.s32 $0xFFFFF800  }
0xf3: {  	_ =	swait.ge [sflag:s16], $0x800  }
0xf4: {  	[sflag:s16] =	ssyncset.done $0x0  }
0xf5: {  	[sflag:s16] =	ssyncadd.s32 $0xFFFFF800  }
0xf6: {  	_ =	swait.ge [sflag:s15], $0x800  }
0xf7: {  	[sflag:s15] =	ssyncset.done $0x0  }
0xf8: {  	[sflag:s15] =	ssyncadd.s32 $0xFFFFF800  }
0xf9: {  	_ =	swait.ge [sflag:s16], $0x800  }
0xfa: {  	[sflag:s16] =	ssyncset.done $0x0  }
0xfb: {  	[sflag:s16] =	ssyncadd.s32 $0xFFFFF800  }
0xfc: {  	_ =	swait.ge [sflag:s15], $0x800  }
0xfd: {  	[sflag:s15] =	ssyncset.done $0x0  }
0xfe: {  	[sflag:s15] =	ssyncadd.s32 $0xFFFFF800  }
0xff: {  	_ =	swait.ge [sflag:s16], $0x800  }
0x100: {  	[sflag:s16] =	ssyncset.done $0x0  }
0x101: {  	[sflag:s16] =	ssyncadd.s32 $0xFFFFF800  }
0x102: {  	_ =	swait.ge [sflag:s15], $0x800  }
0x103: {  	[sflag:s15] =	ssyncset.done $0x0  }
0x104: {  	[sflag:s15] =	ssyncadd.s32 $0xFFFFF800  }
0x105: {  	_ =	swait.ge [sflag:s16], $0x800  }
0x106: {  	[sflag:s16] =	ssyncset.done $0x0  }
0x107: {  	[sflag:s16] =	ssyncadd.s32 $0xFFFFF800  }
0x108: {  	_ =	swait.ge [sflag:s15], $0x800  }
0x109: {  	[sflag:s15] =	ssyncset.done $0x0  }
0x10a: {  	[sflag:s15] =	ssyncadd.s32 $0xFFFFF800  }
0x10b: {  	_ =	swait.ge [sflag:s16], $0x800  }
0x10c: {  	[sflag:s16] =	ssyncset.done $0x0  }
0x10d: {  	[sflag:s16] =	ssyncadd.s32 $0xFFFFF800  }
0x10e: {  	_ =	swait.ge [sflag:s15], $0x800  }
0x10f: {  	[sflag:s15] =	ssyncset.done $0x0  }
0x110: {  	[sflag:s15] =	ssyncadd.s32 $0xFFFFF800  }
0x111: {  	_ =	swait.ge [sflag:s16], $0x800  }
0x112: {  	[sflag:s16] =	ssyncset.done $0x0  }
0x113: {  	[sflag:s16] =	ssyncadd.s32 $0xFFFFF800  }
0x114: {  	_ =	swait.ge [sflag:s15], $0x800  }
0x115: {  	[sflag:s15] =	ssyncset.done $0x0  }
0x116: {  	[sflag:s15] =	ssyncadd.s32 $0xFFFFF800  }
0x117: {  	_ =	swait.ge [sflag:s16], $0x800  }
0x118: {  	[sflag:s16] =	ssyncset.done $0x0  }
0x119: {  	[sflag:s16] =	ssyncadd.s32 $0xFFFFF800  }
0x11a: {  	_ =	swait.ge [sflag:s15], $0x800  }
0x11b: {  	[sflag:s15] =	ssyncset.done $0x0  }
0x11c: {  	[sflag:s15] =	ssyncadd.s32 $0xFFFFF800  }
0x11d: {  	_ =	swait.ge [sflag:s16], $0x800  }
0x11e: {  	[sflag:s16] =	ssyncset.done $0x0  }
0x11f: {  	[sflag:s16] =	ssyncadd.s32 $0xFFFFF800  }
0x120: {  	_ =	swait.ge [sflag:s15], $0x800  }
0x121: {  	[sflag:s15] =	ssyncset.done $0x0  }
0x122: {  	[sflag:s15] =	ssyncadd.s32 $0xFFFFF800  }
0x123: {  	_ =	swait.ge [sflag:s16], $0x800  }
0x124: {  	[sflag:s16] =	ssyncset.done $0x0  }
0x125: {  	[sflag:s16] =	ssyncadd.s32 $0xFFFFF800  }
0x126: {  	_ =	swait.ge [sflag:s15], $0x800  }
0x127: {  	[sflag:s15] =	ssyncset.done $0x0  }
0x128: {  	[sflag:s15] =	ssyncadd.s32 $0xFFFFF800  }
0x129: {  	_ =	swait.ge [sflag:s16], $0x800  }
0x12a: {  	[sflag:s16] =	ssyncset.done $0x0  }
0x12b: {  	[sflag:s16] =	ssyncadd.s32 $0xFFFFF800  }
0x12c: {  	_ =	swait.ge [sflag:s15], $0x800  }
0x12d: {  	[sflag:s15] =	ssyncset.done $0x0  }
0x12e: {  	[sflag:s15] =	ssyncadd.s32 $0xFFFFF800  }
0x12f: {  	_ =	swait.ge [sflag:s16], $0x800  }
0x130: {  	[sflag:s16] =	ssyncset.done $0x0  }
0x131: {  	[sflag:s16] =	ssyncadd.s32 $0xFFFFF800  }
0x132: {  	_ =	swait.ge [sflag:s15], $0x800  }
0x133: {  	[sflag:s15] =	ssyncset.done $0x0  }
0x134: {  	[sflag:s15] =	ssyncadd.s32 $0xFFFFF800  }
0x135: {  	_ =	swait.ge [sflag:s16], $0x800  }
0x136: {  	[sflag:s16] =	ssyncset.done $0x0  }
0x137: {  	[sflag:s16] =	ssyncadd.s32 $0xFFFFF800  }
0x138: {  	_ =	swait.ge [sflag:s15], $0x800  }
0x139: {  	[sflag:s15] =	ssyncset.done $0x0  }
0x13a: {  	[sflag:s15] =	ssyncadd.s32 $0xFFFFF800  }
0x13b: {  	_ =	swait.ge [sflag:s16], $0x800  }
0x13c: {  	[sflag:s16] =	ssyncset.done $0x0  }
0x13d: {  	[sflag:s16] =	ssyncadd.s32 $0xFFFFF800  }
0x13e: {  	_ =	swait.ge [sflag:s15], $0x800  }
0x13f: {  	[sflag:s15] =	ssyncset.done $0x0  }
0x140: {  	[sflag:s15] =	ssyncadd.s32 $0xFFFFF800  }
0x141: {  	_ =	swait.ge [sflag:s16], $0x800  }
0x142: {  	[sflag:s16] =	ssyncset.done $0x0  }
0x143: {  	[sflag:s16] =	ssyncadd.s32 $0xFFFFF800  }
0x144: {  	_ =	swait.ge [sflag:s15], $0x800  }
0x145: {  	[sflag:s15] =	ssyncset.done $0x0  }
0x146: {  	[sflag:s15] =	ssyncadd.s32 $0xFFFFF800  }
0x147: {  	_ =	swait.ge [sflag:s16], $0x800  }
0x148: {  	[sflag:s16] =	ssyncset.done $0x0  }
0x149: {  	[sflag:s16] =	ssyncadd.s32 $0xFFFFF800  }
0x14a: {  	_ =	swait.ge [sflag:s15], $0x800  }
0x14b: {  	[sflag:s15] =	ssyncset.done $0x0  }
0x14c: {  	[sflag:s15] =	ssyncadd.s32 $0xFFFFF800  }
0x14d: {  	_ =	swait.ge [sflag:s16], $0x800  }
0x14e: {  	[sflag:s16] =	ssyncset.done $0x0  }
0x14f: {  	[sflag:s16] =	ssyncadd.s32 $0xFFFFF800  }
0x150: {  	_ =	swait.ge [sflag:s15], $0x800  }
0x151: {  	[sflag:s15] =	ssyncset.done $0x0  }
0x152: {  	[sflag:s15] =	ssyncadd.s32 $0xFFFFF800  }
0x153: {  	_ =	swait.ge [sflag:s16], $0x800  }
0x154: {  	[sflag:s16] =	ssyncset.done $0x0  }
0x155: {  	[sflag:s16] =	ssyncadd.s32 $0xFFFFF800  }
0x156: {  	_ =	swait.ge [sflag:s15], $0x800  }
0x157: {  	[sflag:s15] =	ssyncset.done $0x0  }
0x158: {  	[sflag:s15] =	ssyncadd.s32 $0xFFFFF800  }
0x159: {  	_ =	swait.ge [sflag:s16], $0x800  }
0x15a: {  	[sflag:s16] =	ssyncset.done $0x0  }
0x15b: {  	[sflag:s16] =	ssyncadd.s32 $0xFFFFF800  }
0x15c: {  	_ =	swait.ge [sflag:s15], $0x800  }
0x15d: {  	[sflag:s15] =	ssyncset.done $0x0  }
0x15e: {  	[sflag:s15] =	ssyncadd.s32 $0xFFFFF800  }
0x15f: {  	_ =	swait.ge [sflag:s16], $0x800  }
0x160: {  	[sflag:s16] =	ssyncset.done $0x0  }
0x161: {  	[sflag:s16] =	ssyncadd.s32 $0xFFFFF800  }
0x162: {  	[hbm4b:s6+s2] =	stream.linear.scatter [tilespmem:s12], [sflag:$0x2], $0xD000, $0x38;
	[tilespmem:$0x1C700] =	vst v63  }
0x163: {  	s17 =	sadd.s32 $0x1, s17;
	_ =	swait.ge [sflag:s15], $0xD000  }
0x164: {  	p0 =	sne.s32 s17, s8;
	[sflag:s15] =	ssyncset.done $0x0  }
.Ltmp1:
0x165: {  	[sflag:s15] =	ssyncadd.s32 $0xFFFF3000;
	(pc) =	sbr.rel @p0 .LBB2_1-.Ltmp1, $4  }
0x166: {  	[hbm4b:s7+s2] =	stream.linear.scatter [tilespmem:s14], [sflag:$0x3], $0xD000, $0x38;
	[tilespmem:$0x1C700] =	vst v63  }
0x167: {  	_ =	swait.ge [sflag:s16], $0xD000  }
0x168: {  	[sflag:s16] =	ssyncset.done $0x0  }
0x169: {  	[sflag:s16] =	ssyncadd.s32 $0xFFFF3000  }
0x16a: {  	_ =	sfence.sel $0x180000  }
0x16b: {  	[bflag:$0x0] =	sbarrier.arrive $0xFFFF  }
0x16c: {  	_ =	strace $0x90000047  }
0x16d: {  	s0 =	stileid.u32;
	[bflag:$0x2] =	sbarrier.arrive $0xFFFF  }
0x16e: {  	p0 =	sne.s32 s0, $0x0;
	s0 =	rddreg [dreg:$0x1]  }
0x16f: {  	s0 =	sadd.s32 @!p0 $0x100000, s0  }
0x170: {  	[sflag:s0] =	ssyncadd.tile.s32 @!p0 $0x1;
	_ =	shalt  }
.Lfunc_end2:
_tile_overlayer_lowered:
.L_overlay_start_2:
0x171: {  	(tag) =	ssettag $0x2  }
0x172: {  	s0 =	rddreg [dreg:$0x0];
	s2 =	stileid.u32  }
0x173: {  	s1 =	rddreg [dreg:$0x1];
	p0 =	sne.s32 s2, $0x0  }
0x174: {  	s3 =	rddreg [dreg:$0x2];
	[bflag:$0x3] =	sbarrier.arrive $0xFFFF;
	s2 =	simm.s32 @!p0 $0x1C04  }
0x175: {  	[timem:s3], [sflag:s2] =	dma.local @!p0 [hbm:s0], s1  }
0x176: {  	s0 =	simm.s32 @!p0 $0x4  }
0x177: {  	_ =	swait.ge @!p0 [sflag:s0], s1  }
0x178: {  	s1 =	ssub.s32 @!p0 $0x0, s1;
	[sflag:s0] =	ssyncset.done @!p0 $0x0  }
0x179: {  	[sflag:s0] =	ssyncadd.s32 @!p0 s1  }
0x17a: {  	[bflag:$0x3] =	sbarrier.arrive $0xFFFF  }
0x17b: {  	_ =	shalt  }

</sc_bundles>
